<compile_context>
chip_gen: v7x
topology: tpu7x:2x2x1
jax: 0.10.2.dev20260603
libtpu: 0.0.44.dev20260713+nightly
codegen_flags: <defaults>
</compile_context>

<pallas_src>
import functools

import jax
import jax.numpy as jnp
from jax import lax
from jax.experimental import pallas as pl
from jax.experimental.pallas import tpu as pltpu
from jax.experimental.pallas import tpu_sc as plsc

INV_T = 20.0

N_ROWS = 4096
N_COLS = 16384
LANES = 16
VECS_PER_ROW = N_COLS // LANES

_info = plsc.get_sparse_core_info()
NC, NS = _info.num_cores, _info.num_subcores
NW = NC * NS

N_SC = 1280
R_TC = N_ROWS - N_SC
ROWS_PER_W = N_SC // NW
TC_BLK = 128


CHUNK = 2


def _row_reduce(buf, mbuf, sbuf, r):

    def max_body(i, acc):
        return jnp.maximum(acc, buf[pl.ds(i * LANES, LANES)])

    ml = lax.fori_loop(
        0, VECS_PER_ROW, max_body,
        jnp.full((LANES,), -3e38, jnp.float32), unroll=16,
    )

    def sum_body(i, s):
        v = buf[pl.ds(i * LANES, LANES)]
        return s + jnp.exp((v - ml) * INV_T)

    sl = lax.fori_loop(
        0, VECS_PER_ROW, sum_body,
        jnp.zeros((LANES,), jnp.float32), unroll=16,
    )
    mbuf[r, :] = ml
    sbuf[r, :] = sl


def _sc_body(neg_hbm, m_hbm, s_hbm, buf0, buf1, mbuf, sbuf, sem0, sem1):
    wid = lax.axis_index("s") * NC + lax.axis_index("c")
    base = wid * ROWS_PER_W

    def _start(row, buf, sem):
        pltpu.make_async_copy(neg_hbm.at[pl.ds(row, CHUNK)], buf, sem).start()

    def _wait(buf, sem):
        pltpu.make_async_copy(neg_hbm.at[pl.ds(0, CHUNK)], buf, sem).wait()

    _start(base, buf0, sem0)

    def pair_body(g, carry):
        r0 = 2 * CHUNK * g
        _wait(buf0, sem0)
        _start(base + r0 + CHUNK, buf1, sem1)
        for j in range(CHUNK):
            _row_reduce(buf0.at[j], mbuf, sbuf, r0 + j)
        _wait(buf1, sem1)

        @pl.when(r0 + 2 * CHUNK < ROWS_PER_W)
        def _():
            _start(base + r0 + 2 * CHUNK, buf0, sem0)

        for j in range(CHUNK):
            _row_reduce(buf1.at[j], mbuf, sbuf, r0 + CHUNK + j)
        return carry

    lax.fori_loop(0, ROWS_PER_W // (2 * CHUNK), pair_body, 0)
    pltpu.sync_copy(mbuf, m_hbm.at[pl.ds(base, ROWS_PER_W)])
    pltpu.sync_copy(sbuf, s_hbm.at[pl.ds(base, ROWS_PER_W)])


_sc_reduce = functools.partial(
    pl.kernel,
    out_type=[
        jax.ShapeDtypeStruct((N_SC, LANES), jnp.float32),
        jax.ShapeDtypeStruct((N_SC, LANES), jnp.float32),
    ],
    mesh=plsc.VectorSubcoreMesh(core_axis_name="c", subcore_axis_name="s"),
    scratch_types=[
        pltpu.VMEM((CHUNK, N_COLS), jnp.float32),
        pltpu.VMEM((CHUNK, N_COLS), jnp.float32),
        pltpu.VMEM((ROWS_PER_W, LANES), jnp.float32),
        pltpu.VMEM((ROWS_PER_W, LANES), jnp.float32),
        pltpu.SemaphoreType.DMA,
        pltpu.SemaphoreType.DMA,
    ],
)(_sc_body)


def _tc_reduce_body(x_ref, m_ref, s_ref):
    x = x_ref[...]
    m = jnp.max(x, axis=1)
    s = jnp.sum(jnp.exp((x - m[:, None]) * INV_T), axis=1)
    m_ref[...] = m[:, None]
    s_ref[...] = s[:, None]


_tc_reduce = pl.pallas_call(
    _tc_reduce_body,
    grid=(R_TC // TC_BLK,),
    in_specs=[
        pl.BlockSpec((TC_BLK, N_COLS), lambda k: (k + N_SC // TC_BLK, 0)),
    ],
    out_specs=[
        pl.BlockSpec((TC_BLK, 1), lambda k: (k, 0)),
        pl.BlockSpec((TC_BLK, 1), lambda k: (k, 0)),
    ],
    out_shape=[
        jax.ShapeDtypeStruct((R_TC, 1), jnp.float32),
        jax.ShapeDtypeStruct((R_TC, 1), jnp.float32),
    ],
)


def _lse_residual(m, s, p):
    mf = jnp.maximum(m, p)
    return (mf - p) * INV_T + jnp.log(
        jnp.exp((p - mf) * INV_T) + s * jnp.exp((m - mf) * INV_T)
    )


def _finish_body(m_ref, s_ref, mt_ref, st_ref, p_ref, o_ref):
    ml = m_ref[...]
    sl = s_ref[...]
    p = p_ref[...][:, 0]
    m = jnp.max(ml, axis=1)
    s = jnp.sum(sl * jnp.exp((ml - m[:, None]) * INV_T), axis=1)
    d_sc = _lse_residual(m, s, p[:N_SC])
    d_tc = _lse_residual(mt_ref[...][:, 0], st_ref[...][:, 0], p[N_SC:])
    o_ref[...] = jnp.reshape(
        (jnp.sum(d_sc) + jnp.sum(d_tc)) * (1.0 / N_ROWS), (1, 1)
    )


def kernel(pos, neg, mining_top_K):
    del mining_top_K
    m_sc, s_sc = _sc_reduce(neg)
    m_tc, s_tc = _tc_reduce(neg)
    out = pl.pallas_call(
        _finish_body,
        out_shape=jax.ShapeDtypeStruct((1, 1), jnp.float32),
    )(m_sc, s_sc, m_tc, s_tc, pos)
    return out[0, 0]

# --- scband reference (transcript-rebuilt; emitter-appended) ---
"""Pipeline reference for scband-moco-utils-24721831755936 (READ-ONLY COPY).

The authoritative reference and input builder live on the scoring server;
editing this copy changes nothing except your own understanding.
"""

import jax, jax.numpy as jnp
import numpy as np

T = 0.05

def _logsumexp(x, axis):
    m = jnp.max(x, axis=axis, keepdims=True)
    return jnp.squeeze(m, axis=axis) + jnp.log(jnp.sum(jnp.exp(x - m), axis=axis))

def setup_inputs(seed: int = 0) -> dict:
    key = jax.random.key(seed)
    k1, k2 = jax.random.split(key)
    pos = jax.random.normal(k1, (4096, 1), dtype=jnp.float32)
    neg = jax.random.normal(k2, (4096, 16384), dtype=jnp.float32)
    mining_top_K = 4096
    return {"pos": pos, "neg": neg, "mining_top_K": mining_top_K}

def reference(pos, neg, mining_top_K):
    # moco_loss with hard-negative mining via top-k (as in MocoUtils.moco_loss)
    k_static = pos.shape[0]
    neg_mined, _ = jax.lax.top_k(neg, k_static)
    pos_neg = jnp.concatenate([pos, neg_mined], axis=1)
    v_nominator = _logsumexp(pos / T, axis=1)
    v_denominator = _logsumexp(pos_neg / T, axis=1)
    out = jnp.mean(v_denominator - v_nominator)
    return out + (jnp.asarray(mining_top_K) * 0).astype(out.dtype)

if __name__ == "__main__":
    import jax
    _d = setup_inputs()
    print(jax.jit(kernel)(*tuple(_d.values())))

</pallas_src>

<mosaic_0001>
#map = affine_map<(d0, d1) -> (0, 0)>
module attributes {stable_mosaic.version = 14 : i64} {
  func.func @_sc_body(%arg0: i32, %arg1: i32, %arg2: memref<4096x16384xf32, #tpu.memory_space<hbm>>, %arg3: memref<1280x16xf32, #tpu.memory_space<hbm>>, %arg4: memref<1280x16xf32, #tpu.memory_space<hbm>>, %arg5: memref<2x16384xf32, #tpu.memory_space<vmem>>, %arg6: memref<2x16384xf32, #tpu.memory_space<vmem>>, %arg7: memref<40x16xf32, #tpu.memory_space<vmem>>, %arg8: memref<40x16xf32, #tpu.memory_space<vmem>>, %arg9: memref<!tpu.dma_semaphore, #tpu.memory_space<semaphore_mem>>, %arg10: memref<!tpu.dma_semaphore, #tpu.memory_space<semaphore_mem>>) attributes {dimension_semantics = [#tpu.dimension_semantics<core_parallel>, #tpu.dimension_semantics<subcore_parallel>], iteration_bounds = array<i64: 2, 16>, scalar_prefetch = 0 : i64, scratch_operands = 6 : i64, tpu.core_type = #tpu.core_type<sc_vector_subcore>, window_params = [{transform_indices = #map}, {transform_indices = #map}, {transform_indices = #map}]} {
    %mul3A = arith.constant 2 : i32
    %mul3A_0 = arith.muli %arg1, %mul3A : i32
    %add3A = arith.addi %mul3A_0, %arg0 : i32
    %mul3A_1 = arith.constant 40 : i32
    %mul3A_2 = arith.muli %add3A, %mul3A_1 : i32
    %dma_start3A = arith.constant 0 : i32
    %dma_start3A_3 = tpu.memref_slice %arg2[%mul3A_2, %dma_start3A] : memref<4096x16384xf32, #tpu.memory_space<hbm>> -> memref<2x16384xf32, #tpu.memory_space<hbm>>
    %dma_start3A_4 = arith.constant 0 : i32
    %dma_start3A_5 = tpu.memref_slice %arg2[%mul3A_2, %dma_start3A_4] : memref<4096x16384xf32, #tpu.memory_space<hbm>> -> memref<2x16384xf32, #tpu.memory_space<hbm>>
    tpu.enqueue_dma source(%dma_start3A_5 : memref<2x16384xf32, #tpu.memory_space<hbm>>) target(%arg5 : memref<2x16384xf32, #tpu.memory_space<vmem>>) target_semaphore(%arg9 : memref<!tpu.dma_semaphore, #tpu.memory_space<semaphore_mem>>)
    %scan3A = arith.constant 0 : i32
    %scan3A_6 = arith.constant 0 : i32
    %scan3A_7 = arith.constant 10 : i32
    %scan3A_8 = arith.addi %scan3A_6, %scan3A_7 : i32
    %scan3A_9 = arith.constant 1 : i32
    scf.for %scan3A_11 = %scan3A_6 to %scan3A_8 step %scan3A_9  : i32 {
      %mul3A_12 = arith.constant 4 : i32
      %mul3A_13 = arith.muli %mul3A_12, %scan3A_11 : i32
      %dma_wait3A = arith.constant 0 : i32
      %dma_wait3A_14 = arith.constant 0 : i32
      %dma_wait3A_15 = tpu.memref_slice %arg2[%dma_wait3A, %dma_wait3A_14] : memref<4096x16384xf32, #tpu.memory_space<hbm>> -> memref<2x16384xf32, #tpu.memory_space<hbm>>
      %dma_wait3A_16 = arith.constant 0 : i32
      %dma_wait3A_17 = arith.constant 0 : i32
      %dma_wait3A_18 = tpu.memref_slice %arg2[%dma_wait3A_16, %dma_wait3A_17] : memref<4096x16384xf32, #tpu.memory_space<hbm>> -> memref<2x16384xf32, #tpu.memory_space<hbm>>
      tpu.wait_dma2 semaphore(%arg9 : memref<!tpu.dma_semaphore, #tpu.memory_space<semaphore_mem>>) src(%dma_wait3A_18 : memref<2x16384xf32, #tpu.memory_space<hbm>>) dst(%arg5 : memref<2x16384xf32, #tpu.memory_space<vmem>>)
      %add3A_19 = arith.addi %mul3A_2, %mul3A_13 : i32
      %add3A_20 = arith.constant 2 : i32
      %add3A_21 = arith.addi %add3A_19, %add3A_20 : i32
      %dma_start3A_22 = arith.constant 0 : i32
      %dma_start3A_23 = tpu.memref_slice %arg2[%add3A_21, %dma_start3A_22] : memref<4096x16384xf32, #tpu.memory_space<hbm>> -> memref<2x16384xf32, #tpu.memory_space<hbm>>
      %dma_start3A_24 = arith.constant 0 : i32
      %dma_start3A_25 = tpu.memref_slice %arg2[%add3A_21, %dma_start3A_24] : memref<4096x16384xf32, #tpu.memory_space<hbm>> -> memref<2x16384xf32, #tpu.memory_space<hbm>>
      tpu.enqueue_dma source(%dma_start3A_25 : memref<2x16384xf32, #tpu.memory_space<hbm>>) target(%arg6 : memref<2x16384xf32, #tpu.memory_space<vmem>>) target_semaphore(%arg10 : memref<!tpu.dma_semaphore, #tpu.memory_space<semaphore_mem>>)
      %add3A_26 = arith.constant 0 : i32
      %add3A_27 = arith.addi %mul3A_13, %add3A_26 : i32
      %broadcast_in_dim3A = arith.constant -3.000000e+38 : f32
      %broadcast_in_dim3A_28 = vector.broadcast %broadcast_in_dim3A : f32 to vector<16xf32>
      %scan3A_29 = arith.constant 0 : i32
      %scan3A_30 = arith.constant 0 : i32
      %scan3A_31 = arith.constant 1024 : i32
      %scan3A_32 = arith.addi %scan3A_30, %scan3A_31 : i32
      %scan3A_33 = arith.constant 16 : i32
      %scan3A_34 = scf.for %scan3A_158 = %scan3A_30 to %scan3A_32 step %scan3A_33 iter_args(%scan3A_159 = %broadcast_in_dim3A_28) -> (vector<16xf32>)  : i32 {
        %mul3A_160 = arith.constant 16 : i32
        %mul3A_161 = arith.muli %scan3A_158, %mul3A_160 : i32
        %get3A = arith.constant 0 : i32
        %get3A_162 = tpu.memref_slice %arg5[%scan3A_29, %get3A] : memref<2x16384xf32, #tpu.memory_space<vmem>> -> memref<1x16384xf32, #tpu.memory_space<vmem>>
        %get3A_163 = tpu.memref_squeeze %get3A_162 : memref<1x16384xf32, #tpu.memory_space<vmem>> -> memref<16384xf32, #tpu.memory_space<vmem>>
        %get3A_164 = arith.index_cast %mul3A_161 : i32 to index
        %get3A_165 = tpu.vector_load %get3A_163[%get3A_164] {strides = array<i32>} : memref<16384xf32, #tpu.memory_space<vmem>>, vector<16xf32>,
        %get3A_166 = vector.shape_cast %get3A_165 : vector<16xf32> to vector<16xf32>
        %max3A = arith.maximumf %scan3A_159, %get3A_166 : vector<16xf32>
        %scan3A_167 = arith.constant 1 : i32
        %scan3A_168 = arith.addi %scan3A_158, %scan3A_167 : i32
        %mul3A_169 = arith.constant 16 : i32
        %mul3A_170 = arith.muli %scan3A_168, %mul3A_169 : i32
        %get3A_171 = arith.constant 0 : i32
        %get3A_172 = tpu.memref_slice %arg5[%scan3A_29, %get3A_171] : memref<2x16384xf32, #tpu.memory_space<vmem>> -> memref<1x16384xf32, #tpu.memory_space<vmem>>
        %get3A_173 = tpu.memref_squeeze %get3A_172 : memref<1x16384xf32, #tpu.memory_space<vmem>> -> memref<16384xf32, #tpu.memory_space<vmem>>
        %get3A_174 = arith.index_cast %mul3A_170 : i32 to index
        %get3A_175 = tpu.vector_load %get3A_173[%get3A_174] {strides = array<i32>} : memref<16384xf32, #tpu.memory_space<vmem>>, vector<16xf32>,
        %get3A_176 = vector.shape_cast %get3A_175 : vector<16xf32> to vector<16xf32>
        %max3A_177 = arith.maximumf %max3A, %get3A_176 : vector<16xf32>
        %scan3A_178 = arith.constant 2 : i32
        %scan3A_179 = arith.addi %scan3A_158, %scan3A_178 : i32
        %mul3A_180 = arith.constant 16 : i32
        %mul3A_181 = arith.muli %scan3A_179, %mul3A_180 : i32
        %get3A_182 = arith.constant 0 : i32
        %get3A_183 = tpu.memref_slice %arg5[%scan3A_29, %get3A_182] : memref<2x16384xf32, #tpu.memory_space<vmem>> -> memref<1x16384xf32, #tpu.memory_space<vmem>>
        %get3A_184 = tpu.memref_squeeze %get3A_183 : memref<1x16384xf32, #tpu.memory_space<vmem>> -> memref<16384xf32, #tpu.memory_space<vmem>>
        %get3A_185 = arith.index_cast %mul3A_181 : i32 to index
        %get3A_186 = tpu.vector_load %get3A_184[%get3A_185] {strides = array<i32>} : memref<16384xf32, #tpu.memory_space<vmem>>, vector<16xf32>,
        %get3A_187 = vector.shape_cast %get3A_186 : vector<16xf32> to vector<16xf32>
        %max3A_188 = arith.maximumf %max3A_177, %get3A_187 : vector<16xf32>
        %scan3A_189 = arith.constant 3 : i32
        %scan3A_190 = arith.addi %scan3A_158, %scan3A_189 : i32
        %mul3A_191 = arith.constant 16 : i32
        %mul3A_192 = arith.muli %scan3A_190, %mul3A_191 : i32
        %get3A_193 = arith.constant 0 : i32
        %get3A_194 = tpu.memref_slice %arg5[%scan3A_29, %get3A_193] : memref<2x16384xf32, #tpu.memory_space<vmem>> -> memref<1x16384xf32, #tpu.memory_space<vmem>>
        %get3A_195 = tpu.memref_squeeze %get3A_194 : memref<1x16384xf32, #tpu.memory_space<vmem>> -> memref<16384xf32, #tpu.memory_space<vmem>>
        %get3A_196 = arith.index_cast %mul3A_192 : i32 to index
        %get3A_197 = tpu.vector_load %get3A_195[%get3A_196] {strides = array<i32>} : memref<16384xf32, #tpu.memory_space<vmem>>, vector<16xf32>,
        %get3A_198 = vector.shape_cast %get3A_197 : vector<16xf32> to vector<16xf32>
        %max3A_199 = arith.maximumf %max3A_188, %get3A_198 : vector<16xf32>
        %scan3A_200 = arith.constant 4 : i32
        %scan3A_201 = arith.addi %scan3A_158, %scan3A_200 : i32
        %mul3A_202 = arith.constant 16 : i32
        %mul3A_203 = arith.muli %scan3A_201, %mul3A_202 : i32
        %get3A_204 = arith.constant 0 : i32
        %get3A_205 = tpu.memref_slice %arg5[%scan3A_29, %get3A_204] : memref<2x16384xf32, #tpu.memory_space<vmem>> -> memref<1x16384xf32, #tpu.memory_space<vmem>>
        %get3A_206 = tpu.memref_squeeze %get3A_205 : memref<1x16384xf32, #tpu.memory_space<vmem>> -> memref<16384xf32, #tpu.memory_space<vmem>>
        %get3A_207 = arith.index_cast %mul3A_203 : i32 to index
        %get3A_208 = tpu.vector_load %get3A_206[%get3A_207] {strides = array<i32>} : memref<16384xf32, #tpu.memory_space<vmem>>, vector<16xf32>,
        %get3A_209 = vector.shape_cast %get3A_208 : vector<16xf32> to vector<16xf32>
        %max3A_210 = arith.maximumf %max3A_199, %get3A_209 : vector<16xf32>
        %scan3A_211 = arith.constant 5 : i32
        %scan3A_212 = arith.addi %scan3A_158, %scan3A_211 : i32
        %mul3A_213 = arith.constant 16 : i32
        %mul3A_214 = arith.muli %scan3A_212, %mul3A_213 : i32
        %get3A_215 = arith.constant 0 : i32
        %get3A_216 = tpu.memref_slice %arg5[%scan3A_29, %get3A_215] : memref<2x16384xf32, #tpu.memory_space<vmem>> -> memref<1x16384xf32, #tpu.memory_space<vmem>>
        %get3A_217 = tpu.memref_squeeze %get3A_216 : memref<1x16384xf32, #tpu.memory_space<vmem>> -> memref<16384xf32, #tpu.memory_space<vmem>>
        %get3A_218 = arith.index_cast %mul3A_214 : i32 to index
        %get3A_219 = tpu.vector_load %get3A_217[%get3A_218] {strides = array<i32>} : memref<16384xf32, #tpu.memory_space<vmem>>, vector<16xf32>,
        %get3A_220 = vector.shape_cast %get3A_219 : vector<16xf32> to vector<16xf32>
        %max3A_221 = arith.maximumf %max3A_210, %get3A_220 : vector<16xf32>
        %scan3A_222 = arith.constant 6 : i32
        %scan3A_223 = arith.addi %scan3A_158, %scan3A_222 : i32
        %mul3A_224 = arith.constant 16 : i32
        %mul3A_225 = arith.muli %scan3A_223, %mul3A_224 : i32
        %get3A_226 = arith.constant 0 : i32
        %get3A_227 = tpu.memref_slice %arg5[%scan3A_29, %get3A_226] : memref<2x16384xf32, #tpu.memory_space<vmem>> -> memref<1x16384xf32, #tpu.memory_space<vmem>>
        %get3A_228 = tpu.memref_squeeze %get3A_227 : memref<1x16384xf32, #tpu.memory_space<vmem>> -> memref<16384xf32, #tpu.memory_space<vmem>>
        %get3A_229 = arith.index_cast %mul3A_225 : i32 to index
        %get3A_230 = tpu.vector_load %get3A_228[%get3A_229] {strides = array<i32>} : memref<16384xf32, #tpu.memory_space<vmem>>, vector<16xf32>,
        %get3A_231 = vector.shape_cast %get3A_230 : vector<16xf32> to vector<16xf32>
        %max3A_232 = arith.maximumf %max3A_221, %get3A_231 : vector<16xf32>
        %scan3A_233 = arith.constant 7 : i32
        %scan3A_234 = arith.addi %scan3A_158, %scan3A_233 : i32
        %mul3A_235 = arith.constant 16 : i32
        %mul3A_236 = arith.muli %scan3A_234, %mul3A_235 : i32
        %get3A_237 = arith.constant 0 : i32
        %get3A_238 = tpu.memref_slice %arg5[%scan3A_29, %get3A_237] : memref<2x16384xf32, #tpu.memory_space<vmem>> -> memref<1x16384xf32, #tpu.memory_space<vmem>>
        %get3A_239 = tpu.memref_squeeze %get3A_238 : memref<1x16384xf32, #tpu.memory_space<vmem>> -> memref<16384xf32, #tpu.memory_space<vmem>>
        %get3A_240 = arith.index_cast %mul3A_236 : i32 to index
        %get3A_241 = tpu.vector_load %get3A_239[%get3A_240] {strides = array<i32>} : memref<16384xf32, #tpu.memory_space<vmem>>, vector<16xf32>,
        %get3A_242 = vector.shape_cast %get3A_241 : vector<16xf32> to vector<16xf32>
        %max3A_243 = arith.maximumf %max3A_232, %get3A_242 : vector<16xf32>
        %scan3A_244 = arith.constant 8 : i32
        %scan3A_245 = arith.addi %scan3A_158, %scan3A_244 : i32
        %mul3A_246 = arith.constant 16 : i32
        %mul3A_247 = arith.muli %scan3A_245, %mul3A_246 : i32
        %get3A_248 = arith.constant 0 : i32
        %get3A_249 = tpu.memref_slice %arg5[%scan3A_29, %get3A_248] : memref<2x16384xf32, #tpu.memory_space<vmem>> -> memref<1x16384xf32, #tpu.memory_space<vmem>>
        %get3A_250 = tpu.memref_squeeze %get3A_249 : memref<1x16384xf32, #tpu.memory_space<vmem>> -> memref<16384xf32, #tpu.memory_space<vmem>>
        %get3A_251 = arith.index_cast %mul3A_247 : i32 to index
        %get3A_252 = tpu.vector_load %get3A_250[%get3A_251] {strides = array<i32>} : memref<16384xf32, #tpu.memory_space<vmem>>, vector<16xf32>,
        %get3A_253 = vector.shape_cast %get3A_252 : vector<16xf32> to vector<16xf32>
        %max3A_254 = arith.maximumf %max3A_243, %get3A_253 : vector<16xf32>
        %scan3A_255 = arith.constant 9 : i32
        %scan3A_256 = arith.addi %scan3A_158, %scan3A_255 : i32
        %mul3A_257 = arith.constant 16 : i32
        %mul3A_258 = arith.muli %scan3A_256, %mul3A_257 : i32
        %get3A_259 = arith.constant 0 : i32
        %get3A_260 = tpu.memref_slice %arg5[%scan3A_29, %get3A_259] : memref<2x16384xf32, #tpu.memory_space<vmem>> -> memref<1x16384xf32, #tpu.memory_space<vmem>>
        %get3A_261 = tpu.memref_squeeze %get3A_260 : memref<1x16384xf32, #tpu.memory_space<vmem>> -> memref<16384xf32, #tpu.memory_space<vmem>>
        %get3A_262 = arith.index_cast %mul3A_258 : i32 to index
        %get3A_263 = tpu.vector_load %get3A_261[%get3A_262] {strides = array<i32>} : memref<16384xf32, #tpu.memory_space<vmem>>, vector<16xf32>,
        %get3A_264 = vector.shape_cast %get3A_263 : vector<16xf32> to vector<16xf32>
        %max3A_265 = arith.maximumf %max3A_254, %get3A_264 : vector<16xf32>
        %scan3A_266 = arith.constant 10 : i32
        %scan3A_267 = arith.addi %scan3A_158, %scan3A_266 : i32
        %mul3A_268 = arith.constant 16 : i32
        %mul3A_269 = arith.muli %scan3A_267, %mul3A_268 : i32
        %get3A_270 = arith.constant 0 : i32
        %get3A_271 = tpu.memref_slice %arg5[%scan3A_29, %get3A_270] : memref<2x16384xf32, #tpu.memory_space<vmem>> -> memref<1x16384xf32, #tpu.memory_space<vmem>>
        %get3A_272 = tpu.memref_squeeze %get3A_271 : memref<1x16384xf32, #tpu.memory_space<vmem>> -> memref<16384xf32, #tpu.memory_space<vmem>>
        %get3A_273 = arith.index_cast %mul3A_269 : i32 to index
        %get3A_274 = tpu.vector_load %get3A_272[%get3A_273] {strides = array<i32>} : memref<16384xf32, #tpu.memory_space<vmem>>, vector<16xf32>,
        %get3A_275 = vector.shape_cast %get3A_274 : vector<16xf32> to vector<16xf32>
        %max3A_276 = arith.maximumf %max3A_265, %get3A_275 : vector<16xf32>
        %scan3A_277 = arith.constant 11 : i32
        %scan3A_278 = arith.addi %scan3A_158, %scan3A_277 : i32
        %mul3A_279 = arith.constant 16 : i32
        %mul3A_280 = arith.muli %scan3A_278, %mul3A_279 : i32
        %get3A_281 = arith.constant 0 : i32
        %get3A_282 = tpu.memref_slice %arg5[%scan3A_29, %get3A_281] : memref<2x16384xf32, #tpu.memory_space<vmem>> -> memref<1x16384xf32, #tpu.memory_space<vmem>>
        %get3A_283 = tpu.memref_squeeze %get3A_282 : memref<1x16384xf32, #tpu.memory_space<vmem>> -> memref<16384xf32, #tpu.memory_space<vmem>>
        %get3A_284 = arith.index_cast %mul3A_280 : i32 to index
        %get3A_285 = tpu.vector_load %get3A_283[%get3A_284] {strides = array<i32>} : memref<16384xf32, #tpu.memory_space<vmem>>, vector<16xf32>,
        %get3A_286 = vector.shape_cast %get3A_285 : vector<16xf32> to vector<16xf32>
        %max3A_287 = arith.maximumf %max3A_276, %get3A_286 : vector<16xf32>
        %scan3A_288 = arith.constant 12 : i32
        %scan3A_289 = arith.addi %scan3A_158, %scan3A_288 : i32
        %mul3A_290 = arith.constant 16 : i32
        %mul3A_291 = arith.muli %scan3A_289, %mul3A_290 : i32
        %get3A_292 = arith.constant 0 : i32
        %get3A_293 = tpu.memref_slice %arg5[%scan3A_29, %get3A_292] : memref<2x16384xf32, #tpu.memory_space<vmem>> -> memref<1x16384xf32, #tpu.memory_space<vmem>>
        %get3A_294 = tpu.memref_squeeze %get3A_293 : memref<1x16384xf32, #tpu.memory_space<vmem>> -> memref<16384xf32, #tpu.memory_space<vmem>>
        %get3A_295 = arith.index_cast %mul3A_291 : i32 to index
        %get3A_296 = tpu.vector_load %get3A_294[%get3A_295] {strides = array<i32>} : memref<16384xf32, #tpu.memory_space<vmem>>, vector<16xf32>,
        %get3A_297 = vector.shape_cast %get3A_296 : vector<16xf32> to vector<16xf32>
        %max3A_298 = arith.maximumf %max3A_287, %get3A_297 : vector<16xf32>
        %scan3A_299 = arith.constant 13 : i32
        %scan3A_300 = arith.addi %scan3A_158, %scan3A_299 : i32
        %mul3A_301 = arith.constant 16 : i32
        %mul3A_302 = arith.muli %scan3A_300, %mul3A_301 : i32
        %get3A_303 = arith.constant 0 : i32
        %get3A_304 = tpu.memref_slice %arg5[%scan3A_29, %get3A_303] : memref<2x16384xf32, #tpu.memory_space<vmem>> -> memref<1x16384xf32, #tpu.memory_space<vmem>>
        %get3A_305 = tpu.memref_squeeze %get3A_304 : memref<1x16384xf32, #tpu.memory_space<vmem>> -> memref<16384xf32, #tpu.memory_space<vmem>>
        %get3A_306 = arith.index_cast %mul3A_302 : i32 to index
        %get3A_307 = tpu.vector_load %get3A_305[%get3A_306] {strides = array<i32>} : memref<16384xf32, #tpu.memory_space<vmem>>, vector<16xf32>,
        %get3A_308 = vector.shape_cast %get3A_307 : vector<16xf32> to vector<16xf32>
        %max3A_309 = arith.maximumf %max3A_298, %get3A_308 : vector<16xf32>
        %scan3A_310 = arith.constant 14 : i32
        %scan3A_311 = arith.addi %scan3A_158, %scan3A_310 : i32
        %mul3A_312 = arith.constant 16 : i32
        %mul3A_313 = arith.muli %scan3A_311, %mul3A_312 : i32
        %get3A_314 = arith.constant 0 : i32
        %get3A_315 = tpu.memref_slice %arg5[%scan3A_29, %get3A_314] : memref<2x16384xf32, #tpu.memory_space<vmem>> -> memref<1x16384xf32, #tpu.memory_space<vmem>>
        %get3A_316 = tpu.memref_squeeze %get3A_315 : memref<1x16384xf32, #tpu.memory_space<vmem>> -> memref<16384xf32, #tpu.memory_space<vmem>>
        %get3A_317 = arith.index_cast %mul3A_313 : i32 to index
        %get3A_318 = tpu.vector_load %get3A_316[%get3A_317] {strides = array<i32>} : memref<16384xf32, #tpu.memory_space<vmem>>, vector<16xf32>,
        %get3A_319 = vector.shape_cast %get3A_318 : vector<16xf32> to vector<16xf32>
        %max3A_320 = arith.maximumf %max3A_309, %get3A_319 : vector<16xf32>
        %scan3A_321 = arith.constant 15 : i32
        %scan3A_322 = arith.addi %scan3A_158, %scan3A_321 : i32
        %mul3A_323 = arith.constant 16 : i32
        %mul3A_324 = arith.muli %scan3A_322, %mul3A_323 : i32
        %get3A_325 = arith.constant 0 : i32
        %get3A_326 = tpu.memref_slice %arg5[%scan3A_29, %get3A_325] : memref<2x16384xf32, #tpu.memory_space<vmem>> -> memref<1x16384xf32, #tpu.memory_space<vmem>>
        %get3A_327 = tpu.memref_squeeze %get3A_326 : memref<1x16384xf32, #tpu.memory_space<vmem>> -> memref<16384xf32, #tpu.memory_space<vmem>>
        %get3A_328 = arith.index_cast %mul3A_324 : i32 to index
        %get3A_329 = tpu.vector_load %get3A_327[%get3A_328] {strides = array<i32>} : memref<16384xf32, #tpu.memory_space<vmem>>, vector<16xf32>,
        %get3A_330 = vector.shape_cast %get3A_329 : vector<16xf32> to vector<16xf32>
        %max3A_331 = arith.maximumf %max3A_320, %get3A_330 : vector<16xf32>
        scf.yield %max3A_331 : vector<16xf32>
      }
      %scan3A_35 = arith.constant 1024 : i32
      %broadcast_in_dim3A_36 = arith.constant 0.000000e+00 : f32
      %broadcast_in_dim3A_37 = vector.broadcast %broadcast_in_dim3A_36 : f32 to vector<16xf32>
      %scan3A_38 = arith.constant 0 : i32
      %scan3A_39 = arith.constant 0 : i32
      %scan3A_40 = arith.constant 1024 : i32
      %scan3A_41 = arith.addi %scan3A_39, %scan3A_40 : i32
      %scan3A_42 = arith.constant 16 : i32
      %scan3A_43 = scf.for %scan3A_158 = %scan3A_39 to %scan3A_41 step %scan3A_42 iter_args(%scan3A_159 = %broadcast_in_dim3A_37) -> (vector<16xf32>)  : i32 {
        %mul3A_160 = arith.constant 16 : i32
        %mul3A_161 = arith.muli %scan3A_158, %mul3A_160 : i32
        %get3A = arith.constant 0 : i32
        %get3A_162 = tpu.memref_slice %arg5[%scan3A_38, %get3A] : memref<2x16384xf32, #tpu.memory_space<vmem>> -> memref<1x16384xf32, #tpu.memory_space<vmem>>
        %get3A_163 = tpu.memref_squeeze %get3A_162 : memref<1x16384xf32, #tpu.memory_space<vmem>> -> memref<16384xf32, #tpu.memory_space<vmem>>
        %get3A_164 = arith.index_cast %mul3A_161 : i32 to index
        %get3A_165 = tpu.vector_load %get3A_163[%get3A_164] {strides = array<i32>} : memref<16384xf32, #tpu.memory_space<vmem>>, vector<16xf32>,
        %get3A_166 = vector.shape_cast %get3A_165 : vector<16xf32> to vector<16xf32>
        %sub3A = arith.subf %get3A_166, %scan3A_34 : vector<16xf32>
        %mul3A_167 = arith.constant 2.000000e+01 : f32
        %mul3A_168 = vector.broadcast %mul3A_167 : f32 to vector<16xf32>
        %mul3A_169 = arith.mulf %sub3A, %mul3A_168 : vector<16xf32>
        %exp3A = math.exp %mul3A_169 : vector<16xf32>
        %add3A_170 = arith.addf %scan3A_159, %exp3A : vector<16xf32>
        %scan3A_171 = arith.constant 1 : i32
        %scan3A_172 = arith.addi %scan3A_158, %scan3A_171 : i32
        %mul3A_173 = arith.constant 16 : i32
        %mul3A_174 = arith.muli %scan3A_172, %mul3A_173 : i32
        %get3A_175 = arith.constant 0 : i32
        %get3A_176 = tpu.memref_slice %arg5[%scan3A_38, %get3A_175] : memref<2x16384xf32, #tpu.memory_space<vmem>> -> memref<1x16384xf32, #tpu.memory_space<vmem>>
        %get3A_177 = tpu.memref_squeeze %get3A_176 : memref<1x16384xf32, #tpu.memory_space<vmem>> -> memref<16384xf32, #tpu.memory_space<vmem>>
        %get3A_178 = arith.index_cast %mul3A_174 : i32 to index
        %get3A_179 = tpu.vector_load %get3A_177[%get3A_178] {strides = array<i32>} : memref<16384xf32, #tpu.memory_space<vmem>>, vector<16xf32>,
        %get3A_180 = vector.shape_cast %get3A_179 : vector<16xf32> to vector<16xf32>
        %sub3A_181 = arith.subf %get3A_180, %scan3A_34 : vector<16xf32>
        %mul3A_182 = arith.constant 2.000000e+01 : f32
        %mul3A_183 = vector.broadcast %mul3A_182 : f32 to vector<16xf32>
        %mul3A_184 = arith.mulf %sub3A_181, %mul3A_183 : vector<16xf32>
        %exp3A_185 = math.exp %mul3A_184 : vector<16xf32>
        %add3A_186 = arith.addf %add3A_170, %exp3A_185 : vector<16xf32>
        %scan3A_187 = arith.constant 2 : i32
        %scan3A_188 = arith.addi %scan3A_158, %scan3A_187 : i32
        %mul3A_189 = arith.constant 16 : i32
        %mul3A_190 = arith.muli %scan3A_188, %mul3A_189 : i32
        %get3A_191 = arith.constant 0 : i32
        %get3A_192 = tpu.memref_slice %arg5[%scan3A_38, %get3A_191] : memref<2x16384xf32, #tpu.memory_space<vmem>> -> memref<1x16384xf32, #tpu.memory_space<vmem>>
        %get3A_193 = tpu.memref_squeeze %get3A_192 : memref<1x16384xf32, #tpu.memory_space<vmem>> -> memref<16384xf32, #tpu.memory_space<vmem>>
        %get3A_194 = arith.index_cast %mul3A_190 : i32 to index
        %get3A_195 = tpu.vector_load %get3A_193[%get3A_194] {strides = array<i32>} : memref<16384xf32, #tpu.memory_space<vmem>>, vector<16xf32>,
        %get3A_196 = vector.shape_cast %get3A_195 : vector<16xf32> to vector<16xf32>
        %sub3A_197 = arith.subf %get3A_196, %scan3A_34 : vector<16xf32>
        %mul3A_198 = arith.constant 2.000000e+01 : f32
        %mul3A_199 = vector.broadcast %mul3A_198 : f32 to vector<16xf32>
        %mul3A_200 = arith.mulf %sub3A_197, %mul3A_199 : vector<16xf32>
        %exp3A_201 = math.exp %mul3A_200 : vector<16xf32>
        %add3A_202 = arith.addf %add3A_186, %exp3A_201 : vector<16xf32>
        %scan3A_203 = arith.constant 3 : i32
        %scan3A_204 = arith.addi %scan3A_158, %scan3A_203 : i32
        %mul3A_205 = arith.constant 16 : i32
        %mul3A_206 = arith.muli %scan3A_204, %mul3A_205 : i32
        %get3A_207 = arith.constant 0 : i32
        %get3A_208 = tpu.memref_slice %arg5[%scan3A_38, %get3A_207] : memref<2x16384xf32, #tpu.memory_space<vmem>> -> memref<1x16384xf32, #tpu.memory_space<vmem>>
        %get3A_209 = tpu.memref_squeeze %get3A_208 : memref<1x16384xf32, #tpu.memory_space<vmem>> -> memref<16384xf32, #tpu.memory_space<vmem>>
        %get3A_210 = arith.index_cast %mul3A_206 : i32 to index
        %get3A_211 = tpu.vector_load %get3A_209[%get3A_210] {strides = array<i32>} : memref<16384xf32, #tpu.memory_space<vmem>>, vector<16xf32>,
        %get3A_212 = vector.shape_cast %get3A_211 : vector<16xf32> to vector<16xf32>
        %sub3A_213 = arith.subf %get3A_212, %scan3A_34 : vector<16xf32>
        %mul3A_214 = arith.constant 2.000000e+01 : f32
        %mul3A_215 = vector.broadcast %mul3A_214 : f32 to vector<16xf32>
        %mul3A_216 = arith.mulf %sub3A_213, %mul3A_215 : vector<16xf32>
        %exp3A_217 = math.exp %mul3A_216 : vector<16xf32>
        %add3A_218 = arith.addf %add3A_202, %exp3A_217 : vector<16xf32>
        %scan3A_219 = arith.constant 4 : i32
        %scan3A_220 = arith.addi %scan3A_158, %scan3A_219 : i32
        %mul3A_221 = arith.constant 16 : i32
        %mul3A_222 = arith.muli %scan3A_220, %mul3A_221 : i32
        %get3A_223 = arith.constant 0 : i32
        %get3A_224 = tpu.memref_slice %arg5[%scan3A_38, %get3A_223] : memref<2x16384xf32, #tpu.memory_space<vmem>> -> memref<1x16384xf32, #tpu.memory_space<vmem>>
        %get3A_225 = tpu.memref_squeeze %get3A_224 : memref<1x16384xf32, #tpu.memory_space<vmem>> -> memref<16384xf32, #tpu.memory_space<vmem>>
        %get3A_226 = arith.index_cast %mul3A_222 : i32 to index
        %get3A_227 = tpu.vector_load %get3A_225[%get3A_226] {strides = array<i32>} : memref<16384xf32, #tpu.memory_space<vmem>>, vector<16xf32>,
        %get3A_228 = vector.shape_cast %get3A_227 : vector<16xf32> to vector<16xf32>
        %sub3A_229 = arith.subf %get3A_228, %scan3A_34 : vector<16xf32>
        %mul3A_230 = arith.constant 2.000000e+01 : f32
        %mul3A_231 = vector.broadcast %mul3A_230 : f32 to vector<16xf32>
        %mul3A_232 = arith.mulf %sub3A_229, %mul3A_231 : vector<16xf32>
        %exp3A_233 = math.exp %mul3A_232 : vector<16xf32>
        %add3A_234 = arith.addf %add3A_218, %exp3A_233 : vector<16xf32>
        %scan3A_235 = arith.constant 5 : i32
        %scan3A_236 = arith.addi %scan3A_158, %scan3A_235 : i32
        %mul3A_237 = arith.constant 16 : i32
        %mul3A_238 = arith.muli %scan3A_236, %mul3A_237 : i32
        %get3A_239 = arith.constant 0 : i32
        %get3A_240 = tpu.memref_slice %arg5[%scan3A_38, %get3A_239] : memref<2x16384xf32, #tpu.memory_space<vmem>> -> memref<1x16384xf32, #tpu.memory_space<vmem>>
        %get3A_241 = tpu.memref_squeeze %get3A_240 : memref<1x16384xf32, #tpu.memory_space<vmem>> -> memref<16384xf32, #tpu.memory_space<vmem>>
        %get3A_242 = arith.index_cast %mul3A_238 : i32 to index
        %get3A_243 = tpu.vector_load %get3A_241[%get3A_242] {strides = array<i32>} : memref<16384xf32, #tpu.memory_space<vmem>>, vector<16xf32>,
        %get3A_244 = vector.shape_cast %get3A_243 : vector<16xf32> to vector<16xf32>
        %sub3A_245 = arith.subf %get3A_244, %scan3A_34 : vector<16xf32>
        %mul3A_246 = arith.constant 2.000000e+01 : f32
        %mul3A_247 = vector.broadcast %mul3A_246 : f32 to vector<16xf32>
        %mul3A_248 = arith.mulf %sub3A_245, %mul3A_247 : vector<16xf32>
        %exp3A_249 = math.exp %mul3A_248 : vector<16xf32>
        %add3A_250 = arith.addf %add3A_234, %exp3A_249 : vector<16xf32>
        %scan3A_251 = arith.constant 6 : i32
        %scan3A_252 = arith.addi %scan3A_158, %scan3A_251 : i32
        %mul3A_253 = arith.constant 16 : i32
        %mul3A_254 = arith.muli %scan3A_252, %mul3A_253 : i32
        %get3A_255 = arith.constant 0 : i32
        %get3A_256 = tpu.memref_slice %arg5[%scan3A_38, %get3A_255] : memref<2x16384xf32, #tpu.memory_space<vmem>> -> memref<1x16384xf32, #tpu.memory_space<vmem>>
        %get3A_257 = tpu.memref_squeeze %get3A_256 : memref<1x16384xf32, #tpu.memory_space<vmem>> -> memref<16384xf32, #tpu.memory_space<vmem>>
        %get3A_258 = arith.index_cast %mul3A_254 : i32 to index
        %get3A_259 = tpu.vector_load %get3A_257[%get3A_258] {strides = array<i32>} : memref<16384xf32, #tpu.memory_space<vmem>>, vector<16xf32>,
        %get3A_260 = vector.shape_cast %get3A_259 : vector<16xf32> to vector<16xf32>
        %sub3A_261 = arith.subf %get3A_260, %scan3A_34 : vector<16xf32>
        %mul3A_262 = arith.constant 2.000000e+01 : f32
        %mul3A_263 = vector.broadcast %mul3A_262 : f32 to vector<16xf32>
        %mul3A_264 = arith.mulf %sub3A_261, %mul3A_263 : vector<16xf32>
        %exp3A_265 = math.exp %mul3A_264 : vector<16xf32>
        %add3A_266 = arith.addf %add3A_250, %exp3A_265 : vector<16xf32>
        %scan3A_267 = arith.constant 7 : i32
        %scan3A_268 = arith.addi %scan3A_158, %scan3A_267 : i32
        %mul3A_269 = arith.constant 16 : i32
        %mul3A_270 = arith.muli %scan3A_268, %mul3A_269 : i32
        %get3A_271 = arith.constant 0 : i32
        %get3A_272 = tpu.memref_slice %arg5[%scan3A_38, %get3A_271] : memref<2x16384xf32, #tpu.memory_space<vmem>> -> memref<1x16384xf32, #tpu.memory_space<vmem>>
        %get3A_273 = tpu.memref_squeeze %get3A_272 : memref<1x16384xf32, #tpu.memory_space<vmem>> -> memref<16384xf32, #tpu.memory_space<vmem>>
        %get3A_274 = arith.index_cast %mul3A_270 : i32 to index
        %get3A_275 = tpu.vector_load %get3A_273[%get3A_274] {strides = array<i32>} : memref<16384xf32, #tpu.memory_space<vmem>>, vector<16xf32>,
        %get3A_276 = vector.shape_cast %get3A_275 : vector<16xf32> to vector<16xf32>
        %sub3A_277 = arith.subf %get3A_276, %scan3A_34 : vector<16xf32>
        %mul3A_278 = arith.constant 2.000000e+01 : f32
        %mul3A_279 = vector.broadcast %mul3A_278 : f32 to vector<16xf32>
        %mul3A_280 = arith.mulf %sub3A_277, %mul3A_279 : vector<16xf32>
        %exp3A_281 = math.exp %mul3A_280 : vector<16xf32>
        %add3A_282 = arith.addf %add3A_266, %exp3A_281 : vector<16xf32>
        %scan3A_283 = arith.constant 8 : i32
        %scan3A_284 = arith.addi %scan3A_158, %scan3A_283 : i32
        %mul3A_285 = arith.constant 16 : i32
        %mul3A_286 = arith.muli %scan3A_284, %mul3A_285 : i32
        %get3A_287 = arith.constant 0 : i32
        %get3A_288 = tpu.memref_slice %arg5[%scan3A_38, %get3A_287] : memref<2x16384xf32, #tpu.memory_space<vmem>> -> memref<1x16384xf32, #tpu.memory_space<vmem>>
        %get3A_289 = tpu.memref_squeeze %get3A_288 : memref<1x16384xf32, #tpu.memory_space<vmem>> -> memref<16384xf32, #tpu.memory_space<vmem>>
        %get3A_290 = arith.index_cast %mul3A_286 : i32 to index
        %get3A_291 = tpu.vector_load %get3A_289[%get3A_290] {strides = array<i32>} : memref<16384xf32, #tpu.memory_space<vmem>>, vector<16xf32>,
        %get3A_292 = vector.shape_cast %get3A_291 : vector<16xf32> to vector<16xf32>
        %sub3A_293 = arith.subf %get3A_292, %scan3A_34 : vector<16xf32>
        %mul3A_294 = arith.constant 2.000000e+01 : f32
        %mul3A_295 = vector.broadcast %mul3A_294 : f32 to vector<16xf32>
        %mul3A_296 = arith.mulf %sub3A_293, %mul3A_295 : vector<16xf32>
        %exp3A_297 = math.exp %mul3A_296 : vector<16xf32>
        %add3A_298 = arith.addf %add3A_282, %exp3A_297 : vector<16xf32>
        %scan3A_299 = arith.constant 9 : i32
        %scan3A_300 = arith.addi %scan3A_158, %scan3A_299 : i32
        %mul3A_301 = arith.constant 16 : i32
        %mul3A_302 = arith.muli %scan3A_300, %mul3A_301 : i32
        %get3A_303 = arith.constant 0 : i32
        %get3A_304 = tpu.memref_slice %arg5[%scan3A_38, %get3A_303] : memref<2x16384xf32, #tpu.memory_space<vmem>> -> memref<1x16384xf32, #tpu.memory_space<vmem>>
        %get3A_305 = tpu.memref_squeeze %get3A_304 : memref<1x16384xf32, #tpu.memory_space<vmem>> -> memref<16384xf32, #tpu.memory_space<vmem>>
        %get3A_306 = arith.index_cast %mul3A_302 : i32 to index
        %get3A_307 = tpu.vector_load %get3A_305[%get3A_306] {strides = array<i32>} : memref<16384xf32, #tpu.memory_space<vmem>>, vector<16xf32>,
        %get3A_308 = vector.shape_cast %get3A_307 : vector<16xf32> to vector<16xf32>
        %sub3A_309 = arith.subf %get3A_308, %scan3A_34 : vector<16xf32>
        %mul3A_310 = arith.constant 2.000000e+01 : f32
        %mul3A_311 = vector.broadcast %mul3A_310 : f32 to vector<16xf32>
        %mul3A_312 = arith.mulf %sub3A_309, %mul3A_311 : vector<16xf32>
        %exp3A_313 = math.exp %mul3A_312 : vector<16xf32>
        %add3A_314 = arith.addf %add3A_298, %exp3A_313 : vector<16xf32>
        %scan3A_315 = arith.constant 10 : i32
        %scan3A_316 = arith.addi %scan3A_158, %scan3A_315 : i32
        %mul3A_317 = arith.constant 16 : i32
        %mul3A_318 = arith.muli %scan3A_316, %mul3A_317 : i32
        %get3A_319 = arith.constant 0 : i32
        %get3A_320 = tpu.memref_slice %arg5[%scan3A_38, %get3A_319] : memref<2x16384xf32, #tpu.memory_space<vmem>> -> memref<1x16384xf32, #tpu.memory_space<vmem>>
        %get3A_321 = tpu.memref_squeeze %get3A_320 : memref<1x16384xf32, #tpu.memory_space<vmem>> -> memref<16384xf32, #tpu.memory_space<vmem>>
        %get3A_322 = arith.index_cast %mul3A_318 : i32 to index
        %get3A_323 = tpu.vector_load %get3A_321[%get3A_322] {strides = array<i32>} : memref<16384xf32, #tpu.memory_space<vmem>>, vector<16xf32>,
        %get3A_324 = vector.shape_cast %get3A_323 : vector<16xf32> to vector<16xf32>
        %sub3A_325 = arith.subf %get3A_324, %scan3A_34 : vector<16xf32>
        %mul3A_326 = arith.constant 2.000000e+01 : f32
        %mul3A_327 = vector.broadcast %mul3A_326 : f32 to vector<16xf32>
        %mul3A_328 = arith.mulf %sub3A_325, %mul3A_327 : vector<16xf32>
        %exp3A_329 = math.exp %mul3A_328 : vector<16xf32>
        %add3A_330 = arith.addf %add3A_314, %exp3A_329 : vector<16xf32>
        %scan3A_331 = arith.constant 11 : i32
        %scan3A_332 = arith.addi %scan3A_158, %scan3A_331 : i32
        %mul3A_333 = arith.constant 16 : i32
        %mul3A_334 = arith.muli %scan3A_332, %mul3A_333 : i32
        %get3A_335 = arith.constant 0 : i32
        %get3A_336 = tpu.memref_slice %arg5[%scan3A_38, %get3A_335] : memref<2x16384xf32, #tpu.memory_space<vmem>> -> memref<1x16384xf32, #tpu.memory_space<vmem>>
        %get3A_337 = tpu.memref_squeeze %get3A_336 : memref<1x16384xf32, #tpu.memory_space<vmem>> -> memref<16384xf32, #tpu.memory_space<vmem>>
        %get3A_338 = arith.index_cast %mul3A_334 : i32 to index
        %get3A_339 = tpu.vector_load %get3A_337[%get3A_338] {strides = array<i32>} : memref<16384xf32, #tpu.memory_space<vmem>>, vector<16xf32>,
        %get3A_340 = vector.shape_cast %get3A_339 : vector<16xf32> to vector<16xf32>
        %sub3A_341 = arith.subf %get3A_340, %scan3A_34 : vector<16xf32>
        %mul3A_342 = arith.constant 2.000000e+01 : f32
        %mul3A_343 = vector.broadcast %mul3A_342 : f32 to vector<16xf32>
        %mul3A_344 = arith.mulf %sub3A_341, %mul3A_343 : vector<16xf32>
        %exp3A_345 = math.exp %mul3A_344 : vector<16xf32>
        %add3A_346 = arith.addf %add3A_330, %exp3A_345 : vector<16xf32>
        %scan3A_347 = arith.constant 12 : i32
        %scan3A_348 = arith.addi %scan3A_158, %scan3A_347 : i32
        %mul3A_349 = arith.constant 16 : i32
        %mul3A_350 = arith.muli %scan3A_348, %mul3A_349 : i32
        %get3A_351 = arith.constant 0 : i32
        %get3A_352 = tpu.memref_slice %arg5[%scan3A_38, %get3A_351] : memref<2x16384xf32, #tpu.memory_space<vmem>> -> memref<1x16384xf32, #tpu.memory_space<vmem>>
        %get3A_353 = tpu.memref_squeeze %get3A_352 : memref<1x16384xf32, #tpu.memory_space<vmem>> -> memref<16384xf32, #tpu.memory_space<vmem>>
        %get3A_354 = arith.index_cast %mul3A_350 : i32 to index
        %get3A_355 = tpu.vector_load %get3A_353[%get3A_354] {strides = array<i32>} : memref<16384xf32, #tpu.memory_space<vmem>>, vector<16xf32>,
        %get3A_356 = vector.shape_cast %get3A_355 : vector<16xf32> to vector<16xf32>
        %sub3A_357 = arith.subf %get3A_356, %scan3A_34 : vector<16xf32>
        %mul3A_358 = arith.constant 2.000000e+01 : f32
        %mul3A_359 = vector.broadcast %mul3A_358 : f32 to vector<16xf32>
        %mul3A_360 = arith.mulf %sub3A_357, %mul3A_359 : vector<16xf32>
        %exp3A_361 = math.exp %mul3A_360 : vector<16xf32>
        %add3A_362 = arith.addf %add3A_346, %exp3A_361 : vector<16xf32>
        %scan3A_363 = arith.constant 13 : i32
        %scan3A_364 = arith.addi %scan3A_158, %scan3A_363 : i32
        %mul3A_365 = arith.constant 16 : i32
        %mul3A_366 = arith.muli %scan3A_364, %mul3A_365 : i32
        %get3A_367 = arith.constant 0 : i32
        %get3A_368 = tpu.memref_slice %arg5[%scan3A_38, %get3A_367] : memref<2x16384xf32, #tpu.memory_space<vmem>> -> memref<1x16384xf32, #tpu.memory_space<vmem>>
        %get3A_369 = tpu.memref_squeeze %get3A_368 : memref<1x16384xf32, #tpu.memory_space<vmem>> -> memref<16384xf32, #tpu.memory_space<vmem>>
        %get3A_370 = arith.index_cast %mul3A_366 : i32 to index
        %get3A_371 = tpu.vector_load %get3A_369[%get3A_370] {strides = array<i32>} : memref<16384xf32, #tpu.memory_space<vmem>>, vector<16xf32>,
        %get3A_372 = vector.shape_cast %get3A_371 : vector<16xf32> to vector<16xf32>
        %sub3A_373 = arith.subf %get3A_372, %scan3A_34 : vector<16xf32>
        %mul3A_374 = arith.constant 2.000000e+01 : f32
        %mul3A_375 = vector.broadcast %mul3A_374 : f32 to vector<16xf32>
        %mul3A_376 = arith.mulf %sub3A_373, %mul3A_375 : vector<16xf32>
        %exp3A_377 = math.exp %mul3A_376 : vector<16xf32>
        %add3A_378 = arith.addf %add3A_362, %exp3A_377 : vector<16xf32>
        %scan3A_379 = arith.constant 14 : i32
        %scan3A_380 = arith.addi %scan3A_158, %scan3A_379 : i32
        %mul3A_381 = arith.constant 16 : i32
        %mul3A_382 = arith.muli %scan3A_380, %mul3A_381 : i32
        %get3A_383 = arith.constant 0 : i32
        %get3A_384 = tpu.memref_slice %arg5[%scan3A_38, %get3A_383] : memref<2x16384xf32, #tpu.memory_space<vmem>> -> memref<1x16384xf32, #tpu.memory_space<vmem>>
        %get3A_385 = tpu.memref_squeeze %get3A_384 : memref<1x16384xf32, #tpu.memory_space<vmem>> -> memref<16384xf32, #tpu.memory_space<vmem>>
        %get3A_386 = arith.index_cast %mul3A_382 : i32 to index
        %get3A_387 = tpu.vector_load %get3A_385[%get3A_386] {strides = array<i32>} : memref<16384xf32, #tpu.memory_space<vmem>>, vector<16xf32>,
        %get3A_388 = vector.shape_cast %get3A_387 : vector<16xf32> to vector<16xf32>
        %sub3A_389 = arith.subf %get3A_388, %scan3A_34 : vector<16xf32>
        %mul3A_390 = arith.constant 2.000000e+01 : f32
        %mul3A_391 = vector.broadcast %mul3A_390 : f32 to vector<16xf32>
        %mul3A_392 = arith.mulf %sub3A_389, %mul3A_391 : vector<16xf32>
        %exp3A_393 = math.exp %mul3A_392 : vector<16xf32>
        %add3A_394 = arith.addf %add3A_378, %exp3A_393 : vector<16xf32>
        %scan3A_395 = arith.constant 15 : i32
        %scan3A_396 = arith.addi %scan3A_158, %scan3A_395 : i32
        %mul3A_397 = arith.constant 16 : i32
        %mul3A_398 = arith.muli %scan3A_396, %mul3A_397 : i32
        %get3A_399 = arith.constant 0 : i32
        %get3A_400 = tpu.memref_slice %arg5[%scan3A_38, %get3A_399] : memref<2x16384xf32, #tpu.memory_space<vmem>> -> memref<1x16384xf32, #tpu.memory_space<vmem>>
        %get3A_401 = tpu.memref_squeeze %get3A_400 : memref<1x16384xf32, #tpu.memory_space<vmem>> -> memref<16384xf32, #tpu.memory_space<vmem>>
        %get3A_402 = arith.index_cast %mul3A_398 : i32 to index
        %get3A_403 = tpu.vector_load %get3A_401[%get3A_402] {strides = array<i32>} : memref<16384xf32, #tpu.memory_space<vmem>>, vector<16xf32>,
        %get3A_404 = vector.shape_cast %get3A_403 : vector<16xf32> to vector<16xf32>
        %sub3A_405 = arith.subf %get3A_404, %scan3A_34 : vector<16xf32>
        %mul3A_406 = arith.constant 2.000000e+01 : f32
        %mul3A_407 = vector.broadcast %mul3A_406 : f32 to vector<16xf32>
        %mul3A_408 = arith.mulf %sub3A_405, %mul3A_407 : vector<16xf32>
        %exp3A_409 = math.exp %mul3A_408 : vector<16xf32>
        %add3A_410 = arith.addf %add3A_394, %exp3A_409 : vector<16xf32>
        scf.yield %add3A_410 : vector<16xf32>
      }
      %scan3A_44 = arith.constant 1024 : i32
      %swap3A = arith.index_cast %add3A_27 : i32 to index
      %swap3A_45 = arith.constant 0 : index
      %swap3A_46 = tpu.vector_load %arg7[%swap3A, %swap3A_45] {strides = array<i32>} : memref<40x16xf32, #tpu.memory_space<vmem>>, vector<1x16xf32>,
      %swap3A_47 = vector.shape_cast %swap3A_46 : vector<1x16xf32> to vector<16xf32>
      %swap3A_48 = vector.shape_cast %scan3A_34 : vector<16xf32> to vector<1x16xf32>
      tpu.vector_store %arg7[%swap3A, %swap3A_45], %swap3A_48 {strides = array<i32>} : memref<40x16xf32, #tpu.memory_space<vmem>>, vector<1x16xf32>,
      %swap3A_49 = arith.index_cast %add3A_27 : i32 to index
      %swap3A_50 = arith.constant 0 : index
      %swap3A_51 = tpu.vector_load %arg8[%swap3A_49, %swap3A_50] {strides = array<i32>} : memref<40x16xf32, #tpu.memory_space<vmem>>, vector<1x16xf32>,
      %swap3A_52 = vector.shape_cast %swap3A_51 : vector<1x16xf32> to vector<16xf32>
      %swap3A_53 = vector.shape_cast %scan3A_43 : vector<16xf32> to vector<1x16xf32>
      tpu.vector_store %arg8[%swap3A_49, %swap3A_50], %swap3A_53 {strides = array<i32>} : memref<40x16xf32, #tpu.memory_space<vmem>>, vector<1x16xf32>,
      %add3A_54 = arith.constant 1 : i32
      %add3A_55 = arith.addi %mul3A_13, %add3A_54 : i32
      %broadcast_in_dim3A_56 = arith.constant -3.000000e+38 : f32
      %broadcast_in_dim3A_57 = vector.broadcast %broadcast_in_dim3A_56 : f32 to vector<16xf32>
      %scan3A_58 = arith.constant 1 : i32
      %scan3A_59 = arith.constant 0 : i32
      %scan3A_60 = arith.constant 1024 : i32
      %scan3A_61 = arith.addi %scan3A_59, %scan3A_60 : i32
      %scan3A_62 = arith.constant 16 : i32
      %scan3A_63 = scf.for %scan3A_158 = %scan3A_59 to %scan3A_61 step %scan3A_62 iter_args(%scan3A_159 = %broadcast_in_dim3A_57) -> (vector<16xf32>)  : i32 {
        %mul3A_160 = arith.constant 16 : i32
        %mul3A_161 = arith.muli %scan3A_158, %mul3A_160 : i32
        %get3A = arith.constant 0 : i32
        %get3A_162 = tpu.memref_slice %arg5[%scan3A_58, %get3A] : memref<2x16384xf32, #tpu.memory_space<vmem>> -> memref<1x16384xf32, #tpu.memory_space<vmem>>
        %get3A_163 = tpu.memref_squeeze %get3A_162 : memref<1x16384xf32, #tpu.memory_space<vmem>> -> memref<16384xf32, #tpu.memory_space<vmem>>
        %get3A_164 = arith.index_cast %mul3A_161 : i32 to index
        %get3A_165 = tpu.vector_load %get3A_163[%get3A_164] {strides = array<i32>} : memref<16384xf32, #tpu.memory_space<vmem>>, vector<16xf32>,
        %get3A_166 = vector.shape_cast %get3A_165 : vector<16xf32> to vector<16xf32>
        %max3A = arith.maximumf %scan3A_159, %get3A_166 : vector<16xf32>
        %scan3A_167 = arith.constant 1 : i32
        %scan3A_168 = arith.addi %scan3A_158, %scan3A_167 : i32
        %mul3A_169 = arith.constant 16 : i32
        %mul3A_170 = arith.muli %scan3A_168, %mul3A_169 : i32
        %get3A_171 = arith.constant 0 : i32
        %get3A_172 = tpu.memref_slice %arg5[%scan3A_58, %get3A_171] : memref<2x16384xf32, #tpu.memory_space<vmem>> -> memref<1x16384xf32, #tpu.memory_space<vmem>>
        %get3A_173 = tpu.memref_squeeze %get3A_172 : memref<1x16384xf32, #tpu.memory_space<vmem>> -> memref<16384xf32, #tpu.memory_space<vmem>>
        %get3A_174 = arith.index_cast %mul3A_170 : i32 to index
        %get3A_175 = tpu.vector_load %get3A_173[%get3A_174] {strides = array<i32>} : memref<16384xf32, #tpu.memory_space<vmem>>, vector<16xf32>,
        %get3A_176 = vector.shape_cast %get3A_175 : vector<16xf32> to vector<16xf32>
        %max3A_177 = arith.maximumf %max3A, %get3A_176 : vector<16xf32>
        %scan3A_178 = arith.constant 2 : i32
        %scan3A_179 = arith.addi %scan3A_158, %scan3A_178 : i32
        %mul3A_180 = arith.constant 16 : i32
        %mul3A_181 = arith.muli %scan3A_179, %mul3A_180 : i32
        %get3A_182 = arith.constant 0 : i32
        %get3A_183 = tpu.memref_slice %arg5[%scan3A_58, %get3A_182] : memref<2x16384xf32, #tpu.memory_space<vmem>> -> memref<1x16384xf32, #tpu.memory_space<vmem>>
        %get3A_184 = tpu.memref_squeeze %get3A_183 : memref<1x16384xf32, #tpu.memory_space<vmem>> -> memref<16384xf32, #tpu.memory_space<vmem>>
        %get3A_185 = arith.index_cast %mul3A_181 : i32 to index
        %get3A_186 = tpu.vector_load %get3A_184[%get3A_185] {strides = array<i32>} : memref<16384xf32, #tpu.memory_space<vmem>>, vector<16xf32>,
        %get3A_187 = vector.shape_cast %get3A_186 : vector<16xf32> to vector<16xf32>
        %max3A_188 = arith.maximumf %max3A_177, %get3A_187 : vector<16xf32>
        %scan3A_189 = arith.constant 3 : i32
        %scan3A_190 = arith.addi %scan3A_158, %scan3A_189 : i32
        %mul3A_191 = arith.constant 16 : i32
        %mul3A_192 = arith.muli %scan3A_190, %mul3A_191 : i32
        %get3A_193 = arith.constant 0 : i32
        %get3A_194 = tpu.memref_slice %arg5[%scan3A_58, %get3A_193] : memref<2x16384xf32, #tpu.memory_space<vmem>> -> memref<1x16384xf32, #tpu.memory_space<vmem>>
        %get3A_195 = tpu.memref_squeeze %get3A_194 : memref<1x16384xf32, #tpu.memory_space<vmem>> -> memref<16384xf32, #tpu.memory_space<vmem>>
        %get3A_196 = arith.index_cast %mul3A_192 : i32 to index
        %get3A_197 = tpu.vector_load %get3A_195[%get3A_196] {strides = array<i32>} : memref<16384xf32, #tpu.memory_space<vmem>>, vector<16xf32>,
        %get3A_198 = vector.shape_cast %get3A_197 : vector<16xf32> to vector<16xf32>
        %max3A_199 = arith.maximumf %max3A_188, %get3A_198 : vector<16xf32>
        %scan3A_200 = arith.constant 4 : i32
        %scan3A_201 = arith.addi %scan3A_158, %scan3A_200 : i32
        %mul3A_202 = arith.constant 16 : i32
        %mul3A_203 = arith.muli %scan3A_201, %mul3A_202 : i32
        %get3A_204 = arith.constant 0 : i32
        %get3A_205 = tpu.memref_slice %arg5[%scan3A_58, %get3A_204] : memref<2x16384xf32, #tpu.memory_space<vmem>> -> memref<1x16384xf32, #tpu.memory_space<vmem>>
        %get3A_206 = tpu.memref_squeeze %get3A_205 : memref<1x16384xf32, #tpu.memory_space<vmem>> -> memref<16384xf32, #tpu.memory_space<vmem>>
        %get3A_207 = arith.index_cast %mul3A_203 : i32 to index
        %get3A_208 = tpu.vector_load %get3A_206[%get3A_207] {strides = array<i32>} : memref<16384xf32, #tpu.memory_space<vmem>>, vector<16xf32>,
        %get3A_209 = vector.shape_cast %get3A_208 : vector<16xf32> to vector<16xf32>
        %max3A_210 = arith.maximumf %max3A_199, %get3A_209 : vector<16xf32>
        %scan3A_211 = arith.constant 5 : i32
        %scan3A_212 = arith.addi %scan3A_158, %scan3A_211 : i32
        %mul3A_213 = arith.constant 16 : i32
        %mul3A_214 = arith.muli %scan3A_212, %mul3A_213 : i32
        %get3A_215 = arith.constant 0 : i32
        %get3A_216 = tpu.memref_slice %arg5[%scan3A_58, %get3A_215] : memref<2x16384xf32, #tpu.memory_space<vmem>> -> memref<1x16384xf32, #tpu.memory_space<vmem>>
        %get3A_217 = tpu.memref_squeeze %get3A_216 : memref<1x16384xf32, #tpu.memory_space<vmem>> -> memref<16384xf32, #tpu.memory_space<vmem>>
        %get3A_218 = arith.index_cast %mul3A_214 : i32 to index
        %get3A_219 = tpu.vector_load %get3A_217[%get3A_218] {strides = array<i32>} : memref<16384xf32, #tpu.memory_space<vmem>>, vector<16xf32>,
        %get3A_220 = vector.shape_cast %get3A_219 : vector<16xf32> to vector<16xf32>
        %max3A_221 = arith.maximumf %max3A_210, %get3A_220 : vector<16xf32>
        %scan3A_222 = arith.constant 6 : i32
        %scan3A_223 = arith.addi %scan3A_158, %scan3A_222 : i32
        %mul3A_224 = arith.constant 16 : i32
        %mul3A_225 = arith.muli %scan3A_223, %mul3A_224 : i32
        %get3A_226 = arith.constant 0 : i32
        %get3A_227 = tpu.memref_slice %arg5[%scan3A_58, %get3A_226] : memref<2x16384xf32, #tpu.memory_space<vmem>> -> memref<1x16384xf32, #tpu.memory_space<vmem>>
        %get3A_228 = tpu.memref_squeeze %get3A_227 : memref<1x16384xf32, #tpu.memory_space<vmem>> -> memref<16384xf32, #tpu.memory_space<vmem>>
        %get3A_229 = arith.index_cast %mul3A_225 : i32 to index
        %get3A_230 = tpu.vector_load %get3A_228[%get3A_229] {strides = array<i32>} : memref<16384xf32, #tpu.memory_space<vmem>>, vector<16xf32>,
        %get3A_231 = vector.shape_cast %get3A_230 : vector<16xf32> to vector<16xf32>
        %max3A_232 = arith.maximumf %max3A_221, %get3A_231 : vector<16xf32>
        %scan3A_233 = arith.constant 7 : i32
        %scan3A_234 = arith.addi %scan3A_158, %scan3A_233 : i32
        %mul3A_235 = arith.constant 16 : i32
        %mul3A_236 = arith.muli %scan3A_234, %mul3A_235 : i32
        %get3A_237 = arith.constant 0 : i32
        %get3A_238 = tpu.memref_slice %arg5[%scan3A_58, %get3A_237] : memref<2x16384xf32, #tpu.memory_space<vmem>> -> memref<1x16384xf32, #tpu.memory_space<vmem>>
        %get3A_239 = tpu.memref_squeeze %get3A_238 : memref<1x16384xf32, #tpu.memory_space<vmem>> -> memref<16384xf32, #tpu.memory_space<vmem>>
        %get3A_240 = arith.index_cast %mul3A_236 : i32 to index
        %get3A_241 = tpu.vector_load %get3A_239[%get3A_240] {strides = array<i32>} : memref<16384xf32, #tpu.memory_space<vmem>>, vector<16xf32>,
        %get3A_242 = vector.shape_cast %get3A_241 : vector<16xf32> to vector<16xf32>
        %max3A_243 = arith.maximumf %max3A_232, %get3A_242 : vector<16xf32>
        %scan3A_244 = arith.constant 8 : i32
        %scan3A_245 = arith.addi %scan3A_158, %scan3A_244 : i32
        %mul3A_246 = arith.constant 16 : i32
        %mul3A_247 = arith.muli %scan3A_245, %mul3A_246 : i32
        %get3A_248 = arith.constant 0 : i32
        %get3A_249 = tpu.memref_slice %arg5[%scan3A_58, %get3A_248] : memref<2x16384xf32, #tpu.memory_space<vmem>> -> memref<1x16384xf32, #tpu.memory_space<vmem>>
        %get3A_250 = tpu.memref_squeeze %get3A_249 : memref<1x16384xf32, #tpu.memory_space<vmem>> -> memref<16384xf32, #tpu.memory_space<vmem>>
        %get3A_251 = arith.index_cast %mul3A_247 : i32 to index
        %get3A_252 = tpu.vector_load %get3A_250[%get3A_251] {strides = array<i32>} : memref<16384xf32, #tpu.memory_space<vmem>>, vector<16xf32>,
        %get3A_253 = vector.shape_cast %get3A_252 : vector<16xf32> to vector<16xf32>
        %max3A_254 = arith.maximumf %max3A_243, %get3A_253 : vector<16xf32>
        %scan3A_255 = arith.constant 9 : i32
        %scan3A_256 = arith.addi %scan3A_158, %scan3A_255 : i32
        %mul3A_257 = arith.constant 16 : i32
        %mul3A_258 = arith.muli %scan3A_256, %mul3A_257 : i32
        %get3A_259 = arith.constant 0 : i32
        %get3A_260 = tpu.memref_slice %arg5[%scan3A_58, %get3A_259] : memref<2x16384xf32, #tpu.memory_space<vmem>> -> memref<1x16384xf32, #tpu.memory_space<vmem>>
        %get3A_261 = tpu.memref_squeeze %get3A_260 : memref<1x16384xf32, #tpu.memory_space<vmem>> -> memref<16384xf32, #tpu.memory_space<vmem>>
        %get3A_262 = arith.index_cast %mul3A_258 : i32 to index
        %get3A_263 = tpu.vector_load %get3A_261[%get3A_262] {strides = array<i32>} : memref<16384xf32, #tpu.memory_space<vmem>>, vector<16xf32>,
        %get3A_264 = vector.shape_cast %get3A_263 : vector<16xf32> to vector<16xf32>
        %max3A_265 = arith.maximumf %max3A_254, %get3A_264 : vector<16xf32>
        %scan3A_266 = arith.constant 10 : i32
        %scan3A_267 = arith.addi %scan3A_158, %scan3A_266 : i32
        %mul3A_268 = arith.constant 16 : i32
        %mul3A_269 = arith.muli %scan3A_267, %mul3A_268 : i32
        %get3A_270 = arith.constant 0 : i32
        %get3A_271 = tpu.memref_slice %arg5[%scan3A_58, %get3A_270] : memref<2x16384xf32, #tpu.memory_space<vmem>> -> memref<1x16384xf32, #tpu.memory_space<vmem>>
        %get3A_272 = tpu.memref_squeeze %get3A_271 : memref<1x16384xf32, #tpu.memory_space<vmem>> -> memref<16384xf32, #tpu.memory_space<vmem>>
        %get3A_273 = arith.index_cast %mul3A_269 : i32 to index
        %get3A_274 = tpu.vector_load %get3A_272[%get3A_273] {strides = array<i32>} : memref<16384xf32, #tpu.memory_space<vmem>>, vector<16xf32>,
        %get3A_275 = vector.shape_cast %get3A_274 : vector<16xf32> to vector<16xf32>
        %max3A_276 = arith.maximumf %max3A_265, %get3A_275 : vector<16xf32>
        %scan3A_277 = arith.constant 11 : i32
        %scan3A_278 = arith.addi %scan3A_158, %scan3A_277 : i32
        %mul3A_279 = arith.constant 16 : i32
        %mul3A_280 = arith.muli %scan3A_278, %mul3A_279 : i32
        %get3A_281 = arith.constant 0 : i32
        %get3A_282 = tpu.memref_slice %arg5[%scan3A_58, %get3A_281] : memref<2x16384xf32, #tpu.memory_space<vmem>> -> memref<1x16384xf32, #tpu.memory_space<vmem>>
        %get3A_283 = tpu.memref_squeeze %get3A_282 : memref<1x16384xf32, #tpu.memory_space<vmem>> -> memref<16384xf32, #tpu.memory_space<vmem>>
        %get3A_284 = arith.index_cast %mul3A_280 : i32 to index
        %get3A_285 = tpu.vector_load %get3A_283[%get3A_284] {strides = array<i32>} : memref<16384xf32, #tpu.memory_space<vmem>>, vector<16xf32>,
        %get3A_286 = vector.shape_cast %get3A_285 : vector<16xf32> to vector<16xf32>
        %max3A_287 = arith.maximumf %max3A_276, %get3A_286 : vector<16xf32>
        %scan3A_288 = arith.constant 12 : i32
        %scan3A_289 = arith.addi %scan3A_158, %scan3A_288 : i32
        %mul3A_290 = arith.constant 16 : i32
        %mul3A_291 = arith.muli %scan3A_289, %mul3A_290 : i32
        %get3A_292 = arith.constant 0 : i32
        %get3A_293 = tpu.memref_slice %arg5[%scan3A_58, %get3A_292] : memref<2x16384xf32, #tpu.memory_space<vmem>> -> memref<1x16384xf32, #tpu.memory_space<vmem>>
        %get3A_294 = tpu.memref_squeeze %get3A_293 : memref<1x16384xf32, #tpu.memory_space<vmem>> -> memref<16384xf32, #tpu.memory_space<vmem>>
        %get3A_295 = arith.index_cast %mul3A_291 : i32 to index
        %get3A_296 = tpu.vector_load %get3A_294[%get3A_295] {strides = array<i32>} : memref<16384xf32, #tpu.memory_space<vmem>>, vector<16xf32>,
        %get3A_297 = vector.shape_cast %get3A_296 : vector<16xf32> to vector<16xf32>
        %max3A_298 = arith.maximumf %max3A_287, %get3A_297 : vector<16xf32>
        %scan3A_299 = arith.constant 13 : i32
        %scan3A_300 = arith.addi %scan3A_158, %scan3A_299 : i32
        %mul3A_301 = arith.constant 16 : i32
        %mul3A_302 = arith.muli %scan3A_300, %mul3A_301 : i32
        %get3A_303 = arith.constant 0 : i32
        %get3A_304 = tpu.memref_slice %arg5[%scan3A_58, %get3A_303] : memref<2x16384xf32, #tpu.memory_space<vmem>> -> memref<1x16384xf32, #tpu.memory_space<vmem>>
        %get3A_305 = tpu.memref_squeeze %get3A_304 : memref<1x16384xf32, #tpu.memory_space<vmem>> -> memref<16384xf32, #tpu.memory_space<vmem>>
        %get3A_306 = arith.index_cast %mul3A_302 : i32 to index
        %get3A_307 = tpu.vector_load %get3A_305[%get3A_306] {strides = array<i32>} : memref<16384xf32, #tpu.memory_space<vmem>>, vector<16xf32>,
        %get3A_308 = vector.shape_cast %get3A_307 : vector<16xf32> to vector<16xf32>
        %max3A_309 = arith.maximumf %max3A_298, %get3A_308 : vector<16xf32>
        %scan3A_310 = arith.constant 14 : i32
        %scan3A_311 = arith.addi %scan3A_158, %scan3A_310 : i32
        %mul3A_312 = arith.constant 16 : i32
        %mul3A_313 = arith.muli %scan3A_311, %mul3A_312 : i32
        %get3A_314 = arith.constant 0 : i32
        %get3A_315 = tpu.memref_slice %arg5[%scan3A_58, %get3A_314] : memref<2x16384xf32, #tpu.memory_space<vmem>> -> memref<1x16384xf32, #tpu.memory_space<vmem>>
        %get3A_316 = tpu.memref_squeeze %get3A_315 : memref<1x16384xf32, #tpu.memory_space<vmem>> -> memref<16384xf32, #tpu.memory_space<vmem>>
        %get3A_317 = arith.index_cast %mul3A_313 : i32 to index
        %get3A_318 = tpu.vector_load %get3A_316[%get3A_317] {strides = array<i32>} : memref<16384xf32, #tpu.memory_space<vmem>>, vector<16xf32>,
        %get3A_319 = vector.shape_cast %get3A_318 : vector<16xf32> to vector<16xf32>
        %max3A_320 = arith.maximumf %max3A_309, %get3A_319 : vector<16xf32>
        %scan3A_321 = arith.constant 15 : i32
        %scan3A_322 = arith.addi %scan3A_158, %scan3A_321 : i32
        %mul3A_323 = arith.constant 16 : i32
        %mul3A_324 = arith.muli %scan3A_322, %mul3A_323 : i32
        %get3A_325 = arith.constant 0 : i32
        %get3A_326 = tpu.memref_slice %arg5[%scan3A_58, %get3A_325] : memref<2x16384xf32, #tpu.memory_space<vmem>> -> memref<1x16384xf32, #tpu.memory_space<vmem>>
        %get3A_327 = tpu.memref_squeeze %get3A_326 : memref<1x16384xf32, #tpu.memory_space<vmem>> -> memref<16384xf32, #tpu.memory_space<vmem>>
        %get3A_328 = arith.index_cast %mul3A_324 : i32 to index
        %get3A_329 = tpu.vector_load %get3A_327[%get3A_328] {strides = array<i32>} : memref<16384xf32, #tpu.memory_space<vmem>>, vector<16xf32>,
        %get3A_330 = vector.shape_cast %get3A_329 : vector<16xf32> to vector<16xf32>
        %max3A_331 = arith.maximumf %max3A_320, %get3A_330 : vector<16xf32>
        scf.yield %max3A_331 : vector<16xf32>
      }
      %scan3A_64 = arith.constant 1024 : i32
      %broadcast_in_dim3A_65 = arith.constant 0.000000e+00 : f32
      %broadcast_in_dim3A_66 = vector.broadcast %broadcast_in_dim3A_65 : f32 to vector<16xf32>
      %scan3A_67 = arith.constant 1 : i32
      %scan3A_68 = arith.constant 0 : i32
      %scan3A_69 = arith.constant 1024 : i32
      %scan3A_70 = arith.addi %scan3A_68, %scan3A_69 : i32
      %scan3A_71 = arith.constant 16 : i32
      %scan3A_72 = scf.for %scan3A_158 = %scan3A_68 to %scan3A_70 step %scan3A_71 iter_args(%scan3A_159 = %broadcast_in_dim3A_66) -> (vector<16xf32>)  : i32 {
        %mul3A_160 = arith.constant 16 : i32
        %mul3A_161 = arith.muli %scan3A_158, %mul3A_160 : i32
        %get3A = arith.constant 0 : i32
        %get3A_162 = tpu.memref_slice %arg5[%scan3A_67, %get3A] : memref<2x16384xf32, #tpu.memory_space<vmem>> -> memref<1x16384xf32, #tpu.memory_space<vmem>>
        %get3A_163 = tpu.memref_squeeze %get3A_162 : memref<1x16384xf32, #tpu.memory_space<vmem>> -> memref<16384xf32, #tpu.memory_space<vmem>>
        %get3A_164 = arith.index_cast %mul3A_161 : i32 to index
        %get3A_165 = tpu.vector_load %get3A_163[%get3A_164] {strides = array<i32>} : memref<16384xf32, #tpu.memory_space<vmem>>, vector<16xf32>,
        %get3A_166 = vector.shape_cast %get3A_165 : vector<16xf32> to vector<16xf32>
        %sub3A = arith.subf %get3A_166, %scan3A_63 : vector<16xf32>
        %mul3A_167 = arith.constant 2.000000e+01 : f32
        %mul3A_168 = vector.broadcast %mul3A_167 : f32 to vector<16xf32>
        %mul3A_169 = arith.mulf %sub3A, %mul3A_168 : vector<16xf32>
        %exp3A = math.exp %mul3A_169 : vector<16xf32>
        %add3A_170 = arith.addf %scan3A_159, %exp3A : vector<16xf32>
        %scan3A_171 = arith.constant 1 : i32
        %scan3A_172 = arith.addi %scan3A_158, %scan3A_171 : i32
        %mul3A_173 = arith.constant 16 : i32
        %mul3A_174 = arith.muli %scan3A_172, %mul3A_173 : i32
        %get3A_175 = arith.constant 0 : i32
        %get3A_176 = tpu.memref_slice %arg5[%scan3A_67, %get3A_175] : memref<2x16384xf32, #tpu.memory_space<vmem>> -> memref<1x16384xf32, #tpu.memory_space<vmem>>
        %get3A_177 = tpu.memref_squeeze %get3A_176 : memref<1x16384xf32, #tpu.memory_space<vmem>> -> memref<16384xf32, #tpu.memory_space<vmem>>
        %get3A_178 = arith.index_cast %mul3A_174 : i32 to index
        %get3A_179 = tpu.vector_load %get3A_177[%get3A_178] {strides = array<i32>} : memref<16384xf32, #tpu.memory_space<vmem>>, vector<16xf32>,
        %get3A_180 = vector.shape_cast %get3A_179 : vector<16xf32> to vector<16xf32>
        %sub3A_181 = arith.subf %get3A_180, %scan3A_63 : vector<16xf32>
        %mul3A_182 = arith.constant 2.000000e+01 : f32
        %mul3A_183 = vector.broadcast %mul3A_182 : f32 to vector<16xf32>
        %mul3A_184 = arith.mulf %sub3A_181, %mul3A_183 : vector<16xf32>
        %exp3A_185 = math.exp %mul3A_184 : vector<16xf32>
        %add3A_186 = arith.addf %add3A_170, %exp3A_185 : vector<16xf32>
        %scan3A_187 = arith.constant 2 : i32
        %scan3A_188 = arith.addi %scan3A_158, %scan3A_187 : i32
        %mul3A_189 = arith.constant 16 : i32
        %mul3A_190 = arith.muli %scan3A_188, %mul3A_189 : i32
        %get3A_191 = arith.constant 0 : i32
        %get3A_192 = tpu.memref_slice %arg5[%scan3A_67, %get3A_191] : memref<2x16384xf32, #tpu.memory_space<vmem>> -> memref<1x16384xf32, #tpu.memory_space<vmem>>
        %get3A_193 = tpu.memref_squeeze %get3A_192 : memref<1x16384xf32, #tpu.memory_space<vmem>> -> memref<16384xf32, #tpu.memory_space<vmem>>
        %get3A_194 = arith.index_cast %mul3A_190 : i32 to index
        %get3A_195 = tpu.vector_load %get3A_193[%get3A_194] {strides = array<i32>} : memref<16384xf32, #tpu.memory_space<vmem>>, vector<16xf32>,
        %get3A_196 = vector.shape_cast %get3A_195 : vector<16xf32> to vector<16xf32>
        %sub3A_197 = arith.subf %get3A_196, %scan3A_63 : vector<16xf32>
        %mul3A_198 = arith.constant 2.000000e+01 : f32
        %mul3A_199 = vector.broadcast %mul3A_198 : f32 to vector<16xf32>
        %mul3A_200 = arith.mulf %sub3A_197, %mul3A_199 : vector<16xf32>
        %exp3A_201 = math.exp %mul3A_200 : vector<16xf32>
        %add3A_202 = arith.addf %add3A_186, %exp3A_201 : vector<16xf32>
        %scan3A_203 = arith.constant 3 : i32
        %scan3A_204 = arith.addi %scan3A_158, %scan3A_203 : i32
        %mul3A_205 = arith.constant 16 : i32
        %mul3A_206 = arith.muli %scan3A_204, %mul3A_205 : i32
        %get3A_207 = arith.constant 0 : i32
        %get3A_208 = tpu.memref_slice %arg5[%scan3A_67, %get3A_207] : memref<2x16384xf32, #tpu.memory_space<vmem>> -> memref<1x16384xf32, #tpu.memory_space<vmem>>
        %get3A_209 = tpu.memref_squeeze %get3A_208 : memref<1x16384xf32, #tpu.memory_space<vmem>> -> memref<16384xf32, #tpu.memory_space<vmem>>
        %get3A_210 = arith.index_cast %mul3A_206 : i32 to index
        %get3A_211 = tpu.vector_load %get3A_209[%get3A_210] {strides = array<i32>} : memref<16384xf32, #tpu.memory_space<vmem>>, vector<16xf32>,
        %get3A_212 = vector.shape_cast %get3A_211 : vector<16xf32> to vector<16xf32>
        %sub3A_213 = arith.subf %get3A_212, %scan3A_63 : vector<16xf32>
        %mul3A_214 = arith.constant 2.000000e+01 : f32
        %mul3A_215 = vector.broadcast %mul3A_214 : f32 to vector<16xf32>
        %mul3A_216 = arith.mulf %sub3A_213, %mul3A_215 : vector<16xf32>
        %exp3A_217 = math.exp %mul3A_216 : vector<16xf32>
        %add3A_218 = arith.addf %add3A_202, %exp3A_217 : vector<16xf32>
        %scan3A_219 = arith.constant 4 : i32
        %scan3A_220 = arith.addi %scan3A_158, %scan3A_219 : i32
        %mul3A_221 = arith.constant 16 : i32
        %mul3A_222 = arith.muli %scan3A_220, %mul3A_221 : i32
        %get3A_223 = arith.constant 0 : i32
        %get3A_224 = tpu.memref_slice %arg5[%scan3A_67, %get3A_223] : memref<2x16384xf32, #tpu.memory_space<vmem>> -> memref<1x16384xf32, #tpu.memory_space<vmem>>
        %get3A_225 = tpu.memref_squeeze %get3A_224 : memref<1x16384xf32, #tpu.memory_space<vmem>> -> memref<16384xf32, #tpu.memory_space<vmem>>
        %get3A_226 = arith.index_cast %mul3A_222 : i32 to index
        %get3A_227 = tpu.vector_load %get3A_225[%get3A_226] {strides = array<i32>} : memref<16384xf32, #tpu.memory_space<vmem>>, vector<16xf32>,
        %get3A_228 = vector.shape_cast %get3A_227 : vector<16xf32> to vector<16xf32>
        %sub3A_229 = arith.subf %get3A_228, %scan3A_63 : vector<16xf32>
        %mul3A_230 = arith.constant 2.000000e+01 : f32
        %mul3A_231 = vector.broadcast %mul3A_230 : f32 to vector<16xf32>
        %mul3A_232 = arith.mulf %sub3A_229, %mul3A_231 : vector<16xf32>
        %exp3A_233 = math.exp %mul3A_232 : vector<16xf32>
        %add3A_234 = arith.addf %add3A_218, %exp3A_233 : vector<16xf32>
        %scan3A_235 = arith.constant 5 : i32
        %scan3A_236 = arith.addi %scan3A_158, %scan3A_235 : i32
        %mul3A_237 = arith.constant 16 : i32
        %mul3A_238 = arith.muli %scan3A_236, %mul3A_237 : i32
        %get3A_239 = arith.constant 0 : i32
        %get3A_240 = tpu.memref_slice %arg5[%scan3A_67, %get3A_239] : memref<2x16384xf32, #tpu.memory_space<vmem>> -> memref<1x16384xf32, #tpu.memory_space<vmem>>
        %get3A_241 = tpu.memref_squeeze %get3A_240 : memref<1x16384xf32, #tpu.memory_space<vmem>> -> memref<16384xf32, #tpu.memory_space<vmem>>
        %get3A_242 = arith.index_cast %mul3A_238 : i32 to index
        %get3A_243 = tpu.vector_load %get3A_241[%get3A_242] {strides = array<i32>} : memref<16384xf32, #tpu.memory_space<vmem>>, vector<16xf32>,
        %get3A_244 = vector.shape_cast %get3A_243 : vector<16xf32> to vector<16xf32>
        %sub3A_245 = arith.subf %get3A_244, %scan3A_63 : vector<16xf32>
        %mul3A_246 = arith.constant 2.000000e+01 : f32
        %mul3A_247 = vector.broadcast %mul3A_246 : f32 to vector<16xf32>
        %mul3A_248 = arith.mulf %sub3A_245, %mul3A_247 : vector<16xf32>
        %exp3A_249 = math.exp %mul3A_248 : vector<16xf32>
        %add3A_250 = arith.addf %add3A_234, %exp3A_249 : vector<16xf32>
        %scan3A_251 = arith.constant 6 : i32
        %scan3A_252 = arith.addi %scan3A_158, %scan3A_251 : i32
        %mul3A_253 = arith.constant 16 : i32
        %mul3A_254 = arith.muli %scan3A_252, %mul3A_253 : i32
        %get3A_255 = arith.constant 0 : i32
        %get3A_256 = tpu.memref_slice %arg5[%scan3A_67, %get3A_255] : memref<2x16384xf32, #tpu.memory_space<vmem>> -> memref<1x16384xf32, #tpu.memory_space<vmem>>
        %get3A_257 = tpu.memref_squeeze %get3A_256 : memref<1x16384xf32, #tpu.memory_space<vmem>> -> memref<16384xf32, #tpu.memory_space<vmem>>
        %get3A_258 = arith.index_cast %mul3A_254 : i32 to index
        %get3A_259 = tpu.vector_load %get3A_257[%get3A_258] {strides = array<i32>} : memref<16384xf32, #tpu.memory_space<vmem>>, vector<16xf32>,
        %get3A_260 = vector.shape_cast %get3A_259 : vector<16xf32> to vector<16xf32>
        %sub3A_261 = arith.subf %get3A_260, %scan3A_63 : vector<16xf32>
        %mul3A_262 = arith.constant 2.000000e+01 : f32
        %mul3A_263 = vector.broadcast %mul3A_262 : f32 to vector<16xf32>
        %mul3A_264 = arith.mulf %sub3A_261, %mul3A_263 : vector<16xf32>
        %exp3A_265 = math.exp %mul3A_264 : vector<16xf32>
        %add3A_266 = arith.addf %add3A_250, %exp3A_265 : vector<16xf32>
        %scan3A_267 = arith.constant 7 : i32
        %scan3A_268 = arith.addi %scan3A_158, %scan3A_267 : i32
        %mul3A_269 = arith.constant 16 : i32
        %mul3A_270 = arith.muli %scan3A_268, %mul3A_269 : i32
        %get3A_271 = arith.constant 0 : i32
        %get3A_272 = tpu.memref_slice %arg5[%scan3A_67, %get3A_271] : memref<2x16384xf32, #tpu.memory_space<vmem>> -> memref<1x16384xf32, #tpu.memory_space<vmem>>
        %get3A_273 = tpu.memref_squeeze %get3A_272 : memref<1x16384xf32, #tpu.memory_space<vmem>> -> memref<16384xf32, #tpu.memory_space<vmem>>
        %get3A_274 = arith.index_cast %mul3A_270 : i32 to index
        %get3A_275 = tpu.vector_load %get3A_273[%get3A_274] {strides = array<i32>} : memref<16384xf32, #tpu.memory_space<vmem>>, vector<16xf32>,
        %get3A_276 = vector.shape_cast %get3A_275 : vector<16xf32> to vector<16xf32>
        %sub3A_277 = arith.subf %get3A_276, %scan3A_63 : vector<16xf32>
        %mul3A_278 = arith.constant 2.000000e+01 : f32
        %mul3A_279 = vector.broadcast %mul3A_278 : f32 to vector<16xf32>
        %mul3A_280 = arith.mulf %sub3A_277, %mul3A_279 : vector<16xf32>
        %exp3A_281 = math.exp %mul3A_280 : vector<16xf32>
        %add3A_282 = arith.addf %add3A_266, %exp3A_281 : vector<16xf32>
        %scan3A_283 = arith.constant 8 : i32
        %scan3A_284 = arith.addi %scan3A_158, %scan3A_283 : i32
        %mul3A_285 = arith.constant 16 : i32
        %mul3A_286 = arith.muli %scan3A_284, %mul3A_285 : i32
        %get3A_287 = arith.constant 0 : i32
        %get3A_288 = tpu.memref_slice %arg5[%scan3A_67, %get3A_287] : memref<2x16384xf32, #tpu.memory_space<vmem>> -> memref<1x16384xf32, #tpu.memory_space<vmem>>
        %get3A_289 = tpu.memref_squeeze %get3A_288 : memref<1x16384xf32, #tpu.memory_space<vmem>> -> memref<16384xf32, #tpu.memory_space<vmem>>
        %get3A_290 = arith.index_cast %mul3A_286 : i32 to index
        %get3A_291 = tpu.vector_load %get3A_289[%get3A_290] {strides = array<i32>} : memref<16384xf32, #tpu.memory_space<vmem>>, vector<16xf32>,
        %get3A_292 = vector.shape_cast %get3A_291 : vector<16xf32> to vector<16xf32>
        %sub3A_293 = arith.subf %get3A_292, %scan3A_63 : vector<16xf32>
        %mul3A_294 = arith.constant 2.000000e+01 : f32
        %mul3A_295 = vector.broadcast %mul3A_294 : f32 to vector<16xf32>
        %mul3A_296 = arith.mulf %sub3A_293, %mul3A_295 : vector<16xf32>
        %exp3A_297 = math.exp %mul3A_296 : vector<16xf32>
        %add3A_298 = arith.addf %add3A_282, %exp3A_297 : vector<16xf32>
        %scan3A_299 = arith.constant 9 : i32
        %scan3A_300 = arith.addi %scan3A_158, %scan3A_299 : i32
        %mul3A_301 = arith.constant 16 : i32
        %mul3A_302 = arith.muli %scan3A_300, %mul3A_301 : i32
        %get3A_303 = arith.constant 0 : i32
        %get3A_304 = tpu.memref_slice %arg5[%scan3A_67, %get3A_303] : memref<2x16384xf32, #tpu.memory_space<vmem>> -> memref<1x16384xf32, #tpu.memory_space<vmem>>
        %get3A_305 = tpu.memref_squeeze %get3A_304 : memref<1x16384xf32, #tpu.memory_space<vmem>> -> memref<16384xf32, #tpu.memory_space<vmem>>
        %get3A_306 = arith.index_cast %mul3A_302 : i32 to index
        %get3A_307 = tpu.vector_load %get3A_305[%get3A_306] {strides = array<i32>} : memref<16384xf32, #tpu.memory_space<vmem>>, vector<16xf32>,
        %get3A_308 = vector.shape_cast %get3A_307 : vector<16xf32> to vector<16xf32>
        %sub3A_309 = arith.subf %get3A_308, %scan3A_63 : vector<16xf32>
        %mul3A_310 = arith.constant 2.000000e+01 : f32
        %mul3A_311 = vector.broadcast %mul3A_310 : f32 to vector<16xf32>
        %mul3A_312 = arith.mulf %sub3A_309, %mul3A_311 : vector<16xf32>
        %exp3A_313 = math.exp %mul3A_312 : vector<16xf32>
        %add3A_314 = arith.addf %add3A_298, %exp3A_313 : vector<16xf32>
        %scan3A_315 = arith.constant 10 : i32
        %scan3A_316 = arith.addi %scan3A_158, %scan3A_315 : i32
        %mul3A_317 = arith.constant 16 : i32
        %mul3A_318 = arith.muli %scan3A_316, %mul3A_317 : i32
        %get3A_319 = arith.constant 0 : i32
        %get3A_320 = tpu.memref_slice %arg5[%scan3A_67, %get3A_319] : memref<2x16384xf32, #tpu.memory_space<vmem>> -> memref<1x16384xf32, #tpu.memory_space<vmem>>
        %get3A_321 = tpu.memref_squeeze %get3A_320 : memref<1x16384xf32, #tpu.memory_space<vmem>> -> memref<16384xf32, #tpu.memory_space<vmem>>
        %get3A_322 = arith.index_cast %mul3A_318 : i32 to index
        %get3A_323 = tpu.vector_load %get3A_321[%get3A_322] {strides = array<i32>} : memref<16384xf32, #tpu.memory_space<vmem>>, vector<16xf32>,
        %get3A_324 = vector.shape_cast %get3A_323 : vector<16xf32> to vector<16xf32>
        %sub3A_325 = arith.subf %get3A_324, %scan3A_63 : vector<16xf32>
        %mul3A_326 = arith.constant 2.000000e+01 : f32
        %mul3A_327 = vector.broadcast %mul3A_326 : f32 to vector<16xf32>
        %mul3A_328 = arith.mulf %sub3A_325, %mul3A_327 : vector<16xf32>
        %exp3A_329 = math.exp %mul3A_328 : vector<16xf32>
        %add3A_330 = arith.addf %add3A_314, %exp3A_329 : vector<16xf32>
        %scan3A_331 = arith.constant 11 : i32
        %scan3A_332 = arith.addi %scan3A_158, %scan3A_331 : i32
        %mul3A_333 = arith.constant 16 : i32
        %mul3A_334 = arith.muli %scan3A_332, %mul3A_333 : i32
        %get3A_335 = arith.constant 0 : i32
        %get3A_336 = tpu.memref_slice %arg5[%scan3A_67, %get3A_335] : memref<2x16384xf32, #tpu.memory_space<vmem>> -> memref<1x16384xf32, #tpu.memory_space<vmem>>
        %get3A_337 = tpu.memref_squeeze %get3A_336 : memref<1x16384xf32, #tpu.memory_space<vmem>> -> memref<16384xf32, #tpu.memory_space<vmem>>
        %get3A_338 = arith.index_cast %mul3A_334 : i32 to index
        %get3A_339 = tpu.vector_load %get3A_337[%get3A_338] {strides = array<i32>} : memref<16384xf32, #tpu.memory_space<vmem>>, vector<16xf32>,
        %get3A_340 = vector.shape_cast %get3A_339 : vector<16xf32> to vector<16xf32>
        %sub3A_341 = arith.subf %get3A_340, %scan3A_63 : vector<16xf32>
        %mul3A_342 = arith.constant 2.000000e+01 : f32
        %mul3A_343 = vector.broadcast %mul3A_342 : f32 to vector<16xf32>
        %mul3A_344 = arith.mulf %sub3A_341, %mul3A_343 : vector<16xf32>
        %exp3A_345 = math.exp %mul3A_344 : vector<16xf32>
        %add3A_346 = arith.addf %add3A_330, %exp3A_345 : vector<16xf32>
        %scan3A_347 = arith.constant 12 : i32
        %scan3A_348 = arith.addi %scan3A_158, %scan3A_347 : i32
        %mul3A_349 = arith.constant 16 : i32
        %mul3A_350 = arith.muli %scan3A_348, %mul3A_349 : i32
        %get3A_351 = arith.constant 0 : i32
        %get3A_352 = tpu.memref_slice %arg5[%scan3A_67, %get3A_351] : memref<2x16384xf32, #tpu.memory_space<vmem>> -> memref<1x16384xf32, #tpu.memory_space<vmem>>
        %get3A_353 = tpu.memref_squeeze %get3A_352 : memref<1x16384xf32, #tpu.memory_space<vmem>> -> memref<16384xf32, #tpu.memory_space<vmem>>
        %get3A_354 = arith.index_cast %mul3A_350 : i32 to index
        %get3A_355 = tpu.vector_load %get3A_353[%get3A_354] {strides = array<i32>} : memref<16384xf32, #tpu.memory_space<vmem>>, vector<16xf32>,
        %get3A_356 = vector.shape_cast %get3A_355 : vector<16xf32> to vector<16xf32>
        %sub3A_357 = arith.subf %get3A_356, %scan3A_63 : vector<16xf32>
        %mul3A_358 = arith.constant 2.000000e+01 : f32
        %mul3A_359 = vector.broadcast %mul3A_358 : f32 to vector<16xf32>
        %mul3A_360 = arith.mulf %sub3A_357, %mul3A_359 : vector<16xf32>
        %exp3A_361 = math.exp %mul3A_360 : vector<16xf32>
        %add3A_362 = arith.addf %add3A_346, %exp3A_361 : vector<16xf32>
        %scan3A_363 = arith.constant 13 : i32
        %scan3A_364 = arith.addi %scan3A_158, %scan3A_363 : i32
        %mul3A_365 = arith.constant 16 : i32
        %mul3A_366 = arith.muli %scan3A_364, %mul3A_365 : i32
        %get3A_367 = arith.constant 0 : i32
        %get3A_368 = tpu.memref_slice %arg5[%scan3A_67, %get3A_367] : memref<2x16384xf32, #tpu.memory_space<vmem>> -> memref<1x16384xf32, #tpu.memory_space<vmem>>
        %get3A_369 = tpu.memref_squeeze %get3A_368 : memref<1x16384xf32, #tpu.memory_space<vmem>> -> memref<16384xf32, #tpu.memory_space<vmem>>
        %get3A_370 = arith.index_cast %mul3A_366 : i32 to index
        %get3A_371 = tpu.vector_load %get3A_369[%get3A_370] {strides = array<i32>} : memref<16384xf32, #tpu.memory_space<vmem>>, vector<16xf32>,
        %get3A_372 = vector.shape_cast %get3A_371 : vector<16xf32> to vector<16xf32>
        %sub3A_373 = arith.subf %get3A_372, %scan3A_63 : vector<16xf32>
        %mul3A_374 = arith.constant 2.000000e+01 : f32
        %mul3A_375 = vector.broadcast %mul3A_374 : f32 to vector<16xf32>
        %mul3A_376 = arith.mulf %sub3A_373, %mul3A_375 : vector<16xf32>
        %exp3A_377 = math.exp %mul3A_376 : vector<16xf32>
        %add3A_378 = arith.addf %add3A_362, %exp3A_377 : vector<16xf32>
        %scan3A_379 = arith.constant 14 : i32
        %scan3A_380 = arith.addi %scan3A_158, %scan3A_379 : i32
        %mul3A_381 = arith.constant 16 : i32
        %mul3A_382 = arith.muli %scan3A_380, %mul3A_381 : i32
        %get3A_383 = arith.constant 0 : i32
        %get3A_384 = tpu.memref_slice %arg5[%scan3A_67, %get3A_383] : memref<2x16384xf32, #tpu.memory_space<vmem>> -> memref<1x16384xf32, #tpu.memory_space<vmem>>
        %get3A_385 = tpu.memref_squeeze %get3A_384 : memref<1x16384xf32, #tpu.memory_space<vmem>> -> memref<16384xf32, #tpu.memory_space<vmem>>
        %get3A_386 = arith.index_cast %mul3A_382 : i32 to index
        %get3A_387 = tpu.vector_load %get3A_385[%get3A_386] {strides = array<i32>} : memref<16384xf32, #tpu.memory_space<vmem>>, vector<16xf32>,
        %get3A_388 = vector.shape_cast %get3A_387 : vector<16xf32> to vector<16xf32>
        %sub3A_389 = arith.subf %get3A_388, %scan3A_63 : vector<16xf32>
        %mul3A_390 = arith.constant 2.000000e+01 : f32
        %mul3A_391 = vector.broadcast %mul3A_390 : f32 to vector<16xf32>
        %mul3A_392 = arith.mulf %sub3A_389, %mul3A_391 : vector<16xf32>
        %exp3A_393 = math.exp %mul3A_392 : vector<16xf32>
        %add3A_394 = arith.addf %add3A_378, %exp3A_393 : vector<16xf32>
        %scan3A_395 = arith.constant 15 : i32
        %scan3A_396 = arith.addi %scan3A_158, %scan3A_395 : i32
        %mul3A_397 = arith.constant 16 : i32
        %mul3A_398 = arith.muli %scan3A_396, %mul3A_397 : i32
        %get3A_399 = arith.constant 0 : i32
        %get3A_400 = tpu.memref_slice %arg5[%scan3A_67, %get3A_399] : memref<2x16384xf32, #tpu.memory_space<vmem>> -> memref<1x16384xf32, #tpu.memory_space<vmem>>
        %get3A_401 = tpu.memref_squeeze %get3A_400 : memref<1x16384xf32, #tpu.memory_space<vmem>> -> memref<16384xf32, #tpu.memory_space<vmem>>
        %get3A_402 = arith.index_cast %mul3A_398 : i32 to index
        %get3A_403 = tpu.vector_load %get3A_401[%get3A_402] {strides = array<i32>} : memref<16384xf32, #tpu.memory_space<vmem>>, vector<16xf32>,
        %get3A_404 = vector.shape_cast %get3A_403 : vector<16xf32> to vector<16xf32>
        %sub3A_405 = arith.subf %get3A_404, %scan3A_63 : vector<16xf32>
        %mul3A_406 = arith.constant 2.000000e+01 : f32
        %mul3A_407 = vector.broadcast %mul3A_406 : f32 to vector<16xf32>
        %mul3A_408 = arith.mulf %sub3A_405, %mul3A_407 : vector<16xf32>
        %exp3A_409 = math.exp %mul3A_408 : vector<16xf32>
        %add3A_410 = arith.addf %add3A_394, %exp3A_409 : vector<16xf32>
        scf.yield %add3A_410 : vector<16xf32>
      }
      %scan3A_73 = arith.constant 1024 : i32
      %swap3A_74 = arith.index_cast %add3A_55 : i32 to index
      %swap3A_75 = arith.constant 0 : index
      %swap3A_76 = tpu.vector_load %arg7[%swap3A_74, %swap3A_75] {strides = array<i32>} : memref<40x16xf32, #tpu.memory_space<vmem>>, vector<1x16xf32>,
      %swap3A_77 = vector.shape_cast %swap3A_76 : vector<1x16xf32> to vector<16xf32>
      %swap3A_78 = vector.shape_cast %scan3A_63 : vector<16xf32> to vector<1x16xf32>
      tpu.vector_store %arg7[%swap3A_74, %swap3A_75], %swap3A_78 {strides = array<i32>} : memref<40x16xf32, #tpu.memory_space<vmem>>, vector<1x16xf32>,
      %swap3A_79 = arith.index_cast %add3A_55 : i32 to index
      %swap3A_80 = arith.constant 0 : index
      %swap3A_81 = tpu.vector_load %arg8[%swap3A_79, %swap3A_80] {strides = array<i32>} : memref<40x16xf32, #tpu.memory_space<vmem>>, vector<1x16xf32>,
      %swap3A_82 = vector.shape_cast %swap3A_81 : vector<1x16xf32> to vector<16xf32>
      %swap3A_83 = vector.shape_cast %scan3A_72 : vector<16xf32> to vector<1x16xf32>
      tpu.vector_store %arg8[%swap3A_79, %swap3A_80], %swap3A_83 {strides = array<i32>} : memref<40x16xf32, #tpu.memory_space<vmem>>, vector<1x16xf32>,
      %dma_wait3A_84 = arith.constant 0 : i32
      %dma_wait3A_85 = arith.constant 0 : i32
      %dma_wait3A_86 = tpu.memref_slice %arg2[%dma_wait3A_84, %dma_wait3A_85] : memref<4096x16384xf32, #tpu.memory_space<hbm>> -> memref<2x16384xf32, #tpu.memory_space<hbm>>
      %dma_wait3A_87 = arith.constant 0 : i32
      %dma_wait3A_88 = arith.constant 0 : i32
      %dma_wait3A_89 = tpu.memref_slice %arg2[%dma_wait3A_87, %dma_wait3A_88] : memref<4096x16384xf32, #tpu.memory_space<hbm>> -> memref<2x16384xf32, #tpu.memory_space<hbm>>
      tpu.wait_dma2 semaphore(%arg10 : memref<!tpu.dma_semaphore, #tpu.memory_space<semaphore_mem>>) src(%dma_wait3A_89 : memref<2x16384xf32, #tpu.memory_space<hbm>>) dst(%arg6 : memref<2x16384xf32, #tpu.memory_space<vmem>>)
      %add3A_90 = arith.constant 4 : i32
      %add3A_91 = arith.addi %mul3A_13, %add3A_90 : i32
      %lt3A = arith.constant 40 : i32
      %lt3A_92 = arith.cmpi slt, %add3A_91, %lt3A : i32
      %convert_element_type3A = arith.extui %lt3A_92 : i1 to i32
      %cond3A = arith.constant 0 : i32
      %cond3A_93 = arith.cmpi ne, %convert_element_type3A, %cond3A : i32
      scf.if %cond3A_93 {
        %add3A_158 = arith.addi %mul3A_2, %mul3A_13 : i32
        %add3A_159 = arith.constant 4 : i32
        %add3A_160 = arith.addi %add3A_158, %add3A_159 : i32
        %dma_start3A_161 = arith.constant 0 : i32
        %dma_start3A_162 = tpu.memref_slice %arg2[%add3A_160, %dma_start3A_161] : memref<4096x16384xf32, #tpu.memory_space<hbm>> -> memref<2x16384xf32, #tpu.memory_space<hbm>>
        %dma_start3A_163 = arith.constant 0 : i32
        %dma_start3A_164 = tpu.memref_slice %arg2[%add3A_160, %dma_start3A_163] : memref<4096x16384xf32, #tpu.memory_space<hbm>> -> memref<2x16384xf32, #tpu.memory_space<hbm>>
        tpu.enqueue_dma source(%dma_start3A_164 : memref<2x16384xf32, #tpu.memory_space<hbm>>) target(%arg5 : memref<2x16384xf32, #tpu.memory_space<vmem>>) target_semaphore(%arg9 : memref<!tpu.dma_semaphore, #tpu.memory_space<semaphore_mem>>)
      } else {
      }
      %add3A_94 = arith.constant 2 : i32
      %add3A_95 = arith.addi %mul3A_13, %add3A_94 : i32
      %add3A_96 = arith.constant 0 : i32
      %add3A_97 = arith.addi %add3A_95, %add3A_96 : i32
      %broadcast_in_dim3A_98 = arith.constant -3.000000e+38 : f32
      %broadcast_in_dim3A_99 = vector.broadcast %broadcast_in_dim3A_98 : f32 to vector<16xf32>
      %scan3A_100 = arith.constant 0 : i32
      %scan3A_101 = arith.constant 0 : i32
      %scan3A_102 = arith.constant 1024 : i32
      %scan3A_103 = arith.addi %scan3A_101, %scan3A_102 : i32
      %scan3A_104 = arith.constant 16 : i32
      %scan3A_105 = scf.for %scan3A_158 = %scan3A_101 to %scan3A_103 step %scan3A_104 iter_args(%scan3A_159 = %broadcast_in_dim3A_99) -> (vector<16xf32>)  : i32 {
        %mul3A_160 = arith.constant 16 : i32
        %mul3A_161 = arith.muli %scan3A_158, %mul3A_160 : i32
        %get3A = arith.constant 0 : i32
        %get3A_162 = tpu.memref_slice %arg6[%scan3A_100, %get3A] : memref<2x16384xf32, #tpu.memory_space<vmem>> -> memref<1x16384xf32, #tpu.memory_space<vmem>>
        %get3A_163 = tpu.memref_squeeze %get3A_162 : memref<1x16384xf32, #tpu.memory_space<vmem>> -> memref<16384xf32, #tpu.memory_space<vmem>>
        %get3A_164 = arith.index_cast %mul3A_161 : i32 to index
        %get3A_165 = tpu.vector_load %get3A_163[%get3A_164] {strides = array<i32>} : memref<16384xf32, #tpu.memory_space<vmem>>, vector<16xf32>,
        %get3A_166 = vector.shape_cast %get3A_165 : vector<16xf32> to vector<16xf32>
        %max3A = arith.maximumf %scan3A_159, %get3A_166 : vector<16xf32>
        %scan3A_167 = arith.constant 1 : i32
        %scan3A_168 = arith.addi %scan3A_158, %scan3A_167 : i32
        %mul3A_169 = arith.constant 16 : i32
        %mul3A_170 = arith.muli %scan3A_168, %mul3A_169 : i32
        %get3A_171 = arith.constant 0 : i32
        %get3A_172 = tpu.memref_slice %arg6[%scan3A_100, %get3A_171] : memref<2x16384xf32, #tpu.memory_space<vmem>> -> memref<1x16384xf32, #tpu.memory_space<vmem>>
        %get3A_173 = tpu.memref_squeeze %get3A_172 : memref<1x16384xf32, #tpu.memory_space<vmem>> -> memref<16384xf32, #tpu.memory_space<vmem>>
        %get3A_174 = arith.index_cast %mul3A_170 : i32 to index
        %get3A_175 = tpu.vector_load %get3A_173[%get3A_174] {strides = array<i32>} : memref<16384xf32, #tpu.memory_space<vmem>>, vector<16xf32>,
        %get3A_176 = vector.shape_cast %get3A_175 : vector<16xf32> to vector<16xf32>
        %max3A_177 = arith.maximumf %max3A, %get3A_176 : vector<16xf32>
        %scan3A_178 = arith.constant 2 : i32
        %scan3A_179 = arith.addi %scan3A_158, %scan3A_178 : i32
        %mul3A_180 = arith.constant 16 : i32
        %mul3A_181 = arith.muli %scan3A_179, %mul3A_180 : i32
        %get3A_182 = arith.constant 0 : i32
        %get3A_183 = tpu.memref_slice %arg6[%scan3A_100, %get3A_182] : memref<2x16384xf32, #tpu.memory_space<vmem>> -> memref<1x16384xf32, #tpu.memory_space<vmem>>
        %get3A_184 = tpu.memref_squeeze %get3A_183 : memref<1x16384xf32, #tpu.memory_space<vmem>> -> memref<16384xf32, #tpu.memory_space<vmem>>
        %get3A_185 = arith.index_cast %mul3A_181 : i32 to index
        %get3A_186 = tpu.vector_load %get3A_184[%get3A_185] {strides = array<i32>} : memref<16384xf32, #tpu.memory_space<vmem>>, vector<16xf32>,
        %get3A_187 = vector.shape_cast %get3A_186 : vector<16xf32> to vector<16xf32>
        %max3A_188 = arith.maximumf %max3A_177, %get3A_187 : vector<16xf32>
        %scan3A_189 = arith.constant 3 : i32
        %scan3A_190 = arith.addi %scan3A_158, %scan3A_189 : i32
        %mul3A_191 = arith.constant 16 : i32
        %mul3A_192 = arith.muli %scan3A_190, %mul3A_191 : i32
        %get3A_193 = arith.constant 0 : i32
        %get3A_194 = tpu.memref_slice %arg6[%scan3A_100, %get3A_193] : memref<2x16384xf32, #tpu.memory_space<vmem>> -> memref<1x16384xf32, #tpu.memory_space<vmem>>
        %get3A_195 = tpu.memref_squeeze %get3A_194 : memref<1x16384xf32, #tpu.memory_space<vmem>> -> memref<16384xf32, #tpu.memory_space<vmem>>
        %get3A_196 = arith.index_cast %mul3A_192 : i32 to index
        %get3A_197 = tpu.vector_load %get3A_195[%get3A_196] {strides = array<i32>} : memref<16384xf32, #tpu.memory_space<vmem>>, vector<16xf32>,
        %get3A_198 = vector.shape_cast %get3A_197 : vector<16xf32> to vector<16xf32>
        %max3A_199 = arith.maximumf %max3A_188, %get3A_198 : vector<16xf32>
        %scan3A_200 = arith.constant 4 : i32
        %scan3A_201 = arith.addi %scan3A_158, %scan3A_200 : i32
        %mul3A_202 = arith.constant 16 : i32
        %mul3A_203 = arith.muli %scan3A_201, %mul3A_202 : i32
        %get3A_204 = arith.constant 0 : i32
        %get3A_205 = tpu.memref_slice %arg6[%scan3A_100, %get3A_204] : memref<2x16384xf32, #tpu.memory_space<vmem>> -> memref<1x16384xf32, #tpu.memory_space<vmem>>
        %get3A_206 = tpu.memref_squeeze %get3A_205 : memref<1x16384xf32, #tpu.memory_space<vmem>> -> memref<16384xf32, #tpu.memory_space<vmem>>
        %get3A_207 = arith.index_cast %mul3A_203 : i32 to index
        %get3A_208 = tpu.vector_load %get3A_206[%get3A_207] {strides = array<i32>} : memref<16384xf32, #tpu.memory_space<vmem>>, vector<16xf32>,
        %get3A_209 = vector.shape_cast %get3A_208 : vector<16xf32> to vector<16xf32>
        %max3A_210 = arith.maximumf %max3A_199, %get3A_209 : vector<16xf32>
        %scan3A_211 = arith.constant 5 : i32
        %scan3A_212 = arith.addi %scan3A_158, %scan3A_211 : i32
        %mul3A_213 = arith.constant 16 : i32
        %mul3A_214 = arith.muli %scan3A_212, %mul3A_213 : i32
        %get3A_215 = arith.constant 0 : i32
        %get3A_216 = tpu.memref_slice %arg6[%scan3A_100, %get3A_215] : memref<2x16384xf32, #tpu.memory_space<vmem>> -> memref<1x16384xf32, #tpu.memory_space<vmem>>
        %get3A_217 = tpu.memref_squeeze %get3A_216 : memref<1x16384xf32, #tpu.memory_space<vmem>> -> memref<16384xf32, #tpu.memory_space<vmem>>
        %get3A_218 = arith.index_cast %mul3A_214 : i32 to index
        %get3A_219 = tpu.vector_load %get3A_217[%get3A_218] {strides = array<i32>} : memref<16384xf32, #tpu.memory_space<vmem>>, vector<16xf32>,
        %get3A_220 = vector.shape_cast %get3A_219 : vector<16xf32> to vector<16xf32>
        %max3A_221 = arith.maximumf %max3A_210, %get3A_220 : vector<16xf32>
        %scan3A_222 = arith.constant 6 : i32
        %scan3A_223 = arith.addi %scan3A_158, %scan3A_222 : i32
        %mul3A_224 = arith.constant 16 : i32
        %mul3A_225 = arith.muli %scan3A_223, %mul3A_224 : i32
        %get3A_226 = arith.constant 0 : i32
        %get3A_227 = tpu.memref_slice %arg6[%scan3A_100, %get3A_226] : memref<2x16384xf32, #tpu.memory_space<vmem>> -> memref<1x16384xf32, #tpu.memory_space<vmem>>
        %get3A_228 = tpu.memref_squeeze %get3A_227 : memref<1x16384xf32, #tpu.memory_space<vmem>> -> memref<16384xf32, #tpu.memory_space<vmem>>
        %get3A_229 = arith.index_cast %mul3A_225 : i32 to index
        %get3A_230 = tpu.vector_load %get3A_228[%get3A_229] {strides = array<i32>} : memref<16384xf32, #tpu.memory_space<vmem>>, vector<16xf32>,
        %get3A_231 = vector.shape_cast %get3A_230 : vector<16xf32> to vector<16xf32>
        %max3A_232 = arith.maximumf %max3A_221, %get3A_231 : vector<16xf32>
        %scan3A_233 = arith.constant 7 : i32
        %scan3A_234 = arith.addi %scan3A_158, %scan3A_233 : i32
        %mul3A_235 = arith.constant 16 : i32
        %mul3A_236 = arith.muli %scan3A_234, %mul3A_235 : i32
        %get3A_237 = arith.constant 0 : i32
        %get3A_238 = tpu.memref_slice %arg6[%scan3A_100, %get3A_237] : memref<2x16384xf32, #tpu.memory_space<vmem>> -> memref<1x16384xf32, #tpu.memory_space<vmem>>
        %get3A_239 = tpu.memref_squeeze %get3A_238 : memref<1x16384xf32, #tpu.memory_space<vmem>> -> memref<16384xf32, #tpu.memory_space<vmem>>
        %get3A_240 = arith.index_cast %mul3A_236 : i32 to index
        %get3A_241 = tpu.vector_load %get3A_239[%get3A_240] {strides = array<i32>} : memref<16384xf32, #tpu.memory_space<vmem>>, vector<16xf32>,
        %get3A_242 = vector.shape_cast %get3A_241 : vector<16xf32> to vector<16xf32>
        %max3A_243 = arith.maximumf %max3A_232, %get3A_242 : vector<16xf32>
        %scan3A_244 = arith.constant 8 : i32
        %scan3A_245 = arith.addi %scan3A_158, %scan3A_244 : i32
        %mul3A_246 = arith.constant 16 : i32
        %mul3A_247 = arith.muli %scan3A_245, %mul3A_246 : i32
        %get3A_248 = arith.constant 0 : i32
        %get3A_249 = tpu.memref_slice %arg6[%scan3A_100, %get3A_248] : memref<2x16384xf32, #tpu.memory_space<vmem>> -> memref<1x16384xf32, #tpu.memory_space<vmem>>
        %get3A_250 = tpu.memref_squeeze %get3A_249 : memref<1x16384xf32, #tpu.memory_space<vmem>> -> memref<16384xf32, #tpu.memory_space<vmem>>
        %get3A_251 = arith.index_cast %mul3A_247 : i32 to index
        %get3A_252 = tpu.vector_load %get3A_250[%get3A_251] {strides = array<i32>} : memref<16384xf32, #tpu.memory_space<vmem>>, vector<16xf32>,
        %get3A_253 = vector.shape_cast %get3A_252 : vector<16xf32> to vector<16xf32>
        %max3A_254 = arith.maximumf %max3A_243, %get3A_253 : vector<16xf32>
        %scan3A_255 = arith.constant 9 : i32
        %scan3A_256 = arith.addi %scan3A_158, %scan3A_255 : i32
        %mul3A_257 = arith.constant 16 : i32
        %mul3A_258 = arith.muli %scan3A_256, %mul3A_257 : i32
        %get3A_259 = arith.constant 0 : i32
        %get3A_260 = tpu.memref_slice %arg6[%scan3A_100, %get3A_259] : memref<2x16384xf32, #tpu.memory_space<vmem>> -> memref<1x16384xf32, #tpu.memory_space<vmem>>
        %get3A_261 = tpu.memref_squeeze %get3A_260 : memref<1x16384xf32, #tpu.memory_space<vmem>> -> memref<16384xf32, #tpu.memory_space<vmem>>
        %get3A_262 = arith.index_cast %mul3A_258 : i32 to index
        %get3A_263 = tpu.vector_load %get3A_261[%get3A_262] {strides = array<i32>} : memref<16384xf32, #tpu.memory_space<vmem>>, vector<16xf32>,
        %get3A_264 = vector.shape_cast %get3A_263 : vector<16xf32> to vector<16xf32>
        %max3A_265 = arith.maximumf %max3A_254, %get3A_264 : vector<16xf32>
        %scan3A_266 = arith.constant 10 : i32
        %scan3A_267 = arith.addi %scan3A_158, %scan3A_266 : i32
        %mul3A_268 = arith.constant 16 : i32
        %mul3A_269 = arith.muli %scan3A_267, %mul3A_268 : i32
        %get3A_270 = arith.constant 0 : i32
        %get3A_271 = tpu.memref_slice %arg6[%scan3A_100, %get3A_270] : memref<2x16384xf32, #tpu.memory_space<vmem>> -> memref<1x16384xf32, #tpu.memory_space<vmem>>
        %get3A_272 = tpu.memref_squeeze %get3A_271 : memref<1x16384xf32, #tpu.memory_space<vmem>> -> memref<16384xf32, #tpu.memory_space<vmem>>
        %get3A_273 = arith.index_cast %mul3A_269 : i32 to index
        %get3A_274 = tpu.vector_load %get3A_272[%get3A_273] {strides = array<i32>} : memref<16384xf32, #tpu.memory_space<vmem>>, vector<16xf32>,
        %get3A_275 = vector.shape_cast %get3A_274 : vector<16xf32> to vector<16xf32>
        %max3A_276 = arith.maximumf %max3A_265, %get3A_275 : vector<16xf32>
        %scan3A_277 = arith.constant 11 : i32
        %scan3A_278 = arith.addi %scan3A_158, %scan3A_277 : i32
        %mul3A_279 = arith.constant 16 : i32
        %mul3A_280 = arith.muli %scan3A_278, %mul3A_279 : i32
        %get3A_281 = arith.constant 0 : i32
        %get3A_282 = tpu.memref_slice %arg6[%scan3A_100, %get3A_281] : memref<2x16384xf32, #tpu.memory_space<vmem>> -> memref<1x16384xf32, #tpu.memory_space<vmem>>
        %get3A_283 = tpu.memref_squeeze %get3A_282 : memref<1x16384xf32, #tpu.memory_space<vmem>> -> memref<16384xf32, #tpu.memory_space<vmem>>
        %get3A_284 = arith.index_cast %mul3A_280 : i32 to index
        %get3A_285 = tpu.vector_load %get3A_283[%get3A_284] {strides = array<i32>} : memref<16384xf32, #tpu.memory_space<vmem>>, vector<16xf32>,
        %get3A_286 = vector.shape_cast %get3A_285 : vector<16xf32> to vector<16xf32>
        %max3A_287 = arith.maximumf %max3A_276, %get3A_286 : vector<16xf32>
        %scan3A_288 = arith.constant 12 : i32
        %scan3A_289 = arith.addi %scan3A_158, %scan3A_288 : i32
        %mul3A_290 = arith.constant 16 : i32
        %mul3A_291 = arith.muli %scan3A_289, %mul3A_290 : i32
        %get3A_292 = arith.constant 0 : i32
        %get3A_293 = tpu.memref_slice %arg6[%scan3A_100, %get3A_292] : memref<2x16384xf32, #tpu.memory_space<vmem>> -> memref<1x16384xf32, #tpu.memory_space<vmem>>
        %get3A_294 = tpu.memref_squeeze %get3A_293 : memref<1x16384xf32, #tpu.memory_space<vmem>> -> memref<16384xf32, #tpu.memory_space<vmem>>
        %get3A_295 = arith.index_cast %mul3A_291 : i32 to index
        %get3A_296 = tpu.vector_load %get3A_294[%get3A_295] {strides = array<i32>} : memref<16384xf32, #tpu.memory_space<vmem>>, vector<16xf32>,
        %get3A_297 = vector.shape_cast %get3A_296 : vector<16xf32> to vector<16xf32>
        %max3A_298 = arith.maximumf %max3A_287, %get3A_297 : vector<16xf32>
        %scan3A_299 = arith.constant 13 : i32
        %scan3A_300 = arith.addi %scan3A_158, %scan3A_299 : i32
        %mul3A_301 = arith.constant 16 : i32
        %mul3A_302 = arith.muli %scan3A_300, %mul3A_301 : i32
        %get3A_303 = arith.constant 0 : i32
        %get3A_304 = tpu.memref_slice %arg6[%scan3A_100, %get3A_303] : memref<2x16384xf32, #tpu.memory_space<vmem>> -> memref<1x16384xf32, #tpu.memory_space<vmem>>
        %get3A_305 = tpu.memref_squeeze %get3A_304 : memref<1x16384xf32, #tpu.memory_space<vmem>> -> memref<16384xf32, #tpu.memory_space<vmem>>
        %get3A_306 = arith.index_cast %mul3A_302 : i32 to index
        %get3A_307 = tpu.vector_load %get3A_305[%get3A_306] {strides = array<i32>} : memref<16384xf32, #tpu.memory_space<vmem>>, vector<16xf32>,
        %get3A_308 = vector.shape_cast %get3A_307 : vector<16xf32> to vector<16xf32>
        %max3A_309 = arith.maximumf %max3A_298, %get3A_308 : vector<16xf32>
        %scan3A_310 = arith.constant 14 : i32
        %scan3A_311 = arith.addi %scan3A_158, %scan3A_310 : i32
        %mul3A_312 = arith.constant 16 : i32
        %mul3A_313 = arith.muli %scan3A_311, %mul3A_312 : i32
        %get3A_314 = arith.constant 0 : i32
        %get3A_315 = tpu.memref_slice %arg6[%scan3A_100, %get3A_314] : memref<2x16384xf32, #tpu.memory_space<vmem>> -> memref<1x16384xf32, #tpu.memory_space<vmem>>
        %get3A_316 = tpu.memref_squeeze %get3A_315 : memref<1x16384xf32, #tpu.memory_space<vmem>> -> memref<16384xf32, #tpu.memory_space<vmem>>
        %get3A_317 = arith.index_cast %mul3A_313 : i32 to index
        %get3A_318 = tpu.vector_load %get3A_316[%get3A_317] {strides = array<i32>} : memref<16384xf32, #tpu.memory_space<vmem>>, vector<16xf32>,
        %get3A_319 = vector.shape_cast %get3A_318 : vector<16xf32> to vector<16xf32>
        %max3A_320 = arith.maximumf %max3A_309, %get3A_319 : vector<16xf32>
        %scan3A_321 = arith.constant 15 : i32
        %scan3A_322 = arith.addi %scan3A_158, %scan3A_321 : i32
        %mul3A_323 = arith.constant 16 : i32
        %mul3A_324 = arith.muli %scan3A_322, %mul3A_323 : i32
        %get3A_325 = arith.constant 0 : i32
        %get3A_326 = tpu.memref_slice %arg6[%scan3A_100, %get3A_325] : memref<2x16384xf32, #tpu.memory_space<vmem>> -> memref<1x16384xf32, #tpu.memory_space<vmem>>
        %get3A_327 = tpu.memref_squeeze %get3A_326 : memref<1x16384xf32, #tpu.memory_space<vmem>> -> memref<16384xf32, #tpu.memory_space<vmem>>
        %get3A_328 = arith.index_cast %mul3A_324 : i32 to index
        %get3A_329 = tpu.vector_load %get3A_327[%get3A_328] {strides = array<i32>} : memref<16384xf32, #tpu.memory_space<vmem>>, vector<16xf32>,
        %get3A_330 = vector.shape_cast %get3A_329 : vector<16xf32> to vector<16xf32>
        %max3A_331 = arith.maximumf %max3A_320, %get3A_330 : vector<16xf32>
        scf.yield %max3A_331 : vector<16xf32>
      }
      %scan3A_106 = arith.constant 1024 : i32
      %broadcast_in_dim3A_107 = arith.constant 0.000000e+00 : f32
      %broadcast_in_dim3A_108 = vector.broadcast %broadcast_in_dim3A_107 : f32 to vector<16xf32>
      %scan3A_109 = arith.constant 0 : i32
      %scan3A_110 = arith.constant 0 : i32
      %scan3A_111 = arith.constant 1024 : i32
      %scan3A_112 = arith.addi %scan3A_110, %scan3A_111 : i32
      %scan3A_113 = arith.constant 16 : i32
      %scan3A_114 = scf.for %scan3A_158 = %scan3A_110 to %scan3A_112 step %scan3A_113 iter_args(%scan3A_159 = %broadcast_in_dim3A_108) -> (vector<16xf32>)  : i32 {
        %mul3A_160 = arith.constant 16 : i32
        %mul3A_161 = arith.muli %scan3A_158, %mul3A_160 : i32
        %get3A = arith.constant 0 : i32
        %get3A_162 = tpu.memref_slice %arg6[%scan3A_109, %get3A] : memref<2x16384xf32, #tpu.memory_space<vmem>> -> memref<1x16384xf32, #tpu.memory_space<vmem>>
        %get3A_163 = tpu.memref_squeeze %get3A_162 : memref<1x16384xf32, #tpu.memory_space<vmem>> -> memref<16384xf32, #tpu.memory_space<vmem>>
        %get3A_164 = arith.index_cast %mul3A_161 : i32 to index
        %get3A_165 = tpu.vector_load %get3A_163[%get3A_164] {strides = array<i32>} : memref<16384xf32, #tpu.memory_space<vmem>>, vector<16xf32>,
        %get3A_166 = vector.shape_cast %get3A_165 : vector<16xf32> to vector<16xf32>
        %sub3A = arith.subf %get3A_166, %scan3A_105 : vector<16xf32>
        %mul3A_167 = arith.constant 2.000000e+01 : f32
        %mul3A_168 = vector.broadcast %mul3A_167 : f32 to vector<16xf32>
        %mul3A_169 = arith.mulf %sub3A, %mul3A_168 : vector<16xf32>
        %exp3A = math.exp %mul3A_169 : vector<16xf32>
        %add3A_170 = arith.addf %scan3A_159, %exp3A : vector<16xf32>
        %scan3A_171 = arith.constant 1 : i32
        %scan3A_172 = arith.addi %scan3A_158, %scan3A_171 : i32
        %mul3A_173 = arith.constant 16 : i32
        %mul3A_174 = arith.muli %scan3A_172, %mul3A_173 : i32
        %get3A_175 = arith.constant 0 : i32
        %get3A_176 = tpu.memref_slice %arg6[%scan3A_109, %get3A_175] : memref<2x16384xf32, #tpu.memory_space<vmem>> -> memref<1x16384xf32, #tpu.memory_space<vmem>>
        %get3A_177 = tpu.memref_squeeze %get3A_176 : memref<1x16384xf32, #tpu.memory_space<vmem>> -> memref<16384xf32, #tpu.memory_space<vmem>>
        %get3A_178 = arith.index_cast %mul3A_174 : i32 to index
        %get3A_179 = tpu.vector_load %get3A_177[%get3A_178] {strides = array<i32>} : memref<16384xf32, #tpu.memory_space<vmem>>, vector<16xf32>,
        %get3A_180 = vector.shape_cast %get3A_179 : vector<16xf32> to vector<16xf32>
        %sub3A_181 = arith.subf %get3A_180, %scan3A_105 : vector<16xf32>
        %mul3A_182 = arith.constant 2.000000e+01 : f32
        %mul3A_183 = vector.broadcast %mul3A_182 : f32 to vector<16xf32>
        %mul3A_184 = arith.mulf %sub3A_181, %mul3A_183 : vector<16xf32>
        %exp3A_185 = math.exp %mul3A_184 : vector<16xf32>
        %add3A_186 = arith.addf %add3A_170, %exp3A_185 : vector<16xf32>
        %scan3A_187 = arith.constant 2 : i32
        %scan3A_188 = arith.addi %scan3A_158, %scan3A_187 : i32
        %mul3A_189 = arith.constant 16 : i32
        %mul3A_190 = arith.muli %scan3A_188, %mul3A_189 : i32
        %get3A_191 = arith.constant 0 : i32
        %get3A_192 = tpu.memref_slice %arg6[%scan3A_109, %get3A_191] : memref<2x16384xf32, #tpu.memory_space<vmem>> -> memref<1x16384xf32, #tpu.memory_space<vmem>>
        %get3A_193 = tpu.memref_squeeze %get3A_192 : memref<1x16384xf32, #tpu.memory_space<vmem>> -> memref<16384xf32, #tpu.memory_space<vmem>>
        %get3A_194 = arith.index_cast %mul3A_190 : i32 to index
        %get3A_195 = tpu.vector_load %get3A_193[%get3A_194] {strides = array<i32>} : memref<16384xf32, #tpu.memory_space<vmem>>, vector<16xf32>,
        %get3A_196 = vector.shape_cast %get3A_195 : vector<16xf32> to vector<16xf32>
        %sub3A_197 = arith.subf %get3A_196, %scan3A_105 : vector<16xf32>
        %mul3A_198 = arith.constant 2.000000e+01 : f32
        %mul3A_199 = vector.broadcast %mul3A_198 : f32 to vector<16xf32>
        %mul3A_200 = arith.mulf %sub3A_197, %mul3A_199 : vector<16xf32>
        %exp3A_201 = math.exp %mul3A_200 : vector<16xf32>
        %add3A_202 = arith.addf %add3A_186, %exp3A_201 : vector<16xf32>
        %scan3A_203 = arith.constant 3 : i32
        %scan3A_204 = arith.addi %scan3A_158, %scan3A_203 : i32
        %mul3A_205 = arith.constant 16 : i32
        %mul3A_206 = arith.muli %scan3A_204, %mul3A_205 : i32
        %get3A_207 = arith.constant 0 : i32
        %get3A_208 = tpu.memref_slice %arg6[%scan3A_109, %get3A_207] : memref<2x16384xf32, #tpu.memory_space<vmem>> -> memref<1x16384xf32, #tpu.memory_space<vmem>>
        %get3A_209 = tpu.memref_squeeze %get3A_208 : memref<1x16384xf32, #tpu.memory_space<vmem>> -> memref<16384xf32, #tpu.memory_space<vmem>>
        %get3A_210 = arith.index_cast %mul3A_206 : i32 to index
        %get3A_211 = tpu.vector_load %get3A_209[%get3A_210] {strides = array<i32>} : memref<16384xf32, #tpu.memory_space<vmem>>, vector<16xf32>,
        %get3A_212 = vector.shape_cast %get3A_211 : vector<16xf32> to vector<16xf32>
        %sub3A_213 = arith.subf %get3A_212, %scan3A_105 : vector<16xf32>
        %mul3A_214 = arith.constant 2.000000e+01 : f32
        %mul3A_215 = vector.broadcast %mul3A_214 : f32 to vector<16xf32>
        %mul3A_216 = arith.mulf %sub3A_213, %mul3A_215 : vector<16xf32>
        %exp3A_217 = math.exp %mul3A_216 : vector<16xf32>
        %add3A_218 = arith.addf %add3A_202, %exp3A_217 : vector<16xf32>
        %scan3A_219 = arith.constant 4 : i32
        %scan3A_220 = arith.addi %scan3A_158, %scan3A_219 : i32
        %mul3A_221 = arith.constant 16 : i32
        %mul3A_222 = arith.muli %scan3A_220, %mul3A_221 : i32
        %get3A_223 = arith.constant 0 : i32
        %get3A_224 = tpu.memref_slice %arg6[%scan3A_109, %get3A_223] : memref<2x16384xf32, #tpu.memory_space<vmem>> -> memref<1x16384xf32, #tpu.memory_space<vmem>>
        %get3A_225 = tpu.memref_squeeze %get3A_224 : memref<1x16384xf32, #tpu.memory_space<vmem>> -> memref<16384xf32, #tpu.memory_space<vmem>>
        %get3A_226 = arith.index_cast %mul3A_222 : i32 to index
        %get3A_227 = tpu.vector_load %get3A_225[%get3A_226] {strides = array<i32>} : memref<16384xf32, #tpu.memory_space<vmem>>, vector<16xf32>,
        %get3A_228 = vector.shape_cast %get3A_227 : vector<16xf32> to vector<16xf32>
        %sub3A_229 = arith.subf %get3A_228, %scan3A_105 : vector<16xf32>
        %mul3A_230 = arith.constant 2.000000e+01 : f32
        %mul3A_231 = vector.broadcast %mul3A_230 : f32 to vector<16xf32>
        %mul3A_232 = arith.mulf %sub3A_229, %mul3A_231 : vector<16xf32>
        %exp3A_233 = math.exp %mul3A_232 : vector<16xf32>
        %add3A_234 = arith.addf %add3A_218, %exp3A_233 : vector<16xf32>
        %scan3A_235 = arith.constant 5 : i32
        %scan3A_236 = arith.addi %scan3A_158, %scan3A_235 : i32
        %mul3A_237 = arith.constant 16 : i32
        %mul3A_238 = arith.muli %scan3A_236, %mul3A_237 : i32
        %get3A_239 = arith.constant 0 : i32
        %get3A_240 = tpu.memref_slice %arg6[%scan3A_109, %get3A_239] : memref<2x16384xf32, #tpu.memory_space<vmem>> -> memref<1x16384xf32, #tpu.memory_space<vmem>>
        %get3A_241 = tpu.memref_squeeze %get3A_240 : memref<1x16384xf32, #tpu.memory_space<vmem>> -> memref<16384xf32, #tpu.memory_space<vmem>>
        %get3A_242 = arith.index_cast %mul3A_238 : i32 to index
        %get3A_243 = tpu.vector_load %get3A_241[%get3A_242] {strides = array<i32>} : memref<16384xf32, #tpu.memory_space<vmem>>, vector<16xf32>,
        %get3A_244 = vector.shape_cast %get3A_243 : vector<16xf32> to vector<16xf32>
        %sub3A_245 = arith.subf %get3A_244, %scan3A_105 : vector<16xf32>
        %mul3A_246 = arith.constant 2.000000e+01 : f32
        %mul3A_247 = vector.broadcast %mul3A_246 : f32 to vector<16xf32>
        %mul3A_248 = arith.mulf %sub3A_245, %mul3A_247 : vector<16xf32>
        %exp3A_249 = math.exp %mul3A_248 : vector<16xf32>
        %add3A_250 = arith.addf %add3A_234, %exp3A_249 : vector<16xf32>
        %scan3A_251 = arith.constant 6 : i32
        %scan3A_252 = arith.addi %scan3A_158, %scan3A_251 : i32
        %mul3A_253 = arith.constant 16 : i32
        %mul3A_254 = arith.muli %scan3A_252, %mul3A_253 : i32
        %get3A_255 = arith.constant 0 : i32
        %get3A_256 = tpu.memref_slice %arg6[%scan3A_109, %get3A_255] : memref<2x16384xf32, #tpu.memory_space<vmem>> -> memref<1x16384xf32, #tpu.memory_space<vmem>>
        %get3A_257 = tpu.memref_squeeze %get3A_256 : memref<1x16384xf32, #tpu.memory_space<vmem>> -> memref<16384xf32, #tpu.memory_space<vmem>>
        %get3A_258 = arith.index_cast %mul3A_254 : i32 to index
        %get3A_259 = tpu.vector_load %get3A_257[%get3A_258] {strides = array<i32>} : memref<16384xf32, #tpu.memory_space<vmem>>, vector<16xf32>,
        %get3A_260 = vector.shape_cast %get3A_259 : vector<16xf32> to vector<16xf32>
        %sub3A_261 = arith.subf %get3A_260, %scan3A_105 : vector<16xf32>
        %mul3A_262 = arith.constant 2.000000e+01 : f32
        %mul3A_263 = vector.broadcast %mul3A_262 : f32 to vector<16xf32>
        %mul3A_264 = arith.mulf %sub3A_261, %mul3A_263 : vector<16xf32>
        %exp3A_265 = math.exp %mul3A_264 : vector<16xf32>
        %add3A_266 = arith.addf %add3A_250, %exp3A_265 : vector<16xf32>
        %scan3A_267 = arith.constant 7 : i32
        %scan3A_268 = arith.addi %scan3A_158, %scan3A_267 : i32
        %mul3A_269 = arith.constant 16 : i32
        %mul3A_270 = arith.muli %scan3A_268, %mul3A_269 : i32
        %get3A_271 = arith.constant 0 : i32
        %get3A_272 = tpu.memref_slice %arg6[%scan3A_109, %get3A_271] : memref<2x16384xf32, #tpu.memory_space<vmem>> -> memref<1x16384xf32, #tpu.memory_space<vmem>>
        %get3A_273 = tpu.memref_squeeze %get3A_272 : memref<1x16384xf32, #tpu.memory_space<vmem>> -> memref<16384xf32, #tpu.memory_space<vmem>>
        %get3A_274 = arith.index_cast %mul3A_270 : i32 to index
        %get3A_275 = tpu.vector_load %get3A_273[%get3A_274] {strides = array<i32>} : memref<16384xf32, #tpu.memory_space<vmem>>, vector<16xf32>,
        %get3A_276 = vector.shape_cast %get3A_275 : vector<16xf32> to vector<16xf32>
        %sub3A_277 = arith.subf %get3A_276, %scan3A_105 : vector<16xf32>
        %mul3A_278 = arith.constant 2.000000e+01 : f32
        %mul3A_279 = vector.broadcast %mul3A_278 : f32 to vector<16xf32>
        %mul3A_280 = arith.mulf %sub3A_277, %mul3A_279 : vector<16xf32>
        %exp3A_281 = math.exp %mul3A_280 : vector<16xf32>
        %add3A_282 = arith.addf %add3A_266, %exp3A_281 : vector<16xf32>
        %scan3A_283 = arith.constant 8 : i32
        %scan3A_284 = arith.addi %scan3A_158, %scan3A_283 : i32
        %mul3A_285 = arith.constant 16 : i32
        %mul3A_286 = arith.muli %scan3A_284, %mul3A_285 : i32
        %get3A_287 = arith.constant 0 : i32
        %get3A_288 = tpu.memref_slice %arg6[%scan3A_109, %get3A_287] : memref<2x16384xf32, #tpu.memory_space<vmem>> -> memref<1x16384xf32, #tpu.memory_space<vmem>>
        %get3A_289 = tpu.memref_squeeze %get3A_288 : memref<1x16384xf32, #tpu.memory_space<vmem>> -> memref<16384xf32, #tpu.memory_space<vmem>>
        %get3A_290 = arith.index_cast %mul3A_286 : i32 to index
        %get3A_291 = tpu.vector_load %get3A_289[%get3A_290] {strides = array<i32>} : memref<16384xf32, #tpu.memory_space<vmem>>, vector<16xf32>,
        %get3A_292 = vector.shape_cast %get3A_291 : vector<16xf32> to vector<16xf32>
        %sub3A_293 = arith.subf %get3A_292, %scan3A_105 : vector<16xf32>
        %mul3A_294 = arith.constant 2.000000e+01 : f32
        %mul3A_295 = vector.broadcast %mul3A_294 : f32 to vector<16xf32>
        %mul3A_296 = arith.mulf %sub3A_293, %mul3A_295 : vector<16xf32>
        %exp3A_297 = math.exp %mul3A_296 : vector<16xf32>
        %add3A_298 = arith.addf %add3A_282, %exp3A_297 : vector<16xf32>
        %scan3A_299 = arith.constant 9 : i32
        %scan3A_300 = arith.addi %scan3A_158, %scan3A_299 : i32
        %mul3A_301 = arith.constant 16 : i32
        %mul3A_302 = arith.muli %scan3A_300, %mul3A_301 : i32
        %get3A_303 = arith.constant 0 : i32
        %get3A_304 = tpu.memref_slice %arg6[%scan3A_109, %get3A_303] : memref<2x16384xf32, #tpu.memory_space<vmem>> -> memref<1x16384xf32, #tpu.memory_space<vmem>>
        %get3A_305 = tpu.memref_squeeze %get3A_304 : memref<1x16384xf32, #tpu.memory_space<vmem>> -> memref<16384xf32, #tpu.memory_space<vmem>>
        %get3A_306 = arith.index_cast %mul3A_302 : i32 to index
        %get3A_307 = tpu.vector_load %get3A_305[%get3A_306] {strides = array<i32>} : memref<16384xf32, #tpu.memory_space<vmem>>, vector<16xf32>,
        %get3A_308 = vector.shape_cast %get3A_307 : vector<16xf32> to vector<16xf32>
        %sub3A_309 = arith.subf %get3A_308, %scan3A_105 : vector<16xf32>
        %mul3A_310 = arith.constant 2.000000e+01 : f32
        %mul3A_311 = vector.broadcast %mul3A_310 : f32 to vector<16xf32>
        %mul3A_312 = arith.mulf %sub3A_309, %mul3A_311 : vector<16xf32>
        %exp3A_313 = math.exp %mul3A_312 : vector<16xf32>
        %add3A_314 = arith.addf %add3A_298, %exp3A_313 : vector<16xf32>
        %scan3A_315 = arith.constant 10 : i32
        %scan3A_316 = arith.addi %scan3A_158, %scan3A_315 : i32
        %mul3A_317 = arith.constant 16 : i32
        %mul3A_318 = arith.muli %scan3A_316, %mul3A_317 : i32
        %get3A_319 = arith.constant 0 : i32
        %get3A_320 = tpu.memref_slice %arg6[%scan3A_109, %get3A_319] : memref<2x16384xf32, #tpu.memory_space<vmem>> -> memref<1x16384xf32, #tpu.memory_space<vmem>>
        %get3A_321 = tpu.memref_squeeze %get3A_320 : memref<1x16384xf32, #tpu.memory_space<vmem>> -> memref<16384xf32, #tpu.memory_space<vmem>>
        %get3A_322 = arith.index_cast %mul3A_318 : i32 to index
        %get3A_323 = tpu.vector_load %get3A_321[%get3A_322] {strides = array<i32>} : memref<16384xf32, #tpu.memory_space<vmem>>, vector<16xf32>,
        %get3A_324 = vector.shape_cast %get3A_323 : vector<16xf32> to vector<16xf32>
        %sub3A_325 = arith.subf %get3A_324, %scan3A_105 : vector<16xf32>
        %mul3A_326 = arith.constant 2.000000e+01 : f32
        %mul3A_327 = vector.broadcast %mul3A_326 : f32 to vector<16xf32>
        %mul3A_328 = arith.mulf %sub3A_325, %mul3A_327 : vector<16xf32>
        %exp3A_329 = math.exp %mul3A_328 : vector<16xf32>
        %add3A_330 = arith.addf %add3A_314, %exp3A_329 : vector<16xf32>
        %scan3A_331 = arith.constant 11 : i32
        %scan3A_332 = arith.addi %scan3A_158, %scan3A_331 : i32
        %mul3A_333 = arith.constant 16 : i32
        %mul3A_334 = arith.muli %scan3A_332, %mul3A_333 : i32
        %get3A_335 = arith.constant 0 : i32
        %get3A_336 = tpu.memref_slice %arg6[%scan3A_109, %get3A_335] : memref<2x16384xf32, #tpu.memory_space<vmem>> -> memref<1x16384xf32, #tpu.memory_space<vmem>>
        %get3A_337 = tpu.memref_squeeze %get3A_336 : memref<1x16384xf32, #tpu.memory_space<vmem>> -> memref<16384xf32, #tpu.memory_space<vmem>>
        %get3A_338 = arith.index_cast %mul3A_334 : i32 to index
        %get3A_339 = tpu.vector_load %get3A_337[%get3A_338] {strides = array<i32>} : memref<16384xf32, #tpu.memory_space<vmem>>, vector<16xf32>,
        %get3A_340 = vector.shape_cast %get3A_339 : vector<16xf32> to vector<16xf32>
        %sub3A_341 = arith.subf %get3A_340, %scan3A_105 : vector<16xf32>
        %mul3A_342 = arith.constant 2.000000e+01 : f32
        %mul3A_343 = vector.broadcast %mul3A_342 : f32 to vector<16xf32>
        %mul3A_344 = arith.mulf %sub3A_341, %mul3A_343 : vector<16xf32>
        %exp3A_345 = math.exp %mul3A_344 : vector<16xf32>
        %add3A_346 = arith.addf %add3A_330, %exp3A_345 : vector<16xf32>
        %scan3A_347 = arith.constant 12 : i32
        %scan3A_348 = arith.addi %scan3A_158, %scan3A_347 : i32
        %mul3A_349 = arith.constant 16 : i32
        %mul3A_350 = arith.muli %scan3A_348, %mul3A_349 : i32
        %get3A_351 = arith.constant 0 : i32
        %get3A_352 = tpu.memref_slice %arg6[%scan3A_109, %get3A_351] : memref<2x16384xf32, #tpu.memory_space<vmem>> -> memref<1x16384xf32, #tpu.memory_space<vmem>>
        %get3A_353 = tpu.memref_squeeze %get3A_352 : memref<1x16384xf32, #tpu.memory_space<vmem>> -> memref<16384xf32, #tpu.memory_space<vmem>>
        %get3A_354 = arith.index_cast %mul3A_350 : i32 to index
        %get3A_355 = tpu.vector_load %get3A_353[%get3A_354] {strides = array<i32>} : memref<16384xf32, #tpu.memory_space<vmem>>, vector<16xf32>,
        %get3A_356 = vector.shape_cast %get3A_355 : vector<16xf32> to vector<16xf32>
        %sub3A_357 = arith.subf %get3A_356, %scan3A_105 : vector<16xf32>
        %mul3A_358 = arith.constant 2.000000e+01 : f32
        %mul3A_359 = vector.broadcast %mul3A_358 : f32 to vector<16xf32>
        %mul3A_360 = arith.mulf %sub3A_357, %mul3A_359 : vector<16xf32>
        %exp3A_361 = math.exp %mul3A_360 : vector<16xf32>
        %add3A_362 = arith.addf %add3A_346, %exp3A_361 : vector<16xf32>
        %scan3A_363 = arith.constant 13 : i32
        %scan3A_364 = arith.addi %scan3A_158, %scan3A_363 : i32
        %mul3A_365 = arith.constant 16 : i32
        %mul3A_366 = arith.muli %scan3A_364, %mul3A_365 : i32
        %get3A_367 = arith.constant 0 : i32
        %get3A_368 = tpu.memref_slice %arg6[%scan3A_109, %get3A_367] : memref<2x16384xf32, #tpu.memory_space<vmem>> -> memref<1x16384xf32, #tpu.memory_space<vmem>>
        %get3A_369 = tpu.memref_squeeze %get3A_368 : memref<1x16384xf32, #tpu.memory_space<vmem>> -> memref<16384xf32, #tpu.memory_space<vmem>>
        %get3A_370 = arith.index_cast %mul3A_366 : i32 to index
        %get3A_371 = tpu.vector_load %get3A_369[%get3A_370] {strides = array<i32>} : memref<16384xf32, #tpu.memory_space<vmem>>, vector<16xf32>,
        %get3A_372 = vector.shape_cast %get3A_371 : vector<16xf32> to vector<16xf32>
        %sub3A_373 = arith.subf %get3A_372, %scan3A_105 : vector<16xf32>
        %mul3A_374 = arith.constant 2.000000e+01 : f32
        %mul3A_375 = vector.broadcast %mul3A_374 : f32 to vector<16xf32>
        %mul3A_376 = arith.mulf %sub3A_373, %mul3A_375 : vector<16xf32>
        %exp3A_377 = math.exp %mul3A_376 : vector<16xf32>
        %add3A_378 = arith.addf %add3A_362, %exp3A_377 : vector<16xf32>
        %scan3A_379 = arith.constant 14 : i32
        %scan3A_380 = arith.addi %scan3A_158, %scan3A_379 : i32
        %mul3A_381 = arith.constant 16 : i32
        %mul3A_382 = arith.muli %scan3A_380, %mul3A_381 : i32
        %get3A_383 = arith.constant 0 : i32
        %get3A_384 = tpu.memref_slice %arg6[%scan3A_109, %get3A_383] : memref<2x16384xf32, #tpu.memory_space<vmem>> -> memref<1x16384xf32, #tpu.memory_space<vmem>>
        %get3A_385 = tpu.memref_squeeze %get3A_384 : memref<1x16384xf32, #tpu.memory_space<vmem>> -> memref<16384xf32, #tpu.memory_space<vmem>>
        %get3A_386 = arith.index_cast %mul3A_382 : i32 to index
        %get3A_387 = tpu.vector_load %get3A_385[%get3A_386] {strides = array<i32>} : memref<16384xf32, #tpu.memory_space<vmem>>, vector<16xf32>,
        %get3A_388 = vector.shape_cast %get3A_387 : vector<16xf32> to vector<16xf32>
        %sub3A_389 = arith.subf %get3A_388, %scan3A_105 : vector<16xf32>
        %mul3A_390 = arith.constant 2.000000e+01 : f32
        %mul3A_391 = vector.broadcast %mul3A_390 : f32 to vector<16xf32>
        %mul3A_392 = arith.mulf %sub3A_389, %mul3A_391 : vector<16xf32>
        %exp3A_393 = math.exp %mul3A_392 : vector<16xf32>
        %add3A_394 = arith.addf %add3A_378, %exp3A_393 : vector<16xf32>
        %scan3A_395 = arith.constant 15 : i32
        %scan3A_396 = arith.addi %scan3A_158, %scan3A_395 : i32
        %mul3A_397 = arith.constant 16 : i32
        %mul3A_398 = arith.muli %scan3A_396, %mul3A_397 : i32
        %get3A_399 = arith.constant 0 : i32
        %get3A_400 = tpu.memref_slice %arg6[%scan3A_109, %get3A_399] : memref<2x16384xf32, #tpu.memory_space<vmem>> -> memref<1x16384xf32, #tpu.memory_space<vmem>>
        %get3A_401 = tpu.memref_squeeze %get3A_400 : memref<1x16384xf32, #tpu.memory_space<vmem>> -> memref<16384xf32, #tpu.memory_space<vmem>>
        %get3A_402 = arith.index_cast %mul3A_398 : i32 to index
        %get3A_403 = tpu.vector_load %get3A_401[%get3A_402] {strides = array<i32>} : memref<16384xf32, #tpu.memory_space<vmem>>, vector<16xf32>,
        %get3A_404 = vector.shape_cast %get3A_403 : vector<16xf32> to vector<16xf32>
        %sub3A_405 = arith.subf %get3A_404, %scan3A_105 : vector<16xf32>
        %mul3A_406 = arith.constant 2.000000e+01 : f32
        %mul3A_407 = vector.broadcast %mul3A_406 : f32 to vector<16xf32>
        %mul3A_408 = arith.mulf %sub3A_405, %mul3A_407 : vector<16xf32>
        %exp3A_409 = math.exp %mul3A_408 : vector<16xf32>
        %add3A_410 = arith.addf %add3A_394, %exp3A_409 : vector<16xf32>
        scf.yield %add3A_410 : vector<16xf32>
      }
      %scan3A_115 = arith.constant 1024 : i32
      %swap3A_116 = arith.index_cast %add3A_97 : i32 to index
      %swap3A_117 = arith.constant 0 : index
      %swap3A_118 = tpu.vector_load %arg7[%swap3A_116, %swap3A_117] {strides = array<i32>} : memref<40x16xf32, #tpu.memory_space<vmem>>, vector<1x16xf32>,
      %swap3A_119 = vector.shape_cast %swap3A_118 : vector<1x16xf32> to vector<16xf32>
      %swap3A_120 = vector.shape_cast %scan3A_105 : vector<16xf32> to vector<1x16xf32>
      tpu.vector_store %arg7[%swap3A_116, %swap3A_117], %swap3A_120 {strides = array<i32>} : memref<40x16xf32, #tpu.memory_space<vmem>>, vector<1x16xf32>,
      %swap3A_121 = arith.index_cast %add3A_97 : i32 to index
      %swap3A_122 = arith.constant 0 : index
      %swap3A_123 = tpu.vector_load %arg8[%swap3A_121, %swap3A_122] {strides = array<i32>} : memref<40x16xf32, #tpu.memory_space<vmem>>, vector<1x16xf32>,
      %swap3A_124 = vector.shape_cast %swap3A_123 : vector<1x16xf32> to vector<16xf32>
      %swap3A_125 = vector.shape_cast %scan3A_114 : vector<16xf32> to vector<1x16xf32>
      tpu.vector_store %arg8[%swap3A_121, %swap3A_122], %swap3A_125 {strides = array<i32>} : memref<40x16xf32, #tpu.memory_space<vmem>>, vector<1x16xf32>,
      %add3A_126 = arith.constant 2 : i32
      %add3A_127 = arith.addi %mul3A_13, %add3A_126 : i32
      %add3A_128 = arith.constant 1 : i32
      %add3A_129 = arith.addi %add3A_127, %add3A_128 : i32
      %broadcast_in_dim3A_130 = arith.constant -3.000000e+38 : f32
      %broadcast_in_dim3A_131 = vector.broadcast %broadcast_in_dim3A_130 : f32 to vector<16xf32>
      %scan3A_132 = arith.constant 1 : i32
      %scan3A_133 = arith.constant 0 : i32
      %scan3A_134 = arith.constant 1024 : i32
      %scan3A_135 = arith.addi %scan3A_133, %scan3A_134 : i32
      %scan3A_136 = arith.constant 16 : i32
      %scan3A_137 = scf.for %scan3A_158 = %scan3A_133 to %scan3A_135 step %scan3A_136 iter_args(%scan3A_159 = %broadcast_in_dim3A_131) -> (vector<16xf32>)  : i32 {
        %mul3A_160 = arith.constant 16 : i32
        %mul3A_161 = arith.muli %scan3A_158, %mul3A_160 : i32
        %get3A = arith.constant 0 : i32
        %get3A_162 = tpu.memref_slice %arg6[%scan3A_132, %get3A] : memref<2x16384xf32, #tpu.memory_space<vmem>> -> memref<1x16384xf32, #tpu.memory_space<vmem>>
        %get3A_163 = tpu.memref_squeeze %get3A_162 : memref<1x16384xf32, #tpu.memory_space<vmem>> -> memref<16384xf32, #tpu.memory_space<vmem>>
        %get3A_164 = arith.index_cast %mul3A_161 : i32 to index
        %get3A_165 = tpu.vector_load %get3A_163[%get3A_164] {strides = array<i32>} : memref<16384xf32, #tpu.memory_space<vmem>>, vector<16xf32>,
        %get3A_166 = vector.shape_cast %get3A_165 : vector<16xf32> to vector<16xf32>
        %max3A = arith.maximumf %scan3A_159, %get3A_166 : vector<16xf32>
        %scan3A_167 = arith.constant 1 : i32
        %scan3A_168 = arith.addi %scan3A_158, %scan3A_167 : i32
        %mul3A_169 = arith.constant 16 : i32
        %mul3A_170 = arith.muli %scan3A_168, %mul3A_169 : i32
        %get3A_171 = arith.constant 0 : i32
        %get3A_172 = tpu.memref_slice %arg6[%scan3A_132, %get3A_171] : memref<2x16384xf32, #tpu.memory_space<vmem>> -> memref<1x16384xf32, #tpu.memory_space<vmem>>
        %get3A_173 = tpu.memref_squeeze %get3A_172 : memref<1x16384xf32, #tpu.memory_space<vmem>> -> memref<16384xf32, #tpu.memory_space<vmem>>
        %get3A_174 = arith.index_cast %mul3A_170 : i32 to index
        %get3A_175 = tpu.vector_load %get3A_173[%get3A_174] {strides = array<i32>} : memref<16384xf32, #tpu.memory_space<vmem>>, vector<16xf32>,
        %get3A_176 = vector.shape_cast %get3A_175 : vector<16xf32> to vector<16xf32>
        %max3A_177 = arith.maximumf %max3A, %get3A_176 : vector<16xf32>
        %scan3A_178 = arith.constant 2 : i32
        %scan3A_179 = arith.addi %scan3A_158, %scan3A_178 : i32
        %mul3A_180 = arith.constant 16 : i32
        %mul3A_181 = arith.muli %scan3A_179, %mul3A_180 : i32
        %get3A_182 = arith.constant 0 : i32
        %get3A_183 = tpu.memref_slice %arg6[%scan3A_132, %get3A_182] : memref<2x16384xf32, #tpu.memory_space<vmem>> -> memref<1x16384xf32, #tpu.memory_space<vmem>>
        %get3A_184 = tpu.memref_squeeze %get3A_183 : memref<1x16384xf32, #tpu.memory_space<vmem>> -> memref<16384xf32, #tpu.memory_space<vmem>>
        %get3A_185 = arith.index_cast %mul3A_181 : i32 to index
        %get3A_186 = tpu.vector_load %get3A_184[%get3A_185] {strides = array<i32>} : memref<16384xf32, #tpu.memory_space<vmem>>, vector<16xf32>,
        %get3A_187 = vector.shape_cast %get3A_186 : vector<16xf32> to vector<16xf32>
        %max3A_188 = arith.maximumf %max3A_177, %get3A_187 : vector<16xf32>
        %scan3A_189 = arith.constant 3 : i32
        %scan3A_190 = arith.addi %scan3A_158, %scan3A_189 : i32
        %mul3A_191 = arith.constant 16 : i32
        %mul3A_192 = arith.muli %scan3A_190, %mul3A_191 : i32
        %get3A_193 = arith.constant 0 : i32
        %get3A_194 = tpu.memref_slice %arg6[%scan3A_132, %get3A_193] : memref<2x16384xf32, #tpu.memory_space<vmem>> -> memref<1x16384xf32, #tpu.memory_space<vmem>>
        %get3A_195 = tpu.memref_squeeze %get3A_194 : memref<1x16384xf32, #tpu.memory_space<vmem>> -> memref<16384xf32, #tpu.memory_space<vmem>>
        %get3A_196 = arith.index_cast %mul3A_192 : i32 to index
        %get3A_197 = tpu.vector_load %get3A_195[%get3A_196] {strides = array<i32>} : memref<16384xf32, #tpu.memory_space<vmem>>, vector<16xf32>,
        %get3A_198 = vector.shape_cast %get3A_197 : vector<16xf32> to vector<16xf32>
        %max3A_199 = arith.maximumf %max3A_188, %get3A_198 : vector<16xf32>
        %scan3A_200 = arith.constant 4 : i32
        %scan3A_201 = arith.addi %scan3A_158, %scan3A_200 : i32
        %mul3A_202 = arith.constant 16 : i32
        %mul3A_203 = arith.muli %scan3A_201, %mul3A_202 : i32
        %get3A_204 = arith.constant 0 : i32
        %get3A_205 = tpu.memref_slice %arg6[%scan3A_132, %get3A_204] : memref<2x16384xf32, #tpu.memory_space<vmem>> -> memref<1x16384xf32, #tpu.memory_space<vmem>>
        %get3A_206 = tpu.memref_squeeze %get3A_205 : memref<1x16384xf32, #tpu.memory_space<vmem>> -> memref<16384xf32, #tpu.memory_space<vmem>>
        %get3A_207 = arith.index_cast %mul3A_203 : i32 to index
        %get3A_208 = tpu.vector_load %get3A_206[%get3A_207] {strides = array<i32>} : memref<16384xf32, #tpu.memory_space<vmem>>, vector<16xf32>,
        %get3A_209 = vector.shape_cast %get3A_208 : vector<16xf32> to vector<16xf32>
        %max3A_210 = arith.maximumf %max3A_199, %get3A_209 : vector<16xf32>
        %scan3A_211 = arith.constant 5 : i32
        %scan3A_212 = arith.addi %scan3A_158, %scan3A_211 : i32
        %mul3A_213 = arith.constant 16 : i32
        %mul3A_214 = arith.muli %scan3A_212, %mul3A_213 : i32
        %get3A_215 = arith.constant 0 : i32
        %get3A_216 = tpu.memref_slice %arg6[%scan3A_132, %get3A_215] : memref<2x16384xf32, #tpu.memory_space<vmem>> -> memref<1x16384xf32, #tpu.memory_space<vmem>>
        %get3A_217 = tpu.memref_squeeze %get3A_216 : memref<1x16384xf32, #tpu.memory_space<vmem>> -> memref<16384xf32, #tpu.memory_space<vmem>>
        %get3A_218 = arith.index_cast %mul3A_214 : i32 to index
        %get3A_219 = tpu.vector_load %get3A_217[%get3A_218] {strides = array<i32>} : memref<16384xf32, #tpu.memory_space<vmem>>, vector<16xf32>,
        %get3A_220 = vector.shape_cast %get3A_219 : vector<16xf32> to vector<16xf32>
        %max3A_221 = arith.maximumf %max3A_210, %get3A_220 : vector<16xf32>
        %scan3A_222 = arith.constant 6 : i32
        %scan3A_223 = arith.addi %scan3A_158, %scan3A_222 : i32
        %mul3A_224 = arith.constant 16 : i32
        %mul3A_225 = arith.muli %scan3A_223, %mul3A_224 : i32
        %get3A_226 = arith.constant 0 : i32
        %get3A_227 = tpu.memref_slice %arg6[%scan3A_132, %get3A_226] : memref<2x16384xf32, #tpu.memory_space<vmem>> -> memref<1x16384xf32, #tpu.memory_space<vmem>>
        %get3A_228 = tpu.memref_squeeze %get3A_227 : memref<1x16384xf32, #tpu.memory_space<vmem>> -> memref<16384xf32, #tpu.memory_space<vmem>>
        %get3A_229 = arith.index_cast %mul3A_225 : i32 to index
        %get3A_230 = tpu.vector_load %get3A_228[%get3A_229] {strides = array<i32>} : memref<16384xf32, #tpu.memory_space<vmem>>, vector<16xf32>,
        %get3A_231 = vector.shape_cast %get3A_230 : vector<16xf32> to vector<16xf32>
        %max3A_232 = arith.maximumf %max3A_221, %get3A_231 : vector<16xf32>
        %scan3A_233 = arith.constant 7 : i32
        %scan3A_234 = arith.addi %scan3A_158, %scan3A_233 : i32
        %mul3A_235 = arith.constant 16 : i32
        %mul3A_236 = arith.muli %scan3A_234, %mul3A_235 : i32
        %get3A_237 = arith.constant 0 : i32
        %get3A_238 = tpu.memref_slice %arg6[%scan3A_132, %get3A_237] : memref<2x16384xf32, #tpu.memory_space<vmem>> -> memref<1x16384xf32, #tpu.memory_space<vmem>>
        %get3A_239 = tpu.memref_squeeze %get3A_238 : memref<1x16384xf32, #tpu.memory_space<vmem>> -> memref<16384xf32, #tpu.memory_space<vmem>>
        %get3A_240 = arith.index_cast %mul3A_236 : i32 to index
        %get3A_241 = tpu.vector_load %get3A_239[%get3A_240] {strides = array<i32>} : memref<16384xf32, #tpu.memory_space<vmem>>, vector<16xf32>,
        %get3A_242 = vector.shape_cast %get3A_241 : vector<16xf32> to vector<16xf32>
        %max3A_243 = arith.maximumf %max3A_232, %get3A_242 : vector<16xf32>
        %scan3A_244 = arith.constant 8 : i32
        %scan3A_245 = arith.addi %scan3A_158, %scan3A_244 : i32
        %mul3A_246 = arith.constant 16 : i32
        %mul3A_247 = arith.muli %scan3A_245, %mul3A_246 : i32
        %get3A_248 = arith.constant 0 : i32
        %get3A_249 = tpu.memref_slice %arg6[%scan3A_132, %get3A_248] : memref<2x16384xf32, #tpu.memory_space<vmem>> -> memref<1x16384xf32, #tpu.memory_space<vmem>>
        %get3A_250 = tpu.memref_squeeze %get3A_249 : memref<1x16384xf32, #tpu.memory_space<vmem>> -> memref<16384xf32, #tpu.memory_space<vmem>>
        %get3A_251 = arith.index_cast %mul3A_247 : i32 to index
        %get3A_252 = tpu.vector_load %get3A_250[%get3A_251] {strides = array<i32>} : memref<16384xf32, #tpu.memory_space<vmem>>, vector<16xf32>,
        %get3A_253 = vector.shape_cast %get3A_252 : vector<16xf32> to vector<16xf32>
        %max3A_254 = arith.maximumf %max3A_243, %get3A_253 : vector<16xf32>
        %scan3A_255 = arith.constant 9 : i32
        %scan3A_256 = arith.addi %scan3A_158, %scan3A_255 : i32
        %mul3A_257 = arith.constant 16 : i32
        %mul3A_258 = arith.muli %scan3A_256, %mul3A_257 : i32
        %get3A_259 = arith.constant 0 : i32
        %get3A_260 = tpu.memref_slice %arg6[%scan3A_132, %get3A_259] : memref<2x16384xf32, #tpu.memory_space<vmem>> -> memref<1x16384xf32, #tpu.memory_space<vmem>>
        %get3A_261 = tpu.memref_squeeze %get3A_260 : memref<1x16384xf32, #tpu.memory_space<vmem>> -> memref<16384xf32, #tpu.memory_space<vmem>>
        %get3A_262 = arith.index_cast %mul3A_258 : i32 to index
        %get3A_263 = tpu.vector_load %get3A_261[%get3A_262] {strides = array<i32>} : memref<16384xf32, #tpu.memory_space<vmem>>, vector<16xf32>,
        %get3A_264 = vector.shape_cast %get3A_263 : vector<16xf32> to vector<16xf32>
        %max3A_265 = arith.maximumf %max3A_254, %get3A_264 : vector<16xf32>
        %scan3A_266 = arith.constant 10 : i32
        %scan3A_267 = arith.addi %scan3A_158, %scan3A_266 : i32
        %mul3A_268 = arith.constant 16 : i32
        %mul3A_269 = arith.muli %scan3A_267, %mul3A_268 : i32
        %get3A_270 = arith.constant 0 : i32
        %get3A_271 = tpu.memref_slice %arg6[%scan3A_132, %get3A_270] : memref<2x16384xf32, #tpu.memory_space<vmem>> -> memref<1x16384xf32, #tpu.memory_space<vmem>>
        %get3A_272 = tpu.memref_squeeze %get3A_271 : memref<1x16384xf32, #tpu.memory_space<vmem>> -> memref<16384xf32, #tpu.memory_space<vmem>>
        %get3A_273 = arith.index_cast %mul3A_269 : i32 to index
        %get3A_274 = tpu.vector_load %get3A_272[%get3A_273] {strides = array<i32>} : memref<16384xf32, #tpu.memory_space<vmem>>, vector<16xf32>,
        %get3A_275 = vector.shape_cast %get3A_274 : vector<16xf32> to vector<16xf32>
        %max3A_276 = arith.maximumf %max3A_265, %get3A_275 : vector<16xf32>
        %scan3A_277 = arith.constant 11 : i32
        %scan3A_278 = arith.addi %scan3A_158, %scan3A_277 : i32
        %mul3A_279 = arith.constant 16 : i32
        %mul3A_280 = arith.muli %scan3A_278, %mul3A_279 : i32
        %get3A_281 = arith.constant 0 : i32
        %get3A_282 = tpu.memref_slice %arg6[%scan3A_132, %get3A_281] : memref<2x16384xf32, #tpu.memory_space<vmem>> -> memref<1x16384xf32, #tpu.memory_space<vmem>>
        %get3A_283 = tpu.memref_squeeze %get3A_282 : memref<1x16384xf32, #tpu.memory_space<vmem>> -> memref<16384xf32, #tpu.memory_space<vmem>>
        %get3A_284 = arith.index_cast %mul3A_280 : i32 to index
        %get3A_285 = tpu.vector_load %get3A_283[%get3A_284] {strides = array<i32>} : memref<16384xf32, #tpu.memory_space<vmem>>, vector<16xf32>,
        %get3A_286 = vector.shape_cast %get3A_285 : vector<16xf32> to vector<16xf32>
        %max3A_287 = arith.maximumf %max3A_276, %get3A_286 : vector<16xf32>
        %scan3A_288 = arith.constant 12 : i32
        %scan3A_289 = arith.addi %scan3A_158, %scan3A_288 : i32
        %mul3A_290 = arith.constant 16 : i32
        %mul3A_291 = arith.muli %scan3A_289, %mul3A_290 : i32
        %get3A_292 = arith.constant 0 : i32
        %get3A_293 = tpu.memref_slice %arg6[%scan3A_132, %get3A_292] : memref<2x16384xf32, #tpu.memory_space<vmem>> -> memref<1x16384xf32, #tpu.memory_space<vmem>>
        %get3A_294 = tpu.memref_squeeze %get3A_293 : memref<1x16384xf32, #tpu.memory_space<vmem>> -> memref<16384xf32, #tpu.memory_space<vmem>>
        %get3A_295 = arith.index_cast %mul3A_291 : i32 to index
        %get3A_296 = tpu.vector_load %get3A_294[%get3A_295] {strides = array<i32>} : memref<16384xf32, #tpu.memory_space<vmem>>, vector<16xf32>,
        %get3A_297 = vector.shape_cast %get3A_296 : vector<16xf32> to vector<16xf32>
        %max3A_298 = arith.maximumf %max3A_287, %get3A_297 : vector<16xf32>
        %scan3A_299 = arith.constant 13 : i32
        %scan3A_300 = arith.addi %scan3A_158, %scan3A_299 : i32
        %mul3A_301 = arith.constant 16 : i32
        %mul3A_302 = arith.muli %scan3A_300, %mul3A_301 : i32
        %get3A_303 = arith.constant 0 : i32
        %get3A_304 = tpu.memref_slice %arg6[%scan3A_132, %get3A_303] : memref<2x16384xf32, #tpu.memory_space<vmem>> -> memref<1x16384xf32, #tpu.memory_space<vmem>>
        %get3A_305 = tpu.memref_squeeze %get3A_304 : memref<1x16384xf32, #tpu.memory_space<vmem>> -> memref<16384xf32, #tpu.memory_space<vmem>>
        %get3A_306 = arith.index_cast %mul3A_302 : i32 to index
        %get3A_307 = tpu.vector_load %get3A_305[%get3A_306] {strides = array<i32>} : memref<16384xf32, #tpu.memory_space<vmem>>, vector<16xf32>,
        %get3A_308 = vector.shape_cast %get3A_307 : vector<16xf32> to vector<16xf32>
        %max3A_309 = arith.maximumf %max3A_298, %get3A_308 : vector<16xf32>
        %scan3A_310 = arith.constant 14 : i32
        %scan3A_311 = arith.addi %scan3A_158, %scan3A_310 : i32
        %mul3A_312 = arith.constant 16 : i32
        %mul3A_313 = arith.muli %scan3A_311, %mul3A_312 : i32
        %get3A_314 = arith.constant 0 : i32
        %get3A_315 = tpu.memref_slice %arg6[%scan3A_132, %get3A_314] : memref<2x16384xf32, #tpu.memory_space<vmem>> -> memref<1x16384xf32, #tpu.memory_space<vmem>>
        %get3A_316 = tpu.memref_squeeze %get3A_315 : memref<1x16384xf32, #tpu.memory_space<vmem>> -> memref<16384xf32, #tpu.memory_space<vmem>>
        %get3A_317 = arith.index_cast %mul3A_313 : i32 to index
        %get3A_318 = tpu.vector_load %get3A_316[%get3A_317] {strides = array<i32>} : memref<16384xf32, #tpu.memory_space<vmem>>, vector<16xf32>,
        %get3A_319 = vector.shape_cast %get3A_318 : vector<16xf32> to vector<16xf32>
        %max3A_320 = arith.maximumf %max3A_309, %get3A_319 : vector<16xf32>
        %scan3A_321 = arith.constant 15 : i32
        %scan3A_322 = arith.addi %scan3A_158, %scan3A_321 : i32
        %mul3A_323 = arith.constant 16 : i32
        %mul3A_324 = arith.muli %scan3A_322, %mul3A_323 : i32
        %get3A_325 = arith.constant 0 : i32
        %get3A_326 = tpu.memref_slice %arg6[%scan3A_132, %get3A_325] : memref<2x16384xf32, #tpu.memory_space<vmem>> -> memref<1x16384xf32, #tpu.memory_space<vmem>>
        %get3A_327 = tpu.memref_squeeze %get3A_326 : memref<1x16384xf32, #tpu.memory_space<vmem>> -> memref<16384xf32, #tpu.memory_space<vmem>>
        %get3A_328 = arith.index_cast %mul3A_324 : i32 to index
        %get3A_329 = tpu.vector_load %get3A_327[%get3A_328] {strides = array<i32>} : memref<16384xf32, #tpu.memory_space<vmem>>, vector<16xf32>,
        %get3A_330 = vector.shape_cast %get3A_329 : vector<16xf32> to vector<16xf32>
        %max3A_331 = arith.maximumf %max3A_320, %get3A_330 : vector<16xf32>
        scf.yield %max3A_331 : vector<16xf32>
      }
      %scan3A_138 = arith.constant 1024 : i32
      %broadcast_in_dim3A_139 = arith.constant 0.000000e+00 : f32
      %broadcast_in_dim3A_140 = vector.broadcast %broadcast_in_dim3A_139 : f32 to vector<16xf32>
      %scan3A_141 = arith.constant 1 : i32
      %scan3A_142 = arith.constant 0 : i32
      %scan3A_143 = arith.constant 1024 : i32
      %scan3A_144 = arith.addi %scan3A_142, %scan3A_143 : i32
      %scan3A_145 = arith.constant 16 : i32
      %scan3A_146 = scf.for %scan3A_158 = %scan3A_142 to %scan3A_144 step %scan3A_145 iter_args(%scan3A_159 = %broadcast_in_dim3A_140) -> (vector<16xf32>)  : i32 {
        %mul3A_160 = arith.constant 16 : i32
        %mul3A_161 = arith.muli %scan3A_158, %mul3A_160 : i32
        %get3A = arith.constant 0 : i32
        %get3A_162 = tpu.memref_slice %arg6[%scan3A_141, %get3A] : memref<2x16384xf32, #tpu.memory_space<vmem>> -> memref<1x16384xf32, #tpu.memory_space<vmem>>
        %get3A_163 = tpu.memref_squeeze %get3A_162 : memref<1x16384xf32, #tpu.memory_space<vmem>> -> memref<16384xf32, #tpu.memory_space<vmem>>
        %get3A_164 = arith.index_cast %mul3A_161 : i32 to index
        %get3A_165 = tpu.vector_load %get3A_163[%get3A_164] {strides = array<i32>} : memref<16384xf32, #tpu.memory_space<vmem>>, vector<16xf32>,
        %get3A_166 = vector.shape_cast %get3A_165 : vector<16xf32> to vector<16xf32>
        %sub3A = arith.subf %get3A_166, %scan3A_137 : vector<16xf32>
        %mul3A_167 = arith.constant 2.000000e+01 : f32
        %mul3A_168 = vector.broadcast %mul3A_167 : f32 to vector<16xf32>
        %mul3A_169 = arith.mulf %sub3A, %mul3A_168 : vector<16xf32>
        %exp3A = math.exp %mul3A_169 : vector<16xf32>
        %add3A_170 = arith.addf %scan3A_159, %exp3A : vector<16xf32>
        %scan3A_171 = arith.constant 1 : i32
        %scan3A_172 = arith.addi %scan3A_158, %scan3A_171 : i32
        %mul3A_173 = arith.constant 16 : i32
        %mul3A_174 = arith.muli %scan3A_172, %mul3A_173 : i32
        %get3A_175 = arith.constant 0 : i32
        %get3A_176 = tpu.memref_slice %arg6[%scan3A_141, %get3A_175] : memref<2x16384xf32, #tpu.memory_space<vmem>> -> memref<1x16384xf32, #tpu.memory_space<vmem>>
        %get3A_177 = tpu.memref_squeeze %get3A_176 : memref<1x16384xf32, #tpu.memory_space<vmem>> -> memref<16384xf32, #tpu.memory_space<vmem>>
        %get3A_178 = arith.index_cast %mul3A_174 : i32 to index
        %get3A_179 = tpu.vector_load %get3A_177[%get3A_178] {strides = array<i32>} : memref<16384xf32, #tpu.memory_space<vmem>>, vector<16xf32>,
        %get3A_180 = vector.shape_cast %get3A_179 : vector<16xf32> to vector<16xf32>
        %sub3A_181 = arith.subf %get3A_180, %scan3A_137 : vector<16xf32>
        %mul3A_182 = arith.constant 2.000000e+01 : f32
        %mul3A_183 = vector.broadcast %mul3A_182 : f32 to vector<16xf32>
        %mul3A_184 = arith.mulf %sub3A_181, %mul3A_183 : vector<16xf32>
        %exp3A_185 = math.exp %mul3A_184 : vector<16xf32>
        %add3A_186 = arith.addf %add3A_170, %exp3A_185 : vector<16xf32>
        %scan3A_187 = arith.constant 2 : i32
        %scan3A_188 = arith.addi %scan3A_158, %scan3A_187 : i32
        %mul3A_189 = arith.constant 16 : i32
        %mul3A_190 = arith.muli %scan3A_188, %mul3A_189 : i32
        %get3A_191 = arith.constant 0 : i32
        %get3A_192 = tpu.memref_slice %arg6[%scan3A_141, %get3A_191] : memref<2x16384xf32, #tpu.memory_space<vmem>> -> memref<1x16384xf32, #tpu.memory_space<vmem>>
        %get3A_193 = tpu.memref_squeeze %get3A_192 : memref<1x16384xf32, #tpu.memory_space<vmem>> -> memref<16384xf32, #tpu.memory_space<vmem>>
        %get3A_194 = arith.index_cast %mul3A_190 : i32 to index
        %get3A_195 = tpu.vector_load %get3A_193[%get3A_194] {strides = array<i32>} : memref<16384xf32, #tpu.memory_space<vmem>>, vector<16xf32>,
        %get3A_196 = vector.shape_cast %get3A_195 : vector<16xf32> to vector<16xf32>
        %sub3A_197 = arith.subf %get3A_196, %scan3A_137 : vector<16xf32>
        %mul3A_198 = arith.constant 2.000000e+01 : f32
        %mul3A_199 = vector.broadcast %mul3A_198 : f32 to vector<16xf32>
        %mul3A_200 = arith.mulf %sub3A_197, %mul3A_199 : vector<16xf32>
        %exp3A_201 = math.exp %mul3A_200 : vector<16xf32>
        %add3A_202 = arith.addf %add3A_186, %exp3A_201 : vector<16xf32>
        %scan3A_203 = arith.constant 3 : i32
        %scan3A_204 = arith.addi %scan3A_158, %scan3A_203 : i32
        %mul3A_205 = arith.constant 16 : i32
        %mul3A_206 = arith.muli %scan3A_204, %mul3A_205 : i32
        %get3A_207 = arith.constant 0 : i32
        %get3A_208 = tpu.memref_slice %arg6[%scan3A_141, %get3A_207] : memref<2x16384xf32, #tpu.memory_space<vmem>> -> memref<1x16384xf32, #tpu.memory_space<vmem>>
        %get3A_209 = tpu.memref_squeeze %get3A_208 : memref<1x16384xf32, #tpu.memory_space<vmem>> -> memref<16384xf32, #tpu.memory_space<vmem>>
        %get3A_210 = arith.index_cast %mul3A_206 : i32 to index
        %get3A_211 = tpu.vector_load %get3A_209[%get3A_210] {strides = array<i32>} : memref<16384xf32, #tpu.memory_space<vmem>>, vector<16xf32>,
        %get3A_212 = vector.shape_cast %get3A_211 : vector<16xf32> to vector<16xf32>
        %sub3A_213 = arith.subf %get3A_212, %scan3A_137 : vector<16xf32>
        %mul3A_214 = arith.constant 2.000000e+01 : f32
        %mul3A_215 = vector.broadcast %mul3A_214 : f32 to vector<16xf32>
        %mul3A_216 = arith.mulf %sub3A_213, %mul3A_215 : vector<16xf32>
        %exp3A_217 = math.exp %mul3A_216 : vector<16xf32>
        %add3A_218 = arith.addf %add3A_202, %exp3A_217 : vector<16xf32>
        %scan3A_219 = arith.constant 4 : i32
        %scan3A_220 = arith.addi %scan3A_158, %scan3A_219 : i32
        %mul3A_221 = arith.constant 16 : i32
        %mul3A_222 = arith.muli %scan3A_220, %mul3A_221 : i32
        %get3A_223 = arith.constant 0 : i32
        %get3A_224 = tpu.memref_slice %arg6[%scan3A_141, %get3A_223] : memref<2x16384xf32, #tpu.memory_space<vmem>> -> memref<1x16384xf32, #tpu.memory_space<vmem>>
        %get3A_225 = tpu.memref_squeeze %get3A_224 : memref<1x16384xf32, #tpu.memory_space<vmem>> -> memref<16384xf32, #tpu.memory_space<vmem>>
        %get3A_226 = arith.index_cast %mul3A_222 : i32 to index
        %get3A_227 = tpu.vector_load %get3A_225[%get3A_226] {strides = array<i32>} : memref<16384xf32, #tpu.memory_space<vmem>>, vector<16xf32>,
        %get3A_228 = vector.shape_cast %get3A_227 : vector<16xf32> to vector<16xf32>
        %sub3A_229 = arith.subf %get3A_228, %scan3A_137 : vector<16xf32>
        %mul3A_230 = arith.constant 2.000000e+01 : f32
        %mul3A_231 = vector.broadcast %mul3A_230 : f32 to vector<16xf32>
        %mul3A_232 = arith.mulf %sub3A_229, %mul3A_231 : vector<16xf32>
        %exp3A_233 = math.exp %mul3A_232 : vector<16xf32>
        %add3A_234 = arith.addf %add3A_218, %exp3A_233 : vector<16xf32>
        %scan3A_235 = arith.constant 5 : i32
        %scan3A_236 = arith.addi %scan3A_158, %scan3A_235 : i32
        %mul3A_237 = arith.constant 16 : i32
        %mul3A_238 = arith.muli %scan3A_236, %mul3A_237 : i32
        %get3A_239 = arith.constant 0 : i32
        %get3A_240 = tpu.memref_slice %arg6[%scan3A_141, %get3A_239] : memref<2x16384xf32, #tpu.memory_space<vmem>> -> memref<1x16384xf32, #tpu.memory_space<vmem>>
        %get3A_241 = tpu.memref_squeeze %get3A_240 : memref<1x16384xf32, #tpu.memory_space<vmem>> -> memref<16384xf32, #tpu.memory_space<vmem>>
        %get3A_242 = arith.index_cast %mul3A_238 : i32 to index
        %get3A_243 = tpu.vector_load %get3A_241[%get3A_242] {strides = array<i32>} : memref<16384xf32, #tpu.memory_space<vmem>>, vector<16xf32>,
        %get3A_244 = vector.shape_cast %get3A_243 : vector<16xf32> to vector<16xf32>
        %sub3A_245 = arith.subf %get3A_244, %scan3A_137 : vector<16xf32>
        %mul3A_246 = arith.constant 2.000000e+01 : f32
        %mul3A_247 = vector.broadcast %mul3A_246 : f32 to vector<16xf32>
        %mul3A_248 = arith.mulf %sub3A_245, %mul3A_247 : vector<16xf32>
        %exp3A_249 = math.exp %mul3A_248 : vector<16xf32>
        %add3A_250 = arith.addf %add3A_234, %exp3A_249 : vector<16xf32>
        %scan3A_251 = arith.constant 6 : i32
        %scan3A_252 = arith.addi %scan3A_158, %scan3A_251 : i32
        %mul3A_253 = arith.constant 16 : i32
        %mul3A_254 = arith.muli %scan3A_252, %mul3A_253 : i32
        %get3A_255 = arith.constant 0 : i32
        %get3A_256 = tpu.memref_slice %arg6[%scan3A_141, %get3A_255] : memref<2x16384xf32, #tpu.memory_space<vmem>> -> memref<1x16384xf32, #tpu.memory_space<vmem>>
        %get3A_257 = tpu.memref_squeeze %get3A_256 : memref<1x16384xf32, #tpu.memory_space<vmem>> -> memref<16384xf32, #tpu.memory_space<vmem>>
        %get3A_258 = arith.index_cast %mul3A_254 : i32 to index
        %get3A_259 = tpu.vector_load %get3A_257[%get3A_258] {strides = array<i32>} : memref<16384xf32, #tpu.memory_space<vmem>>, vector<16xf32>,
        %get3A_260 = vector.shape_cast %get3A_259 : vector<16xf32> to vector<16xf32>
        %sub3A_261 = arith.subf %get3A_260, %scan3A_137 : vector<16xf32>
        %mul3A_262 = arith.constant 2.000000e+01 : f32
        %mul3A_263 = vector.broadcast %mul3A_262 : f32 to vector<16xf32>
        %mul3A_264 = arith.mulf %sub3A_261, %mul3A_263 : vector<16xf32>
        %exp3A_265 = math.exp %mul3A_264 : vector<16xf32>
        %add3A_266 = arith.addf %add3A_250, %exp3A_265 : vector<16xf32>
        %scan3A_267 = arith.constant 7 : i32
        %scan3A_268 = arith.addi %scan3A_158, %scan3A_267 : i32
        %mul3A_269 = arith.constant 16 : i32
        %mul3A_270 = arith.muli %scan3A_268, %mul3A_269 : i32
        %get3A_271 = arith.constant 0 : i32
        %get3A_272 = tpu.memref_slice %arg6[%scan3A_141, %get3A_271] : memref<2x16384xf32, #tpu.memory_space<vmem>> -> memref<1x16384xf32, #tpu.memory_space<vmem>>
        %get3A_273 = tpu.memref_squeeze %get3A_272 : memref<1x16384xf32, #tpu.memory_space<vmem>> -> memref<16384xf32, #tpu.memory_space<vmem>>
        %get3A_274 = arith.index_cast %mul3A_270 : i32 to index
        %get3A_275 = tpu.vector_load %get3A_273[%get3A_274] {strides = array<i32>} : memref<16384xf32, #tpu.memory_space<vmem>>, vector<16xf32>,
        %get3A_276 = vector.shape_cast %get3A_275 : vector<16xf32> to vector<16xf32>
        %sub3A_277 = arith.subf %get3A_276, %scan3A_137 : vector<16xf32>
        %mul3A_278 = arith.constant 2.000000e+01 : f32
        %mul3A_279 = vector.broadcast %mul3A_278 : f32 to vector<16xf32>
        %mul3A_280 = arith.mulf %sub3A_277, %mul3A_279 : vector<16xf32>
        %exp3A_281 = math.exp %mul3A_280 : vector<16xf32>
        %add3A_282 = arith.addf %add3A_266, %exp3A_281 : vector<16xf32>
        %scan3A_283 = arith.constant 8 : i32
        %scan3A_284 = arith.addi %scan3A_158, %scan3A_283 : i32
        %mul3A_285 = arith.constant 16 : i32
        %mul3A_286 = arith.muli %scan3A_284, %mul3A_285 : i32
        %get3A_287 = arith.constant 0 : i32
        %get3A_288 = tpu.memref_slice %arg6[%scan3A_141, %get3A_287] : memref<2x16384xf32, #tpu.memory_space<vmem>> -> memref<1x16384xf32, #tpu.memory_space<vmem>>
        %get3A_289 = tpu.memref_squeeze %get3A_288 : memref<1x16384xf32, #tpu.memory_space<vmem>> -> memref<16384xf32, #tpu.memory_space<vmem>>
        %get3A_290 = arith.index_cast %mul3A_286 : i32 to index
        %get3A_291 = tpu.vector_load %get3A_289[%get3A_290] {strides = array<i32>} : memref<16384xf32, #tpu.memory_space<vmem>>, vector<16xf32>,
        %get3A_292 = vector.shape_cast %get3A_291 : vector<16xf32> to vector<16xf32>
        %sub3A_293 = arith.subf %get3A_292, %scan3A_137 : vector<16xf32>
        %mul3A_294 = arith.constant 2.000000e+01 : f32
        %mul3A_295 = vector.broadcast %mul3A_294 : f32 to vector<16xf32>
        %mul3A_296 = arith.mulf %sub3A_293, %mul3A_295 : vector<16xf32>
        %exp3A_297 = math.exp %mul3A_296 : vector<16xf32>
        %add3A_298 = arith.addf %add3A_282, %exp3A_297 : vector<16xf32>
        %scan3A_299 = arith.constant 9 : i32
        %scan3A_300 = arith.addi %scan3A_158, %scan3A_299 : i32
        %mul3A_301 = arith.constant 16 : i32
        %mul3A_302 = arith.muli %scan3A_300, %mul3A_301 : i32
        %get3A_303 = arith.constant 0 : i32
        %get3A_304 = tpu.memref_slice %arg6[%scan3A_141, %get3A_303] : memref<2x16384xf32, #tpu.memory_space<vmem>> -> memref<1x16384xf32, #tpu.memory_space<vmem>>
        %get3A_305 = tpu.memref_squeeze %get3A_304 : memref<1x16384xf32, #tpu.memory_space<vmem>> -> memref<16384xf32, #tpu.memory_space<vmem>>
        %get3A_306 = arith.index_cast %mul3A_302 : i32 to index
        %get3A_307 = tpu.vector_load %get3A_305[%get3A_306] {strides = array<i32>} : memref<16384xf32, #tpu.memory_space<vmem>>, vector<16xf32>,
        %get3A_308 = vector.shape_cast %get3A_307 : vector<16xf32> to vector<16xf32>
        %sub3A_309 = arith.subf %get3A_308, %scan3A_137 : vector<16xf32>
        %mul3A_310 = arith.constant 2.000000e+01 : f32
        %mul3A_311 = vector.broadcast %mul3A_310 : f32 to vector<16xf32>
        %mul3A_312 = arith.mulf %sub3A_309, %mul3A_311 : vector<16xf32>
        %exp3A_313 = math.exp %mul3A_312 : vector<16xf32>
        %add3A_314 = arith.addf %add3A_298, %exp3A_313 : vector<16xf32>
        %scan3A_315 = arith.constant 10 : i32
        %scan3A_316 = arith.addi %scan3A_158, %scan3A_315 : i32
        %mul3A_317 = arith.constant 16 : i32
        %mul3A_318 = arith.muli %scan3A_316, %mul3A_317 : i32
        %get3A_319 = arith.constant 0 : i32
        %get3A_320 = tpu.memref_slice %arg6[%scan3A_141, %get3A_319] : memref<2x16384xf32, #tpu.memory_space<vmem>> -> memref<1x16384xf32, #tpu.memory_space<vmem>>
        %get3A_321 = tpu.memref_squeeze %get3A_320 : memref<1x16384xf32, #tpu.memory_space<vmem>> -> memref<16384xf32, #tpu.memory_space<vmem>>
        %get3A_322 = arith.index_cast %mul3A_318 : i32 to index
        %get3A_323 = tpu.vector_load %get3A_321[%get3A_322] {strides = array<i32>} : memref<16384xf32, #tpu.memory_space<vmem>>, vector<16xf32>,
        %get3A_324 = vector.shape_cast %get3A_323 : vector<16xf32> to vector<16xf32>
        %sub3A_325 = arith.subf %get3A_324, %scan3A_137 : vector<16xf32>
        %mul3A_326 = arith.constant 2.000000e+01 : f32
        %mul3A_327 = vector.broadcast %mul3A_326 : f32 to vector<16xf32>
        %mul3A_328 = arith.mulf %sub3A_325, %mul3A_327 : vector<16xf32>
        %exp3A_329 = math.exp %mul3A_328 : vector<16xf32>
        %add3A_330 = arith.addf %add3A_314, %exp3A_329 : vector<16xf32>
        %scan3A_331 = arith.constant 11 : i32
        %scan3A_332 = arith.addi %scan3A_158, %scan3A_331 : i32
        %mul3A_333 = arith.constant 16 : i32
        %mul3A_334 = arith.muli %scan3A_332, %mul3A_333 : i32
        %get3A_335 = arith.constant 0 : i32
        %get3A_336 = tpu.memref_slice %arg6[%scan3A_141, %get3A_335] : memref<2x16384xf32, #tpu.memory_space<vmem>> -> memref<1x16384xf32, #tpu.memory_space<vmem>>
        %get3A_337 = tpu.memref_squeeze %get3A_336 : memref<1x16384xf32, #tpu.memory_space<vmem>> -> memref<16384xf32, #tpu.memory_space<vmem>>
        %get3A_338 = arith.index_cast %mul3A_334 : i32 to index
        %get3A_339 = tpu.vector_load %get3A_337[%get3A_338] {strides = array<i32>} : memref<16384xf32, #tpu.memory_space<vmem>>, vector<16xf32>,
        %get3A_340 = vector.shape_cast %get3A_339 : vector<16xf32> to vector<16xf32>
        %sub3A_341 = arith.subf %get3A_340, %scan3A_137 : vector<16xf32>
        %mul3A_342 = arith.constant 2.000000e+01 : f32
        %mul3A_343 = vector.broadcast %mul3A_342 : f32 to vector<16xf32>
        %mul3A_344 = arith.mulf %sub3A_341, %mul3A_343 : vector<16xf32>
        %exp3A_345 = math.exp %mul3A_344 : vector<16xf32>
        %add3A_346 = arith.addf %add3A_330, %exp3A_345 : vector<16xf32>
        %scan3A_347 = arith.constant 12 : i32
        %scan3A_348 = arith.addi %scan3A_158, %scan3A_347 : i32
        %mul3A_349 = arith.constant 16 : i32
        %mul3A_350 = arith.muli %scan3A_348, %mul3A_349 : i32
        %get3A_351 = arith.constant 0 : i32
        %get3A_352 = tpu.memref_slice %arg6[%scan3A_141, %get3A_351] : memref<2x16384xf32, #tpu.memory_space<vmem>> -> memref<1x16384xf32, #tpu.memory_space<vmem>>
        %get3A_353 = tpu.memref_squeeze %get3A_352 : memref<1x16384xf32, #tpu.memory_space<vmem>> -> memref<16384xf32, #tpu.memory_space<vmem>>
        %get3A_354 = arith.index_cast %mul3A_350 : i32 to index
        %get3A_355 = tpu.vector_load %get3A_353[%get3A_354] {strides = array<i32>} : memref<16384xf32, #tpu.memory_space<vmem>>, vector<16xf32>,
        %get3A_356 = vector.shape_cast %get3A_355 : vector<16xf32> to vector<16xf32>
        %sub3A_357 = arith.subf %get3A_356, %scan3A_137 : vector<16xf32>
        %mul3A_358 = arith.constant 2.000000e+01 : f32
        %mul3A_359 = vector.broadcast %mul3A_358 : f32 to vector<16xf32>
        %mul3A_360 = arith.mulf %sub3A_357, %mul3A_359 : vector<16xf32>
        %exp3A_361 = math.exp %mul3A_360 : vector<16xf32>
        %add3A_362 = arith.addf %add3A_346, %exp3A_361 : vector<16xf32>
        %scan3A_363 = arith.constant 13 : i32
        %scan3A_364 = arith.addi %scan3A_158, %scan3A_363 : i32
        %mul3A_365 = arith.constant 16 : i32
        %mul3A_366 = arith.muli %scan3A_364, %mul3A_365 : i32
        %get3A_367 = arith.constant 0 : i32
        %get3A_368 = tpu.memref_slice %arg6[%scan3A_141, %get3A_367] : memref<2x16384xf32, #tpu.memory_space<vmem>> -> memref<1x16384xf32, #tpu.memory_space<vmem>>
        %get3A_369 = tpu.memref_squeeze %get3A_368 : memref<1x16384xf32, #tpu.memory_space<vmem>> -> memref<16384xf32, #tpu.memory_space<vmem>>
        %get3A_370 = arith.index_cast %mul3A_366 : i32 to index
        %get3A_371 = tpu.vector_load %get3A_369[%get3A_370] {strides = array<i32>} : memref<16384xf32, #tpu.memory_space<vmem>>, vector<16xf32>,
        %get3A_372 = vector.shape_cast %get3A_371 : vector<16xf32> to vector<16xf32>
        %sub3A_373 = arith.subf %get3A_372, %scan3A_137 : vector<16xf32>
        %mul3A_374 = arith.constant 2.000000e+01 : f32
        %mul3A_375 = vector.broadcast %mul3A_374 : f32 to vector<16xf32>
        %mul3A_376 = arith.mulf %sub3A_373, %mul3A_375 : vector<16xf32>
        %exp3A_377 = math.exp %mul3A_376 : vector<16xf32>
        %add3A_378 = arith.addf %add3A_362, %exp3A_377 : vector<16xf32>
        %scan3A_379 = arith.constant 14 : i32
        %scan3A_380 = arith.addi %scan3A_158, %scan3A_379 : i32
        %mul3A_381 = arith.constant 16 : i32
        %mul3A_382 = arith.muli %scan3A_380, %mul3A_381 : i32
        %get3A_383 = arith.constant 0 : i32
        %get3A_384 = tpu.memref_slice %arg6[%scan3A_141, %get3A_383] : memref<2x16384xf32, #tpu.memory_space<vmem>> -> memref<1x16384xf32, #tpu.memory_space<vmem>>
        %get3A_385 = tpu.memref_squeeze %get3A_384 : memref<1x16384xf32, #tpu.memory_space<vmem>> -> memref<16384xf32, #tpu.memory_space<vmem>>
        %get3A_386 = arith.index_cast %mul3A_382 : i32 to index
        %get3A_387 = tpu.vector_load %get3A_385[%get3A_386] {strides = array<i32>} : memref<16384xf32, #tpu.memory_space<vmem>>, vector<16xf32>,
        %get3A_388 = vector.shape_cast %get3A_387 : vector<16xf32> to vector<16xf32>
        %sub3A_389 = arith.subf %get3A_388, %scan3A_137 : vector<16xf32>
        %mul3A_390 = arith.constant 2.000000e+01 : f32
        %mul3A_391 = vector.broadcast %mul3A_390 : f32 to vector<16xf32>
        %mul3A_392 = arith.mulf %sub3A_389, %mul3A_391 : vector<16xf32>
        %exp3A_393 = math.exp %mul3A_392 : vector<16xf32>
        %add3A_394 = arith.addf %add3A_378, %exp3A_393 : vector<16xf32>
        %scan3A_395 = arith.constant 15 : i32
        %scan3A_396 = arith.addi %scan3A_158, %scan3A_395 : i32
        %mul3A_397 = arith.constant 16 : i32
        %mul3A_398 = arith.muli %scan3A_396, %mul3A_397 : i32
        %get3A_399 = arith.constant 0 : i32
        %get3A_400 = tpu.memref_slice %arg6[%scan3A_141, %get3A_399] : memref<2x16384xf32, #tpu.memory_space<vmem>> -> memref<1x16384xf32, #tpu.memory_space<vmem>>
        %get3A_401 = tpu.memref_squeeze %get3A_400 : memref<1x16384xf32, #tpu.memory_space<vmem>> -> memref<16384xf32, #tpu.memory_space<vmem>>
        %get3A_402 = arith.index_cast %mul3A_398 : i32 to index
        %get3A_403 = tpu.vector_load %get3A_401[%get3A_402] {strides = array<i32>} : memref<16384xf32, #tpu.memory_space<vmem>>, vector<16xf32>,
        %get3A_404 = vector.shape_cast %get3A_403 : vector<16xf32> to vector<16xf32>
        %sub3A_405 = arith.subf %get3A_404, %scan3A_137 : vector<16xf32>
        %mul3A_406 = arith.constant 2.000000e+01 : f32
        %mul3A_407 = vector.broadcast %mul3A_406 : f32 to vector<16xf32>
        %mul3A_408 = arith.mulf %sub3A_405, %mul3A_407 : vector<16xf32>
        %exp3A_409 = math.exp %mul3A_408 : vector<16xf32>
        %add3A_410 = arith.addf %add3A_394, %exp3A_409 : vector<16xf32>
        scf.yield %add3A_410 : vector<16xf32>
      }
      %scan3A_147 = arith.constant 1024 : i32
      %swap3A_148 = arith.index_cast %add3A_129 : i32 to index
      %swap3A_149 = arith.constant 0 : index
      %swap3A_150 = tpu.vector_load %arg7[%swap3A_148, %swap3A_149] {strides = array<i32>} : memref<40x16xf32, #tpu.memory_space<vmem>>, vector<1x16xf32>,
      %swap3A_151 = vector.shape_cast %swap3A_150 : vector<1x16xf32> to vector<16xf32>
      %swap3A_152 = vector.shape_cast %scan3A_137 : vector<16xf32> to vector<1x16xf32>
      tpu.vector_store %arg7[%swap3A_148, %swap3A_149], %swap3A_152 {strides = array<i32>} : memref<40x16xf32, #tpu.memory_space<vmem>>, vector<1x16xf32>,
      %swap3A_153 = arith.index_cast %add3A_129 : i32 to index
      %swap3A_154 = arith.constant 0 : index
      %swap3A_155 = tpu.vector_load %arg8[%swap3A_153, %swap3A_154] {strides = array<i32>} : memref<40x16xf32, #tpu.memory_space<vmem>>, vector<1x16xf32>,
      %swap3A_156 = vector.shape_cast %swap3A_155 : vector<1x16xf32> to vector<16xf32>
      %swap3A_157 = vector.shape_cast %scan3A_146 : vector<16xf32> to vector<1x16xf32>
      tpu.vector_store %arg8[%swap3A_153, %swap3A_154], %swap3A_157 {strides = array<i32>} : memref<40x16xf32, #tpu.memory_space<vmem>>, vector<1x16xf32>,
    }
    %scan3A_10 = arith.constant 10 : i32
    "tpu.region"() ({
      %run_scoped3A = tpu.sem_alloc : memref<!tpu.dma_semaphore, #tpu.memory_space<semaphore_mem>>
      %dma_start3A_11 = arith.constant 0 : i32
      %dma_start3A_12 = tpu.memref_slice %arg3[%mul3A_2, %dma_start3A_11] : memref<1280x16xf32, #tpu.memory_space<hbm>> -> memref<40x16xf32, #tpu.memory_space<hbm>>
      %dma_start3A_13 = arith.constant 0 : i32
      %dma_start3A_14 = tpu.memref_slice %arg3[%mul3A_2, %dma_start3A_13] : memref<1280x16xf32, #tpu.memory_space<hbm>> -> memref<40x16xf32, #tpu.memory_space<hbm>>
      tpu.enqueue_dma source(%arg7 : memref<40x16xf32, #tpu.memory_space<vmem>>) target(%dma_start3A_14 : memref<40x16xf32, #tpu.memory_space<hbm>>) target_semaphore(%run_scoped3A : memref<!tpu.dma_semaphore, #tpu.memory_space<semaphore_mem>>)
      %dma_wait3A = arith.constant 0 : i32
      %dma_wait3A_15 = tpu.memref_slice %arg3[%mul3A_2, %dma_wait3A] : memref<1280x16xf32, #tpu.memory_space<hbm>> -> memref<40x16xf32, #tpu.memory_space<hbm>>
      %dma_wait3A_16 = arith.constant 0 : i32
      %dma_wait3A_17 = tpu.memref_slice %arg3[%mul3A_2, %dma_wait3A_16] : memref<1280x16xf32, #tpu.memory_space<hbm>> -> memref<40x16xf32, #tpu.memory_space<hbm>>
      tpu.wait_dma2 semaphore(%run_scoped3A : memref<!tpu.dma_semaphore, #tpu.memory_space<semaphore_mem>>) src(%arg7 : memref<40x16xf32, #tpu.memory_space<vmem>>) dst(%dma_wait3A_17 : memref<40x16xf32, #tpu.memory_space<hbm>>)
      tpu.yield
    }) : () -> ()
    "tpu.region"() ({
      %run_scoped3A = tpu.sem_alloc : memref<!tpu.dma_semaphore, #tpu.memory_space<semaphore_mem>>
      %dma_start3A_11 = arith.constant 0 : i32
      %dma_start3A_12 = tpu.memref_slice %arg4[%mul3A_2, %dma_start3A_11] : memref<1280x16xf32, #tpu.memory_space<hbm>> -> memref<40x16xf32, #tpu.memory_space<hbm>>
      %dma_start3A_13 = arith.constant 0 : i32
      %dma_start3A_14 = tpu.memref_slice %arg4[%mul3A_2, %dma_start3A_13] : memref<1280x16xf32, #tpu.memory_space<hbm>> -> memref<40x16xf32, #tpu.memory_space<hbm>>
      tpu.enqueue_dma source(%arg8 : memref<40x16xf32, #tpu.memory_space<vmem>>) target(%dma_start3A_14 : memref<40x16xf32, #tpu.memory_space<hbm>>) target_semaphore(%run_scoped3A : memref<!tpu.dma_semaphore, #tpu.memory_space<semaphore_mem>>)
      %dma_wait3A = arith.constant 0 : i32
      %dma_wait3A_15 = tpu.memref_slice %arg4[%mul3A_2, %dma_wait3A] : memref<1280x16xf32, #tpu.memory_space<hbm>> -> memref<40x16xf32, #tpu.memory_space<hbm>>
      %dma_wait3A_16 = arith.constant 0 : i32
      %dma_wait3A_17 = tpu.memref_slice %arg4[%mul3A_2, %dma_wait3A_16] : memref<1280x16xf32, #tpu.memory_space<hbm>> -> memref<40x16xf32, #tpu.memory_space<hbm>>
      tpu.wait_dma2 semaphore(%run_scoped3A : memref<!tpu.dma_semaphore, #tpu.memory_space<semaphore_mem>>) src(%arg8 : memref<40x16xf32, #tpu.memory_space<vmem>>) dst(%dma_wait3A_17 : memref<40x16xf32, #tpu.memory_space<hbm>>)
      tpu.yield
    }) : () -> ()
    return
  }
}

module attributes {stable_mosaic.version = 14 : i64} {
  func.func @_finish_body(%arg0: memref<1280x16xf32, #tpu.memory_space<vmem>>, %arg1: memref<1280x16xf32, #tpu.memory_space<vmem>>, %arg2: memref<2816x1xf32, #tpu.memory_space<vmem>>, %arg3: memref<2816x1xf32, #tpu.memory_space<vmem>>, %arg4: memref<4096x1xf32, #tpu.memory_space<vmem>>, %arg5: memref<1x1xf32, #tpu.memory_space<vmem>>) attributes {dimension_semantics = [], scalar_prefetch = 0 : i64, scratch_operands = 0 : i64, tpu.core_type = #tpu.core_type<tc>} {
    %get3A = arith.constant 0 : index
    %get3A_0 = arith.constant 0 : index
    %get3A_1 = vector.load %arg0[%get3A, %get3A_0] : memref<1280x16xf32, #tpu.memory_space<vmem>>, vector<1280x16xf32>
    %get3A_2 = arith.constant 0 : index
    %get3A_3 = arith.constant 0 : index
    %get3A_4 = vector.load %arg1[%get3A_2, %get3A_3] : memref<1280x16xf32, #tpu.memory_space<vmem>>, vector<1280x16xf32>
    %get3A_5 = arith.constant 0 : index
    %get3A_6 = arith.constant 0 : index
    %get3A_7 = vector.load %arg4[%get3A_5, %get3A_6] : memref<4096x1xf32, #tpu.memory_space<vmem>>, vector<4096x1xf32>
    %squeeze3A = vector.shape_cast %get3A_7 : vector<4096x1xf32> to vector<4096xf32>
    %reduce_max3A = arith.constant dense<0xFF800000> : vector<1280xf32>
    %reduce_max3A_8 = vector.multi_reduction <maximumf>, %get3A_1, %reduce_max3A [1] : vector<1280x16xf32> to vector<1280xf32>
    %broadcast_in_dim3A = vector.shape_cast %reduce_max3A_8 : vector<1280xf32> to vector<1280x1xf32>
    %sub3A = vector.broadcast %broadcast_in_dim3A : vector<1280x1xf32> to vector<1280x16xf32>
    %sub3A_9 = arith.subf %get3A_1, %sub3A : vector<1280x16xf32>
    %mul3A = arith.constant 2.000000e+01 : f32
    %mul3A_10 = vector.broadcast %mul3A : f32 to vector<1280x16xf32>
    %mul3A_11 = arith.mulf %sub3A_9, %mul3A_10 : vector<1280x16xf32>
    %exp3A = math.exp %mul3A_11 : vector<1280x16xf32>
    %mul3A_12 = arith.mulf %get3A_4, %exp3A : vector<1280x16xf32>
    %reduce_sum3A = arith.constant dense<0.000000e+00> : vector<1280xf32>
    %reduce_sum3A_13 = vector.multi_reduction <add>, %mul3A_12, %reduce_sum3A [1] : vector<1280x16xf32> to vector<1280xf32>
    %slice3A = vector.extract_strided_slice %squeeze3A {offsets = [0], sizes = [1280], strides = [1]} : vector<4096xf32> to vector<1280xf32>
    %max3A = arith.maximumf %reduce_max3A_8, %slice3A : vector<1280xf32>
    %sub3A_14 = arith.subf %max3A, %slice3A : vector<1280xf32>
    %mul3A_15 = arith.constant 2.000000e+01 : f32
    %mul3A_16 = vector.broadcast %mul3A_15 : f32 to vector<1280xf32>
    %mul3A_17 = arith.mulf %sub3A_14, %mul3A_16 : vector<1280xf32>
    %sub3A_18 = arith.subf %slice3A, %max3A : vector<1280xf32>
    %mul3A_19 = arith.constant 2.000000e+01 : f32
    %mul3A_20 = vector.broadcast %mul3A_19 : f32 to vector<1280xf32>
    %mul3A_21 = arith.mulf %sub3A_18, %mul3A_20 : vector<1280xf32>
    %exp3A_22 = math.exp %mul3A_21 : vector<1280xf32>
    %sub3A_23 = arith.subf %reduce_max3A_8, %max3A : vector<1280xf32>
    %mul3A_24 = arith.constant 2.000000e+01 : f32
    %mul3A_25 = vector.broadcast %mul3A_24 : f32 to vector<1280xf32>
    %mul3A_26 = arith.mulf %sub3A_23, %mul3A_25 : vector<1280xf32>
    %exp3A_27 = math.exp %mul3A_26 : vector<1280xf32>
    %mul3A_28 = arith.mulf %reduce_sum3A_13, %exp3A_27 : vector<1280xf32>
    %add3A = arith.addf %exp3A_22, %mul3A_28 : vector<1280xf32>
    %log3A = math.log %add3A : vector<1280xf32>
    %add3A_29 = arith.addf %mul3A_17, %log3A : vector<1280xf32>
    %get3A_30 = arith.constant 0 : index
    %get3A_31 = arith.constant 0 : index
    %get3A_32 = vector.load %arg2[%get3A_30, %get3A_31] : memref<2816x1xf32, #tpu.memory_space<vmem>>, vector<2816x1xf32>
    %squeeze3A_33 = vector.shape_cast %get3A_32 : vector<2816x1xf32> to vector<2816xf32>
    %get3A_34 = arith.constant 0 : index
    %get3A_35 = arith.constant 0 : index
    %get3A_36 = vector.load %arg3[%get3A_34, %get3A_35] : memref<2816x1xf32, #tpu.memory_space<vmem>>, vector<2816x1xf32>
    %squeeze3A_37 = vector.shape_cast %get3A_36 : vector<2816x1xf32> to vector<2816xf32>
    %slice3A_38 = vector.extract_strided_slice %squeeze3A {offsets = [1280], sizes = [2816], strides = [1]} : vector<4096xf32> to vector<2816xf32>
    %max3A_39 = arith.maximumf %squeeze3A_33, %slice3A_38 : vector<2816xf32>
    %sub3A_40 = arith.subf %max3A_39, %slice3A_38 : vector<2816xf32>
    %mul3A_41 = arith.constant 2.000000e+01 : f32
    %mul3A_42 = vector.broadcast %mul3A_41 : f32 to vector<2816xf32>
    %mul3A_43 = arith.mulf %sub3A_40, %mul3A_42 : vector<2816xf32>
    %sub3A_44 = arith.subf %slice3A_38, %max3A_39 : vector<2816xf32>
    %mul3A_45 = arith.constant 2.000000e+01 : f32
    %mul3A_46 = vector.broadcast %mul3A_45 : f32 to vector<2816xf32>
    %mul3A_47 = arith.mulf %sub3A_44, %mul3A_46 : vector<2816xf32>
    %exp3A_48 = math.exp %mul3A_47 : vector<2816xf32>
    %sub3A_49 = arith.subf %squeeze3A_33, %max3A_39 : vector<2816xf32>
    %mul3A_50 = arith.constant 2.000000e+01 : f32
    %mul3A_51 = vector.broadcast %mul3A_50 : f32 to vector<2816xf32>
    %mul3A_52 = arith.mulf %sub3A_49, %mul3A_51 : vector<2816xf32>
    %exp3A_53 = math.exp %mul3A_52 : vector<2816xf32>
    %mul3A_54 = arith.mulf %squeeze3A_37, %exp3A_53 : vector<2816xf32>
    %add3A_55 = arith.addf %exp3A_48, %mul3A_54 : vector<2816xf32>
    %log3A_56 = math.log %add3A_55 : vector<2816xf32>
    %add3A_57 = arith.addf %mul3A_43, %log3A_56 : vector<2816xf32>
    %reduce_sum3A_58 = vector.shape_cast %add3A_29 : vector<1280xf32> to vector<1x1280xf32>
    %reduce_sum3A_59 = arith.constant dense<0.000000e+00> : vector<1xf32>
    %reduce_sum3A_60 = vector.multi_reduction <add>, %reduce_sum3A_58, %reduce_sum3A_59 [1] : vector<1x1280xf32> to vector<1xf32>
    %reduce_sum3A_61 = vector.shape_cast %reduce_sum3A_60 : vector<1xf32> to vector<1x1xf32>
    %reduce_sum3A_62 = vector.extract %reduce_sum3A_61[0, 0] : f32 from vector<1x1xf32>
    %reduce_sum3A_63 = vector.shape_cast %add3A_57 : vector<2816xf32> to vector<1x2816xf32>
    %reduce_sum3A_64 = arith.constant dense<0.000000e+00> : vector<1xf32>
    %reduce_sum3A_65 = vector.multi_reduction <add>, %reduce_sum3A_63, %reduce_sum3A_64 [1] : vector<1x2816xf32> to vector<1xf32>
    %reduce_sum3A_66 = vector.shape_cast %reduce_sum3A_65 : vector<1xf32> to vector<1x1xf32>
    %reduce_sum3A_67 = vector.extract %reduce_sum3A_66[0, 0] : f32 from vector<1x1xf32>
    %add3A_68 = arith.addf %reduce_sum3A_62, %reduce_sum3A_67 : f32
    %mul3A_69 = arith.constant 2.44140625E-4 : f32
    %mul3A_70 = arith.mulf %add3A_68, %mul3A_69 : f32
    %reshape3A = vector.broadcast %mul3A_70 : f32 to vector<1x1xf32>
    %swap3A = arith.constant 0 : index
    %swap3A_71 = arith.constant 0 : index
    %swap3A_72 = vector.load %arg5[%swap3A, %swap3A_71] : memref<1x1xf32, #tpu.memory_space<vmem>>, vector<1x1xf32>
    tpu.vector_store %arg5[%swap3A, %swap3A_71], %reshape3A {strides = array<i32>} : memref<1x1xf32, #tpu.memory_space<vmem>>, vector<1x1xf32>,
    return
  }
}

module attributes {stable_mosaic.version = 14 : i64} {
  func.func @_tc_reduce_body(%arg0: i32, %arg1: memref<128x16384xf32, #tpu.memory_space<vmem>>, %arg2: memref<128x1xf32, #tpu.memory_space<vmem>>, %arg3: memref<128x1xf32, #tpu.memory_space<vmem>>) attributes {dimension_semantics = [#tpu.dimension_semantics<arbitrary>], iteration_bounds = array<i64: 22>, scalar_prefetch = 0 : i64, scratch_operands = 0 : i64, tpu.core_type = #tpu.core_type<tc>, window_params = [{transform_indices = @transform_0, window_bounds = array<i64: 128, 16384>}, {transform_indices = @transform_1, window_bounds = array<i64: 128, 1>}, {transform_indices = @transform_2, window_bounds = array<i64: 128, 1>}]} {
    %get3A = arith.constant 0 : index
    %get3A_0 = arith.constant 0 : index
    %get3A_1 = vector.load %arg1[%get3A, %get3A_0] : memref<128x16384xf32, #tpu.memory_space<vmem>>, vector<128x16384xf32>
    %reduce_max3A = arith.constant dense<0xFF800000> : vector<128xf32>
    %reduce_max3A_2 = vector.multi_reduction <maximumf>, %get3A_1, %reduce_max3A [1] : vector<128x16384xf32> to vector<128xf32>
    %broadcast_in_dim3A = vector.shape_cast %reduce_max3A_2 : vector<128xf32> to vector<128x1xf32>
    %sub3A = vector.broadcast %broadcast_in_dim3A : vector<128x1xf32> to vector<128x16384xf32>
    %sub3A_3 = arith.subf %get3A_1, %sub3A : vector<128x16384xf32>
    %mul3A = arith.constant 2.000000e+01 : f32
    %mul3A_4 = vector.broadcast %mul3A : f32 to vector<128x16384xf32>
    %mul3A_5 = arith.mulf %sub3A_3, %mul3A_4 : vector<128x16384xf32>
    %exp3A = math.exp %mul3A_5 : vector<128x16384xf32>
    %reduce_sum3A = arith.constant dense<0.000000e+00> : vector<128xf32>
    %reduce_sum3A_6 = vector.multi_reduction <add>, %exp3A, %reduce_sum3A [1] : vector<128x16384xf32> to vector<128xf32>
    %broadcast_in_dim3A_7 = vector.shape_cast %reduce_max3A_2 : vector<128xf32> to vector<128x1xf32>
    %swap3A = arith.constant 0 : index
    %swap3A_8 = arith.constant 0 : index
    %swap3A_9 = vector.load %arg2[%swap3A, %swap3A_8] : memref<128x1xf32, #tpu.memory_space<vmem>>, vector<128x1xf32>
    tpu.vector_store %arg2[%swap3A, %swap3A_8], %broadcast_in_dim3A_7 {strides = array<i32>} : memref<128x1xf32, #tpu.memory_space<vmem>>, vector<128x1xf32>,
    %broadcast_in_dim3A_10 = vector.shape_cast %reduce_sum3A_6 : vector<128xf32> to vector<128x1xf32>
    %swap3A_11 = arith.constant 0 : index
    %swap3A_12 = arith.constant 0 : index
    %swap3A_13 = vector.load %arg3[%swap3A_11, %swap3A_12] : memref<128x1xf32, #tpu.memory_space<vmem>>, vector<128x1xf32>
    tpu.vector_store %arg3[%swap3A_11, %swap3A_12], %broadcast_in_dim3A_10 {strides = array<i32>} : memref<128x1xf32, #tpu.memory_space<vmem>>, vector<128x1xf32>,
    return
  }
  func.func @transform_0(%arg0: i32) -> (i32, i32) {
    %add3A = arith.constant 10 : i32
    %add3A_0 = arith.addi %arg0, %add3A : i32
    %c0_i32 = arith.constant 0 : i32
    %c0_i32_1 = arith.constant 0 : i32
    return %add3A_0, %c0_i32 : i32, i32
  }
  func.func @transform_1(%arg0: i32) -> (i32, i32) {
    %c0_i32 = arith.constant 0 : i32
    %c0_i32_0 = arith.constant 0 : i32
    return %arg0, %c0_i32 : i32, i32
  }
  func.func @transform_2(%arg0: i32) -> (i32, i32) {
    %c0_i32 = arith.constant 0 : i32
    %c0_i32_0 = arith.constant 0 : i32
    return %arg0, %c0_i32 : i32, i32
  }
}

</mosaic_0001>

<sc_bundles>
// kernel: kernel.5.cloned.1.call-start
scs
__scs_entry_jumppad:
0x0: {  	(pc) =	sbr.rel $0x88, $3  }
0x1: {  	(tag) =	ssettag $0x0;
	lr =	simm.s32 $0x1  }
0x2: {  	[smem:$0x3F9F] =	sst lr;
	_ =	strace $0xD0000000  }
0x3: {  	_ = 	snop  }
0x4: {  	_ = 	snop  }
0x5: {  	_ = 	snop  }
0x6: {  	_ = 	snop  }
0x7: {  	_ = 	snop  }
__scs_overlays_trampoline_lowered:
0x8: {  	[smem:$0x3FAE] =	sst s0  }
0x9: {  	[smem:$0x3FAF] =	sst s1  }
0xa: {  	[smem:$0x3FB0] =	sst s2  }
0xb: {  	[smem:$0x3FB1] =	sst s3  }
0xc: {  	[smem:$0x3FB2] =	sst s4  }
0xd: {  	[smem:$0x3FB3] =	sst s5  }
0xe: {  	[smem:$0x3FB4] =	sst s6  }
0xf: {  	[smem:$0x3FB5] =	sst s7  }
0x10: {  	[smem:$0x3FB6] =	sst s8  }
0x11: {  	[smem:$0x3FB7] =	sst s9;
	s0 =	simm.s32 @!p0 $0x0  }
0x12: {  	s1 =	sld [smem:$0x3F9D];
	s0 =	simm.s32 @p0 $0x1  }
0x13: {  	[smem:$0x3FB8] =	sst s0;
	s0 =	simm.s32 @!p1 $0x0  }
0x14: {  	s2 =	sld [smem:$0x3F9C];
	s0 =	simm.s32 @p1 $0x1  }
0x15: {  	[smem:$0x3FB9] =	sst s0;
	s0 =	simm.s32 @!p2 $0x0  }
0x16: {  	s3 =	sld [smem:$0x3FDB];
	s0 =	simm.s32 @p2 $0x1  }
0x17: {  	s4 =	simm.s32 $0x1BF5;
	[smem:$0x3FBB] =	sst s0  }
0x18: {  	s0 =	sld [smem:$0x3F9E];
	_ =	swait.ge [sflag:s4], $0x0  }
0x19: {  	s7 =	sld [smem:$0x3F9F]  }
0x1a: {  	s8 =	sadd.s32 $0xFFFFE003, lr  }
0x1b: {  	s9 =	sadd.s32 $0xFFFFFEF7, lr;
	s5 =	simm.s32 $0xFFFFFFFF;
	p2 =	slt.u32 s8, $0xFFFFF086  }
0x1c: {  	p1 =	slt.u32 s9, $0xF7A;
	s5 =	simm.s32 @!p2 $0x0  }
0x1d: {  	s5 =	simm.s32 @p1 $0x1;
	p0 =	seq.s32 s7, s2  }
0x1e: {  	s7 =	smul.u32 @!p0 $0xF7A, s2;
	p2 =	seq.s32 @!p0 s5, $0x0  }
0x1f: {  	s9 =	smul.u32 $0xF7A, s1;
	s8 =	simm.s32 @!p0 $0x1BF5;
	p2 =	por !p2, p0  }
0x20: {  	[sflag:s8] =	ssyncset.s32 @!p0 $0xFFFFF086;
	s6 =	sadd.s32 @!p0 s3, s7;
	s7 =	simm.s32 @!p0 $0x108  }
0x21: {  	s3 =	sadd.s32 s3, s9;
	s6 =	sadd.s32 @!p0 $0x88, s6;
	s7 =	simm.s32 @p2 $0x1082  }
0x22: {  	[simem:s7], [sflag:s8] =	dma.local @!p0 [hbm:s6], $0xF7A  }
0x23: {  	s9 =	sor.u32 $0xD0000000, s2;
	s6 =	simm.s32 $0x108;
	_ =	swait.ge @!p0 [sflag:s8], $0x0  }
0x24: {  	s3 =	sadd.s32 $0x88, s3;
	s6 =	simm.s32 @!p1 $0x1082;
	[sflag:s4] =	ssyncset.s32 $0xFFFFF086  }
0x25: {  	[simem:s6], [sflag:s4] =	dma.local [hbm:s3], $0xF7A  }
0x26: {  	[smem:$0x3F9F] =	sst s1;
	(tag) =	ssettag s2;
	_ =	strace s9  }
0x27: {  	s1 =	sld [smem:$0x3FAF]  }
0x28: {  	s2 =	sld [smem:$0x3FB0]  }
0x29: {  	s4 =	sld [smem:$0x3FB2]  }
0x2a: {  	p0 =	seq.s32 s5, $0x0;
	s5 =	sld [smem:$0x3FB3]  }
0x2b: {  	s6 =	sld [smem:$0x3FB4]  }
0x2c: {  	s7 =	sld [smem:$0x3FB5]  }
0x2d: {  	s3 =	simm.s32 $0x108;
	s8 =	sld [smem:$0x3FB6]  }
0x2e: {  	s3 =	simm.s32 @!p0 $0x1082;
	s9 =	sld [smem:$0x3FB7]  }
0x2f: {  	lr =	sadd.s32 s0, s3;
	s0 =	sld [smem:$0x3FAE]  }
0x30: {  	s3 =	sld [smem:$0x3FB1]  }
0x31: {  	[smem:$0x3FBA] =	sst s10  }
0x32: {  	s10 =	sld [smem:$0x3FB8];
	_ =	sdelay $0x3  }
0x33: {  	p0 =	seq.s32 s10, $0x1;
	s10 =	sld [smem:$0x3FBA];
	_ =	sdelay $0x3  }
0x34: {  	[smem:$0x3FBA] =	sst s10  }
0x35: {  	s10 =	sld [smem:$0x3FB9];
	_ =	sdelay $0x3  }
0x36: {  	p1 =	seq.s32 s10, $0x1;
	s10 =	sld [smem:$0x3FBA];
	_ =	sdelay $0x3  }
0x37: {  	[smem:$0x3FBA] =	sst s10  }
0x38: {  	s10 =	sld [smem:$0x3FBB]  }
0x39: {  	_ = 	snop;
	(pc) =	sbr.ind lr, $3  }
0x3a: {  	_ = 	snop  }
0x3b: {  	_ = 	snop  }
0x3c: {  	p2 =	seq.s32 s10, $0x1;
	s10 =	sld [smem:$0x3FBA]  }
0x3d: {  	_ =	shalt  }
0x3e: {  	_ =	shalt  }
0x3f: {  	_ =	shalt  }
0x40: {  	_ =	shalt  }
0x41: {  	_ =	shalt  }
0x42: {  	_ =	shalt  }
0x43: {  	_ =	shalt  }
0x44: {  	_ =	shalt  }
0x45: {  	_ =	shalt  }
0x46: {  	_ =	shalt  }
0x47: {  	_ =	shalt  }
0x48: {  	_ =	shalt  }
0x49: {  	_ =	shalt  }
0x4a: {  	_ =	shalt  }
0x4b: {  	_ =	shalt  }
0x4c: {  	_ =	shalt  }
0x4d: {  	_ =	shalt  }
0x4e: {  	_ =	shalt  }
0x4f: {  	_ =	shalt  }
0x50: {  	_ =	shalt  }
0x51: {  	_ =	shalt  }
0x52: {  	_ =	shalt  }
0x53: {  	_ =	shalt  }
0x54: {  	_ =	shalt  }
0x55: {  	_ =	shalt  }
0x56: {  	_ =	shalt  }
0x57: {  	_ =	shalt  }
0x58: {  	_ =	shalt  }
0x59: {  	_ =	shalt  }
0x5a: {  	_ =	shalt  }
0x5b: {  	_ =	shalt  }
0x5c: {  	_ =	shalt  }
0x5d: {  	_ =	shalt  }
0x5e: {  	_ =	shalt  }
0x5f: {  	_ =	shalt  }
0x60: {  	_ =	shalt  }
0x61: {  	_ =	shalt  }
0x62: {  	_ =	shalt  }
0x63: {  	_ =	shalt  }
0x64: {  	_ =	shalt  }
0x65: {  	_ =	shalt  }
0x66: {  	_ =	shalt  }
0x67: {  	_ =	shalt  }
0x68: {  	_ =	shalt  }
0x69: {  	_ =	shalt  }
0x6a: {  	_ =	shalt  }
0x6b: {  	_ =	shalt  }
0x6c: {  	_ =	shalt  }
0x6d: {  	_ =	shalt  }
0x6e: {  	_ =	shalt  }
0x6f: {  	_ =	shalt  }
0x70: {  	_ =	shalt  }
0x71: {  	_ =	shalt  }
0x72: {  	_ =	shalt  }
0x73: {  	_ =	shalt  }
0x74: {  	_ =	shalt  }
0x75: {  	_ =	shalt  }
0x76: {  	_ =	shalt  }
0x77: {  	_ =	shalt  }
0x78: {  	_ =	shalt  }
0x79: {  	_ =	shalt  }
0x7a: {  	_ =	shalt  }
0x7b: {  	_ =	shalt  }
0x7c: {  	_ =	shalt  }
0x7d: {  	_ =	shalt  }
0x7e: {  	_ =	shalt  }
0x7f: {  	_ =	shalt  }
0x80: {  	_ =	shalt  }
0x81: {  	_ =	shalt  }
0x82: {  	_ =	shalt  }
0x83: {  	_ =	shalt  }
0x84: {  	_ =	shalt  }
0x85: {  	_ =	shalt  }
0x86: {  	_ =	shalt  }
0x87: {  	_ =	shalt  }
.Lfunc_end0:
.L_simem_size_0:
called_computation_lowered:
.L_overlay_start_0:
0x88: {  	s2 =	sld [smem:$0x3FD9]  }
0x89: {  	s3 =	sld [smem:$0x3FFE];
	_ =	sdelay $0x1  }
0x8a: {  	s1 =	srdreg.scid  }
0x8b: {  	s0 =	sand.u32 $0x1, s1  }
0x8c: {  	s17 =	sshll.u32 s0, $0xA;
	s2 =	sadd.s32 s3, s2  }
0x8d: {  	s2 =	sadd.s32 s2, s17  }
0x8e: {  	[smem:$0x3FC6] =	sst s2  }
0x8f: {  	_ = 	snop  }
0x90: {  	s2 =	sld [smem:$0x3FC8];
	(tm) =	ssettm $0x1  }
0x91: {  	s18 =	sld [smem:$0x3FFB];
	_ =	sdelay $0x3  }
0x92: {  	_ =	strace s18  }
0x93: {  	s3 =	sld [smem:$0x3FFC];
	_ =	sdelay $0x3  }
0x94: {  	_ =	strace s3  }
0x95: {  	s3 =	sld [smem:$0x3FFD];
	_ =	sdelay $0x3  }
0x96: {  	_ =	strace s3  }
0x97: {  	_ =	strace $0x8FFFFFFF  }
0x98: {  	s19 =	sld [smem:$0x3FDB];
	_ =	sdelay $0x1  }
0x99: {  	s4 =	simm.s32 $_scs_section_size  }
0x9a: {  	s5 =	simm.s32 $_size__tile_overlayer_lowered;
	s6 =	simm.s32 $_tile_overlayer_lowered  }
0x9b: {  	s22 =	simm.s32 $0x1BFF;
	s21 =	sshll.u32 s6, $0x1;
	s3 =	sadd.s32 s4, s19  }
0x9c: {  	s7 =	simm.s32 $0x0;
	s20 =	sshll.u32 s5, $0x1;
	s5 =	sadd.s32 s21, s3  }
0x9d: {  	[timem:s7], [sflag:s22] =	dma.local [hbm:s5], s20  }
0x9e: {  	_ =	swait.ge [sflag:s22], s20  }
0x9f: {  	s4 =	ssub.s32 $0x0, s20;
	[sflag:s22] =	ssyncset.done $0x0  }
0xa0: {  	[sflag:s22] =	ssyncadd.s32 s4;
	_ =	sdelay $0x1  }
0xa1: {  	s23 =	simm.s32 $0x1B8B  }
0xa2: {  	_ =	swait.ge [sflag:s23], $0x1  }
0xa3: {  	[sflag:s23] =	ssyncset.done $0x0  }
0xa4: {  	s25 =	simm.s32 $0x1B8E;
	s24 =	sld [smem:$0x3FFE];
	[sflag:s23] =	ssyncadd.s32 $0xFFFFFFFF  }
0xa5: {  	s26 =	simm.s32 $execute0_lowered;
	[smem:$0x3FD2] =	sst s25  }
0xa6: {  	s5 =	sshll.u32 s26, $0x1;
	_ =	strace $0x80000046;
	[dreg:$0x1] =	wrdreg $0xFFFFFFFF  }
0xa7: {  	s28 =	simm.s32 $_size_execute0_lowered;
	s3 =	sadd.s32 s3, s5;
	[dreg:$0x0] =	wrdreg $0x0  }
0xa8: {  	s5 =	sshll.u32 s28, $0x1;
	[dreg:$0x2] =	wrdreg s3  }
0xa9: {  	[dreg:$0x3] =	wrdreg s5  }
0xaa: {  	[dreg:$0x4] =	wrdreg $0xC0  }
0xab: {  	_ =	task [dreg:s7], $0x5FFFF  }
0xac: {  	[dreg:$0x1] =	wrdreg $0xFFFFFFFF  }
0xad: {  	[dreg:$0x0] =	wrdreg $0x60  }
0xae: {  	[dreg:$0x2] =	wrdreg s2  }
0xaf: {  	[dreg:$0x3] =	wrdreg s24  }
0xb0: {  	[dreg:$0x4] =	wrdreg $0x9  }
0xb1: {  	_ =	task.clear_ibuf [dreg:s7], $0x5FFFF;
	_ =	strace $0x90000046  }
0xb2: {  	s29 =	simm.s32 $0x9;
	_ =	strace $0x80000048  }
0xb3: {  	_ =	swait.ge [sflag:s29], $0x1  }
0xb4: {  	[sflag:s29] =	ssyncadd.s32 $0xFFFFFFFF  }
0xb5: {  	_ =	strace $0x90000048  }
0xb6: {  	_ =	sfence  }
0xb7: {  	s30 =	sld [smem:$0x0];
	_ =	sdelay $0x2  }
0xb8: {  	s31 =	sshll.u32 s1, $0xD;
	s1 =	sshrl.u32 s1, $0x2  }
0xb9: {  	s3 =	sand.u32 $0x4000, s31;
	s1 =	sadd.s32 s1, s30  }
0xba: {  	s0 =	sor.u32 s3, s0;
	s1 =	sshll.u32 s1, $0x11  }
0xbb: {  	s0 =	sor.u32 s1, s0  }
0xbc: {  	s0 =	sadd.s32 $0x8F2B, s0  }
0xbd: {  	[sflag:s0] =	ssyncadd.remote.s32 $0x1  }
0xbe: {  	_ =	sfence.sel $0xFFFF  }
0xbf: {  	[dreg:$0x0] =	wrdreg $0xFFFFFFFF;
	(pc) =	sbr.abs _section_cstart, $3  }
0xc0: {  	[dreg:$0x1] =	wrdreg $0xFFFFFFFF  }
0xc1: {  	_ =	task.clear_ibuf [dreg:s7], $0x2FFFF;
	_ =	strace $0x9FFFFFFF  }
0xc2: {  	(tm) =	ssettm $0x7FFFFFFF  }
0xc3: {  	_ =	shalt  }
tec
execute0_lowered:
.L_overlay_start_1:
0x0: {  	(tag) =	ssettag $0x1  }
0x1: {  	s1 =	srdreg.scid;
	s2 =	rddreg [dreg:$0x0]  }
0x2: {  	s0 =	stileid.u32;
	s5 =	rddreg [dreg:$0x1]  }
0x3: {  	s3 =	simm.s32 $0x0;
	s10 =	simm.s32 $0x400;
	s11 =	simm.s32 $0x1  }
0x4: {  	s12 =	simm.s32 $0x8000;
	s13 =	simm.s32 $0x2;
	s14 =	simm.s32 $0x10000  }
0x5: {  	s15 =	simm.s32 $0x3;
	s4 =	sand.u32 $0x1, s1;
	s30 =	sshll.u32 s0, $0x1  }
0x6: {  	s16 =	simm.s32 $0x11400;
	s17 =	simm.s32 $0x0;
	s6 =	sor.u32 s4, s30  }
0x7: {  	s1 =	rddreg [dreg:$0x2];
	s4 =	ssub.s32 $0x2, s4;
	s7 =	smul.u32 $0x280, s6  }
0x8: {  	[smem:$0x7FF] =	sst s3;
	s8 =	smul.u32 $0x14000, s6;
	s31 =	sshrl.u32 s4, $0x1  }
0x9: {  	_ =	strace $0x80000047;
	s9 =	ssub.s32 s4, s31;
	s4 =	smul.u32 $0x28, s6  }
0xa: {  	s7 =	sadd.s32 s7, s5;
	s5 =	sadd.s32 s2, s8;
	s8 =	smax.u32 s9, $0x1  }
0xb: {  	s9 =	simm.s32 $0x100;
	s6 =	sadd.s32 $0x1000, s7;
	s7 =	sadd.s32 $0x6000, s7  }
.LBB2_1:
0xc: {  	[tilespmem:s3], [sflag:$0x1] =	stream.strided.gather [hbm4b:s5+s9], $0x8000, s10, s9, $0x38;
	[tilespmem:$0x12800] =	vst v63  }
0xd: {  	s18 =	simm.s32 $0x0  }
.LBB2_2:
0xe: {  	s19 =	sshll.u32 s18, $0x2  }
0xf: {  	s31 =	sshll.u32 s18, $0x6;
	s20 =	sadd.s32 s4, s19  }
0x10: {  	s19 =	sand.u32 $0x40, s31;
	s21 =	sshll.u32 s20, $0xB  }
0x11: {  	_ =	swait.ge [sflag:s11], $0x8000;
	s19 =	sadd.s32 s19, s2;
	s21 =	sand.u32 $0xFFFC000, s21  }
0x12: {  	[sflag:s11] =	ssyncset.done $0x0;
	s19 =	sadd.s32 s21, s19  }
0x13: {  	[sflag:s11] =	ssyncadd.s32 $0xFFFF8000;
	s21 =	sadd.s32 $0x20, s19;
	s19 =	simm.s32 $0x100  }
0x14: {  	[tilespmem:s12], [sflag:$0x2] =	stream.strided.gather [hbm4b:s21+s19], $0x8000, s10, s19, $0x38;
	[tilespmem:$0x12800] =	vst v63  }
0x15: {  	v0 =	vld [tilespmem:s19+$0xFFFFFF00]  }
0x16: {  	v1 =	vld [tilespmem:s19+$0xFFFFFF10]  }
0x17: {  	v2 =	vld [tilespmem:s19+$0xFFFFFF20]  }
0x18: {  	v3 =	vld [tilespmem:s19+$0xFFFFFF30]  }
0x19: {  	v4 =	vimm.f32 $-3.000000010e+38;
	v5 =	vld [tilespmem:s19+$0xFFFFFF40]  }
0x1a: {  	v0 =	vmax.f32 v4, v0;
	v4 =	vld [tilespmem:s19+$0xFFFFFF50]  }
0x1b: {  	v0 =	vmax.f32 v0, v1;
	v1 =	vld [tilespmem:s19+$0xFFFFFF60]  }
0x1c: {  	v6 =	vld [tilespmem:s19+$0xFFFFFF70];
	v0 =	vmax.f32 v0, v2  }
0x1d: {  	v0 =	vmax.f32 v0, v3;
	v3 =	vld [tilespmem:s19+$0x0]  }
0x1e: {  	v0 =	vmax.f32 v0, v5;
	v5 =	vld [tilespmem:s19+$0x10]  }
0x1f: {  	v7 =	vld [tilespmem:s19+$0x20];
	v0 =	vmax.f32 v0, v4  }
0x20: {  	v2 =	vld [tilespmem:s19+$0x30];
	v0 =	vmax.f32 v0, v1  }
0x21: {  	v1 =	vmax.f32 v0, v6;
	v0 =	vld [tilespmem:s19+$0x40]  }
0x22: {  	v1 =	vmax.f32 v1, v3;
	v3 =	vld [tilespmem:s19+$0x50]  }
0x23: {  	v4 =	vld [tilespmem:s19+$0x60];
	v1 =	vmax.f32 v1, v5  }
0x24: {  	s22 =	simm.s32 $0x300;
	s21 =	simm.s32 $0x0;
	v5 =	vld [tilespmem:s19+$0x70];
	v6 =	vmax.f32 v1, v7  }
.LBB2_3:
0x25: {  	v7 =	vld [tilespmem:s22+$0xFFFFFF00];
	s21 =	sadd.s32 $0x10, s21;
	v1 =	vmax.f32 v6, v2  }
0x26: {  	v2 =	vld [tilespmem:s22+$0xFFFFFF10];
	p0 =	slt.u32 s21, $0x3F0;
	v0 =	vmax.f32 v1, v0  }
0x27: {  	v6 =	vld [tilespmem:s22+$0xFFFFFF20];
	v0 =	vmax.f32 v0, v3  }
0x28: {  	v3 =	vld [tilespmem:s22+$0xFFFFFF30];
	v0 =	vmax.f32 v0, v4  }
0x29: {  	v1 =	vimm.f32 $0.0e+00;
	v4 =	vld [tilespmem:s22+$0xFFFFFF40];
	v0 =	vmax.f32 v0, v5  }
0x2a: {  	v0 =	vmax.f32 v0, v7;
	v5 =	vld [tilespmem:s22+$0xFFFFFF50]  }
0x2b: {  	v0 =	vmax.f32 v0, v2;
	v2 =	vld [tilespmem:s22+$0xFFFFFF60]  }
0x2c: {  	v0 =	vmax.f32 v0, v6;
	v6 =	vld [tilespmem:s22+$0xFFFFFF70]  }
0x2d: {  	v0 =	vmax.f32 v0, v3;
	v3 =	vld [tilespmem:s22+$0x0]  }
0x2e: {  	v0 =	vmax.f32 v0, v4;
	v4 =	vld [tilespmem:s22+$0x10]  }
0x2f: {  	v0 =	vmax.f32 v0, v5;
	v5 =	vld [tilespmem:s22+$0x20]  }
.Ltmp0:
0x30: {  	v0 =	vmax.f32 v0, v2;
	v2 =	vld [tilespmem:s22+$0x30];
	(pc) =	sbr.rel @p0 .LBB2_3-.Ltmp0, $4  }
0x31: {  	v6 =	vmax.f32 v0, v6;
	v0 =	vld [tilespmem:s22+$0x40]  }
0x32: {  	v6 =	vmax.f32 v6, v3;
	v3 =	vld [tilespmem:s22+$0x50]  }
0x33: {  	v6 =	vmax.f32 v6, v4;
	v4 =	vld [tilespmem:s22+$0x60]  }
0x34: {  	v6 =	vmax.f32 v6, v5;
	v5 =	vld [tilespmem:s22+$0x70];
	s22 =	sadd.s32 $0x200, s22  }
0x35: {  	v2 =	vmax.f32 v6, v2;
	v6 =	vld [tilespmem:s19+$0xFFFFFF00]  }
0x36: {  	v0 =	vmax.f32 v2, v0  }
0x37: {  	v2 =	vld [tilespmem:s19+$0xFFFFFF10];
	v0 =	vmax.f32 v0, v3  }
0x38: {  	v0 =	vmax.f32 v0, v4  }
0x39: {  	v0 =	vmax.f32 v0, v5  }
0x3a: {  	v3 =	vld [tilespmem:s19+$0xFFFFFF20];
	v4 =	vsub.f32 v6, v0  }
0x3b: {  	v5 =	vld [tilespmem:s19+$0xFFFFFF30]  }
0x3c: {  	v2 =	vsub.f32 v2, v0;
	v4 =	vmul.f32 $2.000000000e+01, v4  }
0x3d: {  	v6 =	vld [tilespmem:s19+$0xFFFFFF40]  }
0x3e: {  	v2 =	vmul.f32 $2.000000000e+01, v2;
	v4 =	vmul.f32 $1.442695020e+00, v4  }
0x3f: {  	v7 =	vld [tilespmem:s19+$0xFFFFFF50];
	v3 =	vsub.f32 v3, v0  }
0x40: {  	v5 =	vsub.f32 v5, v0;
	v2 =	vmul.f32 $1.442695020e+00, v2;
	(erf) = vpow2.f32 v4  }
0x41: {  	v3 =	vmul.f32 $2.000000000e+01, v3  }
0x42: {  	v4 =	vmul.f32 $2.000000000e+01, v5;
	v5 =	vsub.f32 v6, v0;
	v6 =	vld [tilespmem:s19+$0xFFFFFF60];
	(erf) = vpow2.f32 v2;
	_ =	sdelay $0x1  }
0x43: {  	v3 =	vmul.f32 $1.442695020e+00, v3;
	v2 =	vmul.f32 $2.000000000e+01, v5;
	v5 =	vsub.f32 v7, v0  }
0x44: {  	v7 =	vld [tilespmem:s19+$0xFFFFFF70];
	v4 =	vmul.f32 $1.442695020e+00, v4  }
0x45: {  	(erf) = vpow2.f32 v3;
	v3 =	vld [tilespmem:s19+$0x0];
	v5 =	vmul.f32 $2.000000000e+01, v5  }
0x46: {  	v2 =	vmul.f32 $1.442695020e+00, v2;
	(erf) = vpow2.f32 v4;
	v4 =	vsub.f32 v6, v0  }
0x47: {  	v6 =	vld [tilespmem:s19+$0x10];
	v5 =	vmul.f32 $1.442695020e+00, v5  }
0x48: {  	(erf) = vpow2.f32 v2;
	v2 =	vmul.f32 $2.000000000e+01, v4;
	v8 =	vpop (erf)  }
0x49: {  	v4 =	vsub.f32 v7, v0;
	v7 =	vld [tilespmem:s19+$0x20];
	v1 =	vadd.f32 v8, v1  }
0x4a: {  	v3 =	vsub.f32 v3, v0;
	(erf) = vpow2.f32 v5;
	v5 =	vld [tilespmem:s19+$0x30];
	v2 =	vmul.f32 $1.442695020e+00, v2;
	v8 =	vpop (erf)  }
0x4b: {  	v4 =	vmul.f32 $2.000000000e+01, v4;
	v1 =	vadd.f32 v8, v1;
	v8 =	vld [tilespmem:s19+$0x40]  }
0x4c: {  	v3 =	vmul.f32 $2.000000000e+01, v3;
	v6 =	vsub.f32 v6, v0  }
0x4d: {  	v4 =	vmul.f32 $1.442695020e+00, v4;
	(erf) = vpow2.f32 v2  }
0x4e: {  	v6 =	vmul.f32 $2.000000000e+01, v6;
	v7 =	vsub.f32 v7, v0;
	v2 =	vpop (erf)  }
0x4f: {  	v9 =	vld [tilespmem:s19+$0x50];
	(erf) = vpow2.f32 v4;
	v1 =	vadd.f32 v2, v1;
	v2 =	vmul.f32 $1.442695020e+00, v3  }
0x50: {  	v4 =	vsub.f32 v5, v0;
	v3 =	vpop (erf);
	v7 =	vmul.f32 $2.000000000e+01, v7;
	v8 =	vsub.f32 v8, v0  }
0x51: {  	v1 =	vadd.f32 v3, v1;
	v3 =	vmul.f32 $1.442695020e+00, v6;
	(erf) = vpow2.f32 v2;
	v2 =	vld [tilespmem:s19+$0x60]  }
0x52: {  	v5 =	vpop (erf);
	v4 =	vmul.f32 $2.000000000e+01, v4  }
0x53: {  	v6 =	vadd.f32 v5, v1;
	v5 =	vmul.f32 $1.442695020e+00, v7;
	v1 =	vld [tilespmem:s19+$0x70];
	(erf) = vpow2.f32 v3  }
0x54: {  	s21 =	simm.s32 $0x0;
	v7 =	vsub.f32 v9, v0;
	s19 =	simm.s32 $0x300;
	v3 =	vmul.f32 $2.000000000e+01, v8;
	v8 =	vpop (erf)  }
.LBB2_5:
0x55: {  	v9 =	vld [tilespmem:s19+$0xFFFFFF00];
	v6 =	vadd.f32 v8, v6;
	v10 =	vmul.f32 $1.442695020e+00, v4;
	(erf) = vpow2.f32 v5  }
0x56: {  	s21 =	sadd.s32 $0x10, s21;
	v5 =	vmul.f32 $2.000000000e+01, v7;
	v2 =	vsub.f32 v2, v0;
	v7 =	vpop (erf)  }
0x57: {  	p0 =	slt.u32 s21, $0x3F0;
	v3 =	vmul.f32 $1.442695020e+00, v3;
	v8 =	vld [tilespmem:s19+$0xFFFFFF10];
	v11 =	vadd.f32 v7, v6;
	(erf) = vpow2.f32 v10  }
0x58: {  	v2 =	vmul.f32 $2.000000000e+01, v2;
	v1 =	vsub.f32 v1, v0;
	v4 =	vpop (erf)  }
0x59: {  	v5 =	vmul.f32 $1.442695020e+00, v5;
	v7 =	vld [tilespmem:s19+$0xFFFFFF20];
	v4 =	vadd.f32 v4, v11;
	(erf) = vpow2.f32 v3  }
0x5a: {  	v3 =	vsub.f32 v9, v0;
	v1 =	vmul.f32 $2.000000000e+01, v1;
	v6 =	vpop (erf)  }
0x5b: {  	v2 =	vmul.f32 $1.442695020e+00, v2;
	v9 =	vld [tilespmem:s19+$0xFFFFFF30];
	v4 =	vadd.f32 v6, v4;
	(erf) = vpow2.f32 v5  }
0x5c: {  	v3 =	vmul.f32 $2.000000000e+01, v3;
	v5 =	vsub.f32 v8, v0;
	v6 =	vpop (erf)  }
0x5d: {  	v1 =	vmul.f32 $1.442695020e+00, v1;
	v8 =	vld [tilespmem:s19+$0xFFFFFF40];
	v4 =	vadd.f32 v6, v4;
	(erf) = vpow2.f32 v2  }
0x5e: {  	v2 =	vmul.f32 $2.000000000e+01, v5;
	v5 =	vsub.f32 v7, v0;
	v6 =	vpop (erf)  }
0x5f: {  	v3 =	vmul.f32 $1.442695020e+00, v3;
	v7 =	vld [tilespmem:s19+$0xFFFFFF50];
	v4 =	vadd.f32 v6, v4;
	(erf) = vpow2.f32 v1  }
0x60: {  	v1 =	vmul.f32 $2.000000000e+01, v5;
	v5 =	vsub.f32 v9, v0;
	v6 =	vpop (erf)  }
0x61: {  	v2 =	vmul.f32 $1.442695020e+00, v2;
	v9 =	vld [tilespmem:s19+$0xFFFFFF60];
	(erf) = vpow2.f32 v3;
	v3 =	vadd.f32 v6, v4  }
0x62: {  	v4 =	vmul.f32 $2.000000000e+01, v5;
	v5 =	vsub.f32 v8, v0;
	v6 =	vpop (erf)  }
0x63: {  	v1 =	vmul.f32 $1.442695020e+00, v1;
	v8 =	vld [tilespmem:s19+$0xFFFFFF70];
	(erf) = vpow2.f32 v2;
	v2 =	vadd.f32 v6, v3  }
0x64: {  	v3 =	vmul.f32 $2.000000000e+01, v5;
	v5 =	vsub.f32 v7, v0;
	v6 =	vpop (erf)  }
0x65: {  	v4 =	vmul.f32 $1.442695020e+00, v4;
	v7 =	vld [tilespmem:s19+$0x0];
	(erf) = vpow2.f32 v1;
	v1 =	vadd.f32 v6, v2  }
0x66: {  	v2 =	vmul.f32 $2.000000000e+01, v5;
	v5 =	vsub.f32 v9, v0;
	v6 =	vpop (erf)  }
0x67: {  	v3 =	vmul.f32 $1.442695020e+00, v3;
	v9 =	vld [tilespmem:s19+$0x10];
	(erf) = vpow2.f32 v4;
	v1 =	vadd.f32 v6, v1  }
0x68: {  	v4 =	vmul.f32 $2.000000000e+01, v5;
	v5 =	vsub.f32 v8, v0;
	v6 =	vpop (erf)  }
0x69: {  	v2 =	vmul.f32 $1.442695020e+00, v2;
	v8 =	vld [tilespmem:s19+$0x20];
	(erf) = vpow2.f32 v3;
	v1 =	vadd.f32 v6, v1  }
0x6a: {  	v3 =	vmul.f32 $2.000000000e+01, v5;
	v5 =	vsub.f32 v7, v0;
	v6 =	vpop (erf)  }
0x6b: {  	v4 =	vmul.f32 $1.442695020e+00, v4;
	v1 =	vadd.f32 v6, v1;
	v6 =	vld [tilespmem:s19+$0x30];
	(erf) = vpow2.f32 v2  }
0x6c: {  	v2 =	vmul.f32 $2.000000000e+01, v5;
	v5 =	vsub.f32 v9, v0;
	v7 =	vpop (erf)  }
0x6d: {  	v3 =	vmul.f32 $1.442695020e+00, v3;
	v1 =	vadd.f32 v7, v1;
	v7 =	vld [tilespmem:s19+$0x40];
	(erf) = vpow2.f32 v4  }
0x6e: {  	v4 =	vmul.f32 $2.000000000e+01, v5;
	v5 =	vsub.f32 v8, v0;
	v8 =	vpop (erf)  }
0x6f: {  	v1 =	vadd.f32 v8, v1;
	v8 =	vmul.f32 $1.442695020e+00, v2;
	v9 =	vld [tilespmem:s19+$0x50];
	(erf) = vpow2.f32 v3  }
.Ltmp1:
0x70: {  	v3 =	vmul.f32 $2.000000000e+01, v5;
	v6 =	vsub.f32 v6, v0;
	v2 =	vpop (erf);
	(pc) =	sbr.rel @p0 .LBB2_5-.Ltmp1, $4  }
0x71: {  	v10 =	vmul.f32 $1.442695020e+00, v4;
	v1 =	vadd.f32 v2, v1;
	v2 =	vld [tilespmem:s19+$0x60];
	(erf) = vpow2.f32 v8  }
0x72: {  	v4 =	vmul.f32 $2.000000000e+01, v6;
	v7 =	vsub.f32 v7, v0;
	v5 =	vpop (erf)  }
0x73: {  	v6 =	vadd.f32 v5, v1;
	v5 =	vmul.f32 $1.442695020e+00, v3;
	v1 =	vld [tilespmem:s19+$0x70];
	(erf) = vpow2.f32 v10  }
0x74: {  	s19 =	sadd.s32 $0x200, s19;
	v3 =	vmul.f32 $2.000000000e+01, v7;
	v7 =	vsub.f32 v9, v0;
	v8 =	vpop (erf)  }
0x75: {  	v4 =	vmul.f32 $1.442695020e+00, v4  }
0x76: {  	v6 =	vadd.f32 v8, v6  }
0x77: {  	(erf) = vpow2.f32 v5;
	v5 =	vmul.f32 $2.000000000e+01, v7;
	v7 =	vpop (erf)  }
0x78: {  	v2 =	vsub.f32 v2, v0;
	v3 =	vmul.f32 $1.442695020e+00, v3;
	v6 =	vadd.f32 v7, v6  }
0x79: {  	(erf) = vpow2.f32 v4;
	v4 =	vpop (erf)  }
0x7a: {  	v2 =	vmul.f32 $2.000000000e+01, v2;
	v4 =	vadd.f32 v4, v6  }
0x7b: {  	v1 =	vsub.f32 v1, v0;
	v5 =	vmul.f32 $1.442695020e+00, v5  }
0x7c: {  	(erf) = vpow2.f32 v3;
	v3 =	vpop (erf);
	v2 =	vmul.f32 $1.442695020e+00, v2  }
0x7d: {  	v1 =	vmul.f32 $2.000000000e+01, v1;
	v3 =	vadd.f32 v3, v4  }
0x7e: {  	(erf) = vpow2.f32 v5;
	v4 =	vpop (erf)  }
0x7f: {  	v1 =	vmul.f32 $1.442695020e+00, v1;
	v3 =	vadd.f32 v4, v3  }
0x80: {  	(erf) = vpow2.f32 v2;
	v2 =	vpop (erf)  }
0x81: {  	v2 =	vadd.f32 v2, v3  }
0x82: {  	(erf) = vpow2.f32 v1  }
0x83: {  	v1 =	vpop (erf)  }
0x84: {  	v1 =	vadd.f32 v1, v2  }
0x85: {  	v2 =	vpop (erf)  }
0x86: {  	v1 =	vadd.f32 v2, v1  }
0x87: {  	v2 =	vpop (erf)  }
0x88: {  	v1 =	vadd.f32 v2, v1  }
0x89: {  	v2 =	vpop (erf)  }
0x8a: {  	v1 =	vadd.f32 v2, v1  }
0x8b: {  	v2 =	vpop (erf)  }
0x8c: {  	s19 =	sshll.u32 s18, $0x9;
	v1 =	vadd.f32 v2, v1  }
0x8d: {  	[tilespmem:s19+$0x10000] =	vst v0  }
0x8e: {  	s21 =	simm.s32 $0x180;
	[tilespmem:s19+$0x11400] =	vst v1  }
0x8f: {  	v0 =	vld [tilespmem:s21+$0xFFFFFF00]  }
0x90: {  	v1 =	vld [tilespmem:s21+$0xFFFFFF10]  }
0x91: {  	v2 =	vld [tilespmem:s21+$0xFFFFFF20]  }
0x92: {  	v3 =	vld [tilespmem:s21+$0xFFFFFF30]  }
0x93: {  	v4 =	vimm.f32 $-3.000000010e+38;
	v5 =	vld [tilespmem:s21+$0xFFFFFF40]  }
0x94: {  	v0 =	vmax.f32 v4, v0;
	v4 =	vld [tilespmem:s21+$0xFFFFFF50]  }
0x95: {  	v0 =	vmax.f32 v0, v1;
	v1 =	vld [tilespmem:s21+$0xFFFFFF60]  }
0x96: {  	v0 =	vmax.f32 v0, v2;
	v2 =	vld [tilespmem:s21+$0xFFFFFF70]  }
0x97: {  	v0 =	vmax.f32 v0, v3;
	v3 =	vld [tilespmem:s21+$0x0]  }
0x98: {  	v0 =	vmax.f32 v0, v5;
	v5 =	vld [tilespmem:s21+$0x10]  }
0x99: {  	v0 =	vmax.f32 v0, v4;
	v4 =	vld [tilespmem:s21+$0x20]  }
0x9a: {  	v0 =	vmax.f32 v0, v1;
	v1 =	vld [tilespmem:s21+$0x30]  }
0x9b: {  	v2 =	vmax.f32 v0, v2;
	v0 =	vld [tilespmem:s21+$0x40]  }
0x9c: {  	v3 =	vmax.f32 v2, v3;
	v2 =	vld [tilespmem:s21+$0x50]  }
0x9d: {  	v5 =	vmax.f32 v3, v5;
	v3 =	vld [tilespmem:s21+$0x60]  }
0x9e: {  	s22 =	simm.s32 $0x0;
	s23 =	simm.s32 $0x380;
	v5 =	vmax.f32 v5, v4;
	v4 =	vld [tilespmem:s21+$0x70]  }
.LBB2_7:
0x9f: {  	v6 =	vld [tilespmem:s23+$0xFFFFFF00];
	s22 =	sadd.s32 $0x10, s22;
	v1 =	vmax.f32 v5, v1  }
0xa0: {  	v5 =	vld [tilespmem:s23+$0xFFFFFF10];
	p0 =	slt.u32 s22, $0x3F0;
	v0 =	vmax.f32 v1, v0  }
0xa1: {  	v1 =	vld [tilespmem:s23+$0xFFFFFF20];
	v0 =	vmax.f32 v0, v2  }
0xa2: {  	v2 =	vld [tilespmem:s23+$0xFFFFFF30];
	v0 =	vmax.f32 v0, v3  }
0xa3: {  	v3 =	vld [tilespmem:s23+$0xFFFFFF40];
	v0 =	vmax.f32 v0, v4  }
0xa4: {  	v0 =	vmax.f32 v0, v6;
	v4 =	vld [tilespmem:s23+$0xFFFFFF50]  }
0xa5: {  	v0 =	vmax.f32 v0, v5;
	v5 =	vld [tilespmem:s23+$0xFFFFFF60]  }
0xa6: {  	v0 =	vmax.f32 v0, v1;
	v6 =	vld [tilespmem:s23+$0xFFFFFF70]  }
0xa7: {  	v0 =	vmax.f32 v0, v2;
	v2 =	vld [tilespmem:s23+$0x0]  }
0xa8: {  	v0 =	vmax.f32 v0, v3;
	v3 =	vld [tilespmem:s23+$0x10]  }
0xa9: {  	v0 =	vmax.f32 v0, v4;
	v4 =	vld [tilespmem:s23+$0x20]  }
.Ltmp2:
0xaa: {  	v0 =	vmax.f32 v0, v5;
	v1 =	vld [tilespmem:s23+$0x30];
	(pc) =	sbr.rel @p0 .LBB2_7-.Ltmp2, $4  }
0xab: {  	v5 =	vmax.f32 v0, v6;
	v0 =	vld [tilespmem:s23+$0x40]  }
0xac: {  	v5 =	vmax.f32 v5, v2;
	v2 =	vld [tilespmem:s23+$0x50]  }
0xad: {  	v5 =	vmax.f32 v5, v3;
	v3 =	vld [tilespmem:s23+$0x60]  }
0xae: {  	v5 =	vmax.f32 v5, v4;
	v4 =	vld [tilespmem:s23+$0x70];
	s23 =	sadd.s32 $0x200, s23  }
0xaf: {  	v1 =	vmax.f32 v5, v1;
	v5 =	vld [tilespmem:s21+$0xFFFFFF00]  }
0xb0: {  	v0 =	vmax.f32 v1, v0  }
0xb1: {  	v1 =	vld [tilespmem:s21+$0xFFFFFF10];
	v0 =	vmax.f32 v0, v2  }
0xb2: {  	v0 =	vmax.f32 v0, v3  }
0xb3: {  	v0 =	vmax.f32 v0, v4  }
0xb4: {  	v2 =	vld [tilespmem:s21+$0xFFFFFF20];
	v3 =	vsub.f32 v5, v0  }
0xb5: {  	v4 =	vld [tilespmem:s21+$0xFFFFFF30]  }
0xb6: {  	v1 =	vsub.f32 v1, v0;
	v3 =	vmul.f32 $2.000000000e+01, v3  }
0xb7: {  	v5 =	vld [tilespmem:s21+$0xFFFFFF40]  }
0xb8: {  	v1 =	vmul.f32 $2.000000000e+01, v1;
	v3 =	vmul.f32 $1.442695020e+00, v3  }
0xb9: {  	v6 =	vld [tilespmem:s21+$0xFFFFFF50];
	v2 =	vsub.f32 v2, v0  }
0xba: {  	v4 =	vsub.f32 v4, v0;
	v1 =	vmul.f32 $1.442695020e+00, v1;
	(erf) = vpow2.f32 v3  }
0xbb: {  	v2 =	vmul.f32 $2.000000000e+01, v2  }
0xbc: {  	v3 =	vmul.f32 $2.000000000e+01, v4;
	v4 =	vsub.f32 v5, v0;
	v5 =	vld [tilespmem:s21+$0xFFFFFF60];
	(erf) = vpow2.f32 v1  }
0xbd: {  	v2 =	vmul.f32 $1.442695020e+00, v2  }
0xbe: {  	v1 =	vmul.f32 $2.000000000e+01, v4;
	v4 =	vsub.f32 v6, v0;
	v6 =	vld [tilespmem:s21+$0xFFFFFF70]  }
0xbf: {  	v3 =	vmul.f32 $1.442695020e+00, v3;
	(erf) = vpow2.f32 v2  }
0xc0: {  	v2 =	vld [tilespmem:s21+$0x0];
	v4 =	vmul.f32 $2.000000000e+01, v4;
	v1 =	vmul.f32 $1.442695020e+00, v1  }
0xc1: {  	(erf) = vpow2.f32 v3;
	v3 =	vsub.f32 v5, v0  }
0xc2: {  	v5 =	vld [tilespmem:s21+$0x10];
	v4 =	vmul.f32 $1.442695020e+00, v4;
	(erf) = vpow2.f32 v1  }
0xc3: {  	v1 =	vimm.f32 $0.0e+00;
	v3 =	vmul.f32 $2.000000000e+01, v3;
	v6 =	vsub.f32 v6, v0;
	v8 =	vpop (erf)  }
0xc4: {  	v7 =	vld [tilespmem:s21+$0x20];
	(erf) = vpow2.f32 v4;
	v1 =	vadd.f32 v8, v1  }
0xc5: {  	v2 =	vsub.f32 v2, v0;
	v4 =	vmul.f32 $2.000000000e+01, v6;
	v3 =	vmul.f32 $1.442695020e+00, v3;
	v6 =	vld [tilespmem:s21+$0x30];
	v8 =	vpop (erf)  }
0xc6: {  	v1 =	vadd.f32 v8, v1;
	v8 =	vld [tilespmem:s21+$0x40]  }
0xc7: {  	v2 =	vmul.f32 $2.000000000e+01, v2;
	v5 =	vsub.f32 v5, v0  }
0xc8: {  	v4 =	vmul.f32 $1.442695020e+00, v4;
	(erf) = vpow2.f32 v3  }
0xc9: {  	v7 =	vsub.f32 v7, v0;
	v5 =	vmul.f32 $2.000000000e+01, v5;
	v3 =	vpop (erf)  }
0xca: {  	v9 =	vld [tilespmem:s21+$0x50];
	v2 =	vmul.f32 $1.442695020e+00, v2;
	(erf) = vpow2.f32 v4;
	v1 =	vadd.f32 v3, v1  }
0xcb: {  	v7 =	vmul.f32 $2.000000000e+01, v7;
	v3 =	vpop (erf);
	v4 =	vsub.f32 v6, v0;
	v8 =	vsub.f32 v8, v0  }
0xcc: {  	(erf) = vpow2.f32 v2;
	v2 =	vld [tilespmem:s21+$0x60];
	v1 =	vadd.f32 v3, v1;
	v3 =	vmul.f32 $1.442695020e+00, v5  }
0xcd: {  	v5 =	vpop (erf);
	v4 =	vmul.f32 $2.000000000e+01, v4  }
0xce: {  	v6 =	vadd.f32 v5, v1;
	v5 =	vmul.f32 $1.442695020e+00, v7;
	v1 =	vld [tilespmem:s21+$0x70];
	(erf) = vpow2.f32 v3  }
0xcf: {  	s22 =	simm.s32 $0x0;
	v7 =	vsub.f32 v9, v0;
	s21 =	simm.s32 $0x380;
	v3 =	vmul.f32 $2.000000000e+01, v8;
	v8 =	vpop (erf)  }
.LBB2_9:
0xd0: {  	v9 =	vld [tilespmem:s21+$0xFFFFFF00];
	v6 =	vadd.f32 v8, v6;
	v10 =	vmul.f32 $1.442695020e+00, v4;
	(erf) = vpow2.f32 v5  }
0xd1: {  	s22 =	sadd.s32 $0x10, s22;
	v5 =	vmul.f32 $2.000000000e+01, v7;
	v2 =	vsub.f32 v2, v0;
	v7 =	vpop (erf)  }
0xd2: {  	p0 =	slt.u32 s22, $0x3F0;
	v3 =	vmul.f32 $1.442695020e+00, v3;
	v8 =	vld [tilespmem:s21+$0xFFFFFF10];
	v11 =	vadd.f32 v7, v6;
	(erf) = vpow2.f32 v10  }
0xd3: {  	v2 =	vmul.f32 $2.000000000e+01, v2;
	v1 =	vsub.f32 v1, v0;
	v4 =	vpop (erf)  }
0xd4: {  	v5 =	vmul.f32 $1.442695020e+00, v5;
	v7 =	vld [tilespmem:s21+$0xFFFFFF20];
	v4 =	vadd.f32 v4, v11;
	(erf) = vpow2.f32 v3  }
0xd5: {  	v3 =	vsub.f32 v9, v0;
	v1 =	vmul.f32 $2.000000000e+01, v1;
	v6 =	vpop (erf)  }
0xd6: {  	v2 =	vmul.f32 $1.442695020e+00, v2;
	v9 =	vld [tilespmem:s21+$0xFFFFFF30];
	v4 =	vadd.f32 v6, v4;
	(erf) = vpow2.f32 v5  }
0xd7: {  	v3 =	vmul.f32 $2.000000000e+01, v3;
	v5 =	vsub.f32 v8, v0;
	v6 =	vpop (erf)  }
0xd8: {  	v1 =	vmul.f32 $1.442695020e+00, v1;
	v8 =	vld [tilespmem:s21+$0xFFFFFF40];
	v4 =	vadd.f32 v6, v4;
	(erf) = vpow2.f32 v2  }
0xd9: {  	v2 =	vmul.f32 $2.000000000e+01, v5;
	v5 =	vsub.f32 v7, v0;
	v6 =	vpop (erf)  }
0xda: {  	v3 =	vmul.f32 $1.442695020e+00, v3;
	v7 =	vld [tilespmem:s21+$0xFFFFFF50];
	v4 =	vadd.f32 v6, v4;
	(erf) = vpow2.f32 v1  }
0xdb: {  	v1 =	vmul.f32 $2.000000000e+01, v5;
	v5 =	vsub.f32 v9, v0;
	v6 =	vpop (erf)  }
0xdc: {  	v2 =	vmul.f32 $1.442695020e+00, v2;
	v9 =	vld [tilespmem:s21+$0xFFFFFF60];
	(erf) = vpow2.f32 v3;
	v3 =	vadd.f32 v6, v4  }
0xdd: {  	v4 =	vmul.f32 $2.000000000e+01, v5;
	v5 =	vsub.f32 v8, v0;
	v6 =	vpop (erf)  }
0xde: {  	v1 =	vmul.f32 $1.442695020e+00, v1;
	v8 =	vld [tilespmem:s21+$0xFFFFFF70];
	(erf) = vpow2.f32 v2;
	v2 =	vadd.f32 v6, v3  }
0xdf: {  	v3 =	vmul.f32 $2.000000000e+01, v5;
	v5 =	vsub.f32 v7, v0;
	v6 =	vpop (erf)  }
0xe0: {  	v4 =	vmul.f32 $1.442695020e+00, v4;
	v7 =	vld [tilespmem:s21+$0x0];
	(erf) = vpow2.f32 v1;
	v1 =	vadd.f32 v6, v2  }
0xe1: {  	v2 =	vmul.f32 $2.000000000e+01, v5;
	v5 =	vsub.f32 v9, v0;
	v6 =	vpop (erf)  }
0xe2: {  	v3 =	vmul.f32 $1.442695020e+00, v3;
	v9 =	vld [tilespmem:s21+$0x10];
	(erf) = vpow2.f32 v4;
	v1 =	vadd.f32 v6, v1  }
0xe3: {  	v4 =	vmul.f32 $2.000000000e+01, v5;
	v5 =	vsub.f32 v8, v0;
	v6 =	vpop (erf)  }
0xe4: {  	v2 =	vmul.f32 $1.442695020e+00, v2;
	v8 =	vld [tilespmem:s21+$0x20];
	(erf) = vpow2.f32 v3;
	v1 =	vadd.f32 v6, v1  }
0xe5: {  	v3 =	vmul.f32 $2.000000000e+01, v5;
	v5 =	vsub.f32 v7, v0;
	v6 =	vpop (erf)  }
0xe6: {  	v4 =	vmul.f32 $1.442695020e+00, v4;
	v1 =	vadd.f32 v6, v1;
	v6 =	vld [tilespmem:s21+$0x30];
	(erf) = vpow2.f32 v2  }
0xe7: {  	v2 =	vmul.f32 $2.000000000e+01, v5;
	v5 =	vsub.f32 v9, v0;
	v7 =	vpop (erf)  }
0xe8: {  	v3 =	vmul.f32 $1.442695020e+00, v3;
	v1 =	vadd.f32 v7, v1;
	v7 =	vld [tilespmem:s21+$0x40];
	(erf) = vpow2.f32 v4  }
0xe9: {  	v4 =	vmul.f32 $2.000000000e+01, v5;
	v5 =	vsub.f32 v8, v0;
	v8 =	vpop (erf)  }
0xea: {  	v1 =	vadd.f32 v8, v1;
	v8 =	vmul.f32 $1.442695020e+00, v2;
	v9 =	vld [tilespmem:s21+$0x50];
	(erf) = vpow2.f32 v3  }
.Ltmp3:
0xeb: {  	v3 =	vmul.f32 $2.000000000e+01, v5;
	v6 =	vsub.f32 v6, v0;
	v2 =	vpop (erf);
	(pc) =	sbr.rel @p0 .LBB2_9-.Ltmp3, $4  }
0xec: {  	v10 =	vmul.f32 $1.442695020e+00, v4;
	v1 =	vadd.f32 v2, v1;
	v2 =	vld [tilespmem:s21+$0x60];
	(erf) = vpow2.f32 v8  }
0xed: {  	v4 =	vmul.f32 $2.000000000e+01, v6;
	v7 =	vsub.f32 v7, v0;
	v5 =	vpop (erf)  }
0xee: {  	v6 =	vadd.f32 v5, v1;
	v5 =	vmul.f32 $1.442695020e+00, v3;
	v1 =	vld [tilespmem:s21+$0x70];
	(erf) = vpow2.f32 v10  }
0xef: {  	s21 =	sadd.s32 $0x200, s21;
	v3 =	vmul.f32 $2.000000000e+01, v7;
	v7 =	vsub.f32 v9, v0;
	v8 =	vpop (erf)  }
0xf0: {  	v4 =	vmul.f32 $1.442695020e+00, v4  }
0xf1: {  	v6 =	vadd.f32 v8, v6  }
0xf2: {  	(erf) = vpow2.f32 v5;
	v5 =	vmul.f32 $2.000000000e+01, v7;
	v7 =	vpop (erf)  }
0xf3: {  	v2 =	vsub.f32 v2, v0;
	v3 =	vmul.f32 $1.442695020e+00, v3;
	v6 =	vadd.f32 v7, v6  }
0xf4: {  	(erf) = vpow2.f32 v4;
	v4 =	vpop (erf)  }
0xf5: {  	v2 =	vmul.f32 $2.000000000e+01, v2;
	v4 =	vadd.f32 v4, v6  }
0xf6: {  	v1 =	vsub.f32 v1, v0;
	v5 =	vmul.f32 $1.442695020e+00, v5  }
0xf7: {  	(erf) = vpow2.f32 v3;
	v3 =	vpop (erf);
	v2 =	vmul.f32 $1.442695020e+00, v2  }
0xf8: {  	v1 =	vmul.f32 $2.000000000e+01, v1;
	v3 =	vadd.f32 v3, v4  }
0xf9: {  	(erf) = vpow2.f32 v5;
	v4 =	vpop (erf)  }
0xfa: {  	v1 =	vmul.f32 $1.442695020e+00, v1;
	v3 =	vadd.f32 v4, v3  }
0xfb: {  	(erf) = vpow2.f32 v2;
	v2 =	vpop (erf)  }
0xfc: {  	v2 =	vadd.f32 v2, v3  }
0xfd: {  	(erf) = vpow2.f32 v1  }
0xfe: {  	v1 =	vpop (erf)  }
0xff: {  	v1 =	vadd.f32 v1, v2  }
0x100: {  	v2 =	vpop (erf)  }
0x101: {  	v1 =	vadd.f32 v2, v1  }
0x102: {  	v2 =	vpop (erf)  }
0x103: {  	v1 =	vadd.f32 v2, v1  }
0x104: {  	v2 =	vpop (erf)  }
0x105: {  	v1 =	vadd.f32 v2, v1  }
0x106: {  	v2 =	vpop (erf)  }
0x107: {  	p0 =	seq.s32 s18, $0x9;
	v1 =	vadd.f32 v2, v1  }
0x108: {  	[tilespmem:s19+$0x10080] =	vst v0;
	s20 =	sadd.s32 @!p0 $0x4, s20  }
0x109: {  	s22 =	simm.s32 @!p0 $0x400;
	s23 =	simm.s32 @!p0 $0x0;
	s21 =	sshll.u32 @!p0 s20, $0x4;
	[tilespmem:s19+$0x11480] =	vst v1  }
0x10a: {  	s20 =	sshll.u32 @!p0 s20, $0xB;
	s21 =	sand.u32 @!p0 $0x40, s21;
	_ =	swait.ge [sflag:s13], $0x8000  }
0x10b: {  	s20 =	sand.u32 @!p0 $0xFFFC000, s20;
	s21 =	sadd.s32 @!p0 s2, s21;
	[sflag:s13] =	ssyncset.done $0x0  }
0x10c: {  	s20 =	sadd.s32 @!p0 s20, s21;
	s21 =	simm.s32 @!p0 $0x100;
	[sflag:s13] =	ssyncadd.s32 $0xFFFF8000  }
0x10d: {  	[tilespmem:s23], [sflag:$0x1] =	stream.strided.gather @!p0 [hbm4b:s20+s21], $0x8000, s22, s21, $0x38;
	[tilespmem:$0x12800] =	vst v63  }
0x10e: {  	s20 =	simm.s32 $0x8100  }
0x10f: {  	v0 =	vld [tilespmem:s20+$0xFFFFFF00]  }
0x110: {  	v1 =	vld [tilespmem:s20+$0xFFFFFF10]  }
0x111: {  	v2 =	vld [tilespmem:s20+$0xFFFFFF20]  }
0x112: {  	v3 =	vld [tilespmem:s20+$0xFFFFFF30]  }
0x113: {  	v4 =	vimm.f32 $-3.000000010e+38;
	v5 =	vld [tilespmem:s20+$0xFFFFFF40]  }
0x114: {  	v0 =	vmax.f32 v4, v0;
	v4 =	vld [tilespmem:s20+$0xFFFFFF50]  }
0x115: {  	v0 =	vmax.f32 v0, v1;
	v1 =	vld [tilespmem:s20+$0xFFFFFF60]  }
0x116: {  	v0 =	vmax.f32 v0, v2;
	v2 =	vld [tilespmem:s20+$0xFFFFFF70]  }
0x117: {  	v0 =	vmax.f32 v0, v3;
	v3 =	vld [tilespmem:s20+$0x0]  }
0x118: {  	v0 =	vmax.f32 v0, v5;
	v5 =	vld [tilespmem:s20+$0x10]  }
0x119: {  	v0 =	vmax.f32 v0, v4;
	v4 =	vld [tilespmem:s20+$0x20]  }
0x11a: {  	v0 =	vmax.f32 v0, v1;
	v1 =	vld [tilespmem:s20+$0x30]  }
0x11b: {  	v2 =	vmax.f32 v0, v2;
	v0 =	vld [tilespmem:s20+$0x40]  }
0x11c: {  	v3 =	vmax.f32 v2, v3;
	v2 =	vld [tilespmem:s20+$0x50]  }
0x11d: {  	v5 =	vmax.f32 v3, v5;
	v3 =	vld [tilespmem:s20+$0x60]  }
0x11e: {  	s21 =	simm.s32 $0x0;
	s22 =	simm.s32 $0x8300;
	v5 =	vmax.f32 v5, v4;
	v4 =	vld [tilespmem:s20+$0x70]  }
.LBB2_11:
0x11f: {  	v6 =	vld [tilespmem:s22+$0xFFFFFF00];
	s21 =	sadd.s32 $0x10, s21;
	v1 =	vmax.f32 v5, v1  }
0x120: {  	v5 =	vld [tilespmem:s22+$0xFFFFFF10];
	p0 =	slt.u32 s21, $0x3F0;
	v0 =	vmax.f32 v1, v0  }
0x121: {  	v1 =	vld [tilespmem:s22+$0xFFFFFF20];
	v0 =	vmax.f32 v0, v2  }
0x122: {  	v2 =	vld [tilespmem:s22+$0xFFFFFF30];
	v0 =	vmax.f32 v0, v3  }
0x123: {  	v3 =	vld [tilespmem:s22+$0xFFFFFF40];
	v0 =	vmax.f32 v0, v4  }
0x124: {  	v0 =	vmax.f32 v0, v6;
	v4 =	vld [tilespmem:s22+$0xFFFFFF50]  }
0x125: {  	v0 =	vmax.f32 v0, v5;
	v5 =	vld [tilespmem:s22+$0xFFFFFF60]  }
0x126: {  	v0 =	vmax.f32 v0, v1;
	v6 =	vld [tilespmem:s22+$0xFFFFFF70]  }
0x127: {  	v0 =	vmax.f32 v0, v2;
	v2 =	vld [tilespmem:s22+$0x0]  }
0x128: {  	v0 =	vmax.f32 v0, v3;
	v3 =	vld [tilespmem:s22+$0x10]  }
0x129: {  	v0 =	vmax.f32 v0, v4;
	v4 =	vld [tilespmem:s22+$0x20]  }
.Ltmp4:
0x12a: {  	v0 =	vmax.f32 v0, v5;
	v1 =	vld [tilespmem:s22+$0x30];
	(pc) =	sbr.rel @p0 .LBB2_11-.Ltmp4, $4  }
0x12b: {  	v5 =	vmax.f32 v0, v6;
	v0 =	vld [tilespmem:s22+$0x40]  }
0x12c: {  	v5 =	vmax.f32 v5, v2;
	v2 =	vld [tilespmem:s22+$0x50]  }
0x12d: {  	v5 =	vmax.f32 v5, v3;
	v3 =	vld [tilespmem:s22+$0x60]  }
0x12e: {  	v5 =	vmax.f32 v5, v4;
	v4 =	vld [tilespmem:s22+$0x70];
	s22 =	sadd.s32 $0x200, s22  }
0x12f: {  	v1 =	vmax.f32 v5, v1;
	v5 =	vld [tilespmem:s20+$0xFFFFFF00]  }
0x130: {  	v0 =	vmax.f32 v1, v0  }
0x131: {  	v1 =	vld [tilespmem:s20+$0xFFFFFF10];
	v0 =	vmax.f32 v0, v2  }
0x132: {  	v0 =	vmax.f32 v0, v3  }
0x133: {  	v0 =	vmax.f32 v0, v4  }
0x134: {  	v2 =	vld [tilespmem:s20+$0xFFFFFF20];
	v3 =	vsub.f32 v5, v0  }
0x135: {  	v4 =	vld [tilespmem:s20+$0xFFFFFF30]  }
0x136: {  	v1 =	vsub.f32 v1, v0;
	v3 =	vmul.f32 $2.000000000e+01, v3  }
0x137: {  	v5 =	vld [tilespmem:s20+$0xFFFFFF40]  }
0x138: {  	v1 =	vmul.f32 $2.000000000e+01, v1;
	v3 =	vmul.f32 $1.442695020e+00, v3  }
0x139: {  	v6 =	vld [tilespmem:s20+$0xFFFFFF50];
	v2 =	vsub.f32 v2, v0  }
0x13a: {  	v4 =	vsub.f32 v4, v0;
	v1 =	vmul.f32 $1.442695020e+00, v1;
	(erf) = vpow2.f32 v3  }
0x13b: {  	v2 =	vmul.f32 $2.000000000e+01, v2  }
0x13c: {  	v3 =	vmul.f32 $2.000000000e+01, v4;
	v4 =	vsub.f32 v5, v0;
	v5 =	vld [tilespmem:s20+$0xFFFFFF60];
	(erf) = vpow2.f32 v1  }
0x13d: {  	v2 =	vmul.f32 $1.442695020e+00, v2  }
0x13e: {  	v1 =	vmul.f32 $2.000000000e+01, v4;
	v4 =	vsub.f32 v6, v0;
	v6 =	vld [tilespmem:s20+$0xFFFFFF70]  }
0x13f: {  	v3 =	vmul.f32 $1.442695020e+00, v3;
	(erf) = vpow2.f32 v2  }
0x140: {  	v2 =	vld [tilespmem:s20+$0x0];
	v4 =	vmul.f32 $2.000000000e+01, v4;
	v1 =	vmul.f32 $1.442695020e+00, v1  }
0x141: {  	(erf) = vpow2.f32 v3;
	v3 =	vsub.f32 v5, v0  }
0x142: {  	v5 =	vld [tilespmem:s20+$0x10];
	v4 =	vmul.f32 $1.442695020e+00, v4;
	(erf) = vpow2.f32 v1  }
0x143: {  	v1 =	vimm.f32 $0.0e+00;
	v3 =	vmul.f32 $2.000000000e+01, v3;
	v6 =	vsub.f32 v6, v0;
	v8 =	vpop (erf)  }
0x144: {  	v7 =	vld [tilespmem:s20+$0x20];
	(erf) = vpow2.f32 v4;
	v1 =	vadd.f32 v8, v1  }
0x145: {  	v2 =	vsub.f32 v2, v0;
	v4 =	vmul.f32 $2.000000000e+01, v6;
	v3 =	vmul.f32 $1.442695020e+00, v3;
	v6 =	vld [tilespmem:s20+$0x30];
	v8 =	vpop (erf)  }
0x146: {  	v1 =	vadd.f32 v8, v1;
	v8 =	vld [tilespmem:s20+$0x40]  }
0x147: {  	v2 =	vmul.f32 $2.000000000e+01, v2;
	v5 =	vsub.f32 v5, v0  }
0x148: {  	v4 =	vmul.f32 $1.442695020e+00, v4;
	(erf) = vpow2.f32 v3  }
0x149: {  	v7 =	vsub.f32 v7, v0;
	v5 =	vmul.f32 $2.000000000e+01, v5;
	v3 =	vpop (erf)  }
0x14a: {  	v9 =	vld [tilespmem:s20+$0x50];
	v2 =	vmul.f32 $1.442695020e+00, v2;
	(erf) = vpow2.f32 v4;
	v1 =	vadd.f32 v3, v1  }
0x14b: {  	v7 =	vmul.f32 $2.000000000e+01, v7;
	v3 =	vpop (erf);
	v4 =	vsub.f32 v6, v0;
	v8 =	vsub.f32 v8, v0  }
0x14c: {  	(erf) = vpow2.f32 v2;
	v2 =	vld [tilespmem:s20+$0x60];
	v1 =	vadd.f32 v3, v1;
	v3 =	vmul.f32 $1.442695020e+00, v5  }
0x14d: {  	v5 =	vpop (erf);
	v4 =	vmul.f32 $2.000000000e+01, v4  }
0x14e: {  	v6 =	vadd.f32 v5, v1;
	v5 =	vmul.f32 $1.442695020e+00, v7;
	v1 =	vld [tilespmem:s20+$0x70];
	(erf) = vpow2.f32 v3  }
0x14f: {  	s21 =	simm.s32 $0x0;
	v7 =	vsub.f32 v9, v0;
	s20 =	simm.s32 $0x8300;
	v3 =	vmul.f32 $2.000000000e+01, v8;
	v8 =	vpop (erf)  }
.LBB2_13:
0x150: {  	v9 =	vld [tilespmem:s20+$0xFFFFFF00];
	v6 =	vadd.f32 v8, v6;
	v10 =	vmul.f32 $1.442695020e+00, v4;
	(erf) = vpow2.f32 v5  }
0x151: {  	s21 =	sadd.s32 $0x10, s21;
	v5 =	vmul.f32 $2.000000000e+01, v7;
	v2 =	vsub.f32 v2, v0;
	v7 =	vpop (erf)  }
0x152: {  	p0 =	slt.u32 s21, $0x3F0;
	v3 =	vmul.f32 $1.442695020e+00, v3;
	v8 =	vld [tilespmem:s20+$0xFFFFFF10];
	v11 =	vadd.f32 v7, v6;
	(erf) = vpow2.f32 v10  }
0x153: {  	v2 =	vmul.f32 $2.000000000e+01, v2;
	v1 =	vsub.f32 v1, v0;
	v4 =	vpop (erf)  }
0x154: {  	v5 =	vmul.f32 $1.442695020e+00, v5;
	v7 =	vld [tilespmem:s20+$0xFFFFFF20];
	v4 =	vadd.f32 v4, v11;
	(erf) = vpow2.f32 v3  }
0x155: {  	v3 =	vsub.f32 v9, v0;
	v1 =	vmul.f32 $2.000000000e+01, v1;
	v6 =	vpop (erf)  }
0x156: {  	v2 =	vmul.f32 $1.442695020e+00, v2;
	v9 =	vld [tilespmem:s20+$0xFFFFFF30];
	v4 =	vadd.f32 v6, v4;
	(erf) = vpow2.f32 v5  }
0x157: {  	v3 =	vmul.f32 $2.000000000e+01, v3;
	v5 =	vsub.f32 v8, v0;
	v6 =	vpop (erf)  }
0x158: {  	v1 =	vmul.f32 $1.442695020e+00, v1;
	v8 =	vld [tilespmem:s20+$0xFFFFFF40];
	v4 =	vadd.f32 v6, v4;
	(erf) = vpow2.f32 v2  }
0x159: {  	v2 =	vmul.f32 $2.000000000e+01, v5;
	v5 =	vsub.f32 v7, v0;
	v6 =	vpop (erf)  }
0x15a: {  	v3 =	vmul.f32 $1.442695020e+00, v3;
	v7 =	vld [tilespmem:s20+$0xFFFFFF50];
	v4 =	vadd.f32 v6, v4;
	(erf) = vpow2.f32 v1  }
0x15b: {  	v1 =	vmul.f32 $2.000000000e+01, v5;
	v5 =	vsub.f32 v9, v0;
	v6 =	vpop (erf)  }
0x15c: {  	v2 =	vmul.f32 $1.442695020e+00, v2;
	v9 =	vld [tilespmem:s20+$0xFFFFFF60];
	(erf) = vpow2.f32 v3;
	v3 =	vadd.f32 v6, v4  }
0x15d: {  	v4 =	vmul.f32 $2.000000000e+01, v5;
	v5 =	vsub.f32 v8, v0;
	v6 =	vpop (erf)  }
0x15e: {  	v1 =	vmul.f32 $1.442695020e+00, v1;
	v8 =	vld [tilespmem:s20+$0xFFFFFF70];
	(erf) = vpow2.f32 v2;
	v2 =	vadd.f32 v6, v3  }
0x15f: {  	v3 =	vmul.f32 $2.000000000e+01, v5;
	v5 =	vsub.f32 v7, v0;
	v6 =	vpop (erf)  }
0x160: {  	v4 =	vmul.f32 $1.442695020e+00, v4;
	v7 =	vld [tilespmem:s20+$0x0];
	(erf) = vpow2.f32 v1;
	v1 =	vadd.f32 v6, v2  }
0x161: {  	v2 =	vmul.f32 $2.000000000e+01, v5;
	v5 =	vsub.f32 v9, v0;
	v6 =	vpop (erf)  }
0x162: {  	v3 =	vmul.f32 $1.442695020e+00, v3;
	v9 =	vld [tilespmem:s20+$0x10];
	(erf) = vpow2.f32 v4;
	v1 =	vadd.f32 v6, v1  }
0x163: {  	v4 =	vmul.f32 $2.000000000e+01, v5;
	v5 =	vsub.f32 v8, v0;
	v6 =	vpop (erf)  }
0x164: {  	v2 =	vmul.f32 $1.442695020e+00, v2;
	v8 =	vld [tilespmem:s20+$0x20];
	(erf) = vpow2.f32 v3;
	v1 =	vadd.f32 v6, v1  }
0x165: {  	v3 =	vmul.f32 $2.000000000e+01, v5;
	v5 =	vsub.f32 v7, v0;
	v6 =	vpop (erf)  }
0x166: {  	v4 =	vmul.f32 $1.442695020e+00, v4;
	v1 =	vadd.f32 v6, v1;
	v6 =	vld [tilespmem:s20+$0x30];
	(erf) = vpow2.f32 v2  }
0x167: {  	v2 =	vmul.f32 $2.000000000e+01, v5;
	v5 =	vsub.f32 v9, v0;
	v7 =	vpop (erf)  }
0x168: {  	v3 =	vmul.f32 $1.442695020e+00, v3;
	v1 =	vadd.f32 v7, v1;
	v7 =	vld [tilespmem:s20+$0x40];
	(erf) = vpow2.f32 v4  }
0x169: {  	v4 =	vmul.f32 $2.000000000e+01, v5;
	v5 =	vsub.f32 v8, v0;
	v8 =	vpop (erf)  }
0x16a: {  	v1 =	vadd.f32 v8, v1;
	v8 =	vmul.f32 $1.442695020e+00, v2;
	v9 =	vld [tilespmem:s20+$0x50];
	(erf) = vpow2.f32 v3  }
.Ltmp5:
0x16b: {  	v3 =	vmul.f32 $2.000000000e+01, v5;
	v6 =	vsub.f32 v6, v0;
	v2 =	vpop (erf);
	(pc) =	sbr.rel @p0 .LBB2_13-.Ltmp5, $4  }
0x16c: {  	v10 =	vmul.f32 $1.442695020e+00, v4;
	v1 =	vadd.f32 v2, v1;
	v2 =	vld [tilespmem:s20+$0x60];
	(erf) = vpow2.f32 v8  }
0x16d: {  	v4 =	vmul.f32 $2.000000000e+01, v6;
	v7 =	vsub.f32 v7, v0;
	v5 =	vpop (erf)  }
0x16e: {  	v6 =	vadd.f32 v5, v1;
	v5 =	vmul.f32 $1.442695020e+00, v3;
	v1 =	vld [tilespmem:s20+$0x70];
	(erf) = vpow2.f32 v10  }
0x16f: {  	s20 =	sadd.s32 $0x200, s20;
	v3 =	vmul.f32 $2.000000000e+01, v7;
	v7 =	vsub.f32 v9, v0;
	v8 =	vpop (erf)  }
0x170: {  	v4 =	vmul.f32 $1.442695020e+00, v4  }
0x171: {  	v6 =	vadd.f32 v8, v6  }
0x172: {  	(erf) = vpow2.f32 v5;
	v5 =	vmul.f32 $2.000000000e+01, v7;
	v7 =	vpop (erf)  }
0x173: {  	v2 =	vsub.f32 v2, v0;
	v3 =	vmul.f32 $1.442695020e+00, v3;
	v6 =	vadd.f32 v7, v6  }
0x174: {  	(erf) = vpow2.f32 v4;
	v4 =	vpop (erf)  }
0x175: {  	v2 =	vmul.f32 $2.000000000e+01, v2;
	v4 =	vadd.f32 v4, v6  }
0x176: {  	v1 =	vsub.f32 v1, v0;
	v5 =	vmul.f32 $1.442695020e+00, v5  }
0x177: {  	(erf) = vpow2.f32 v3;
	v3 =	vpop (erf);
	v2 =	vmul.f32 $1.442695020e+00, v2  }
0x178: {  	v1 =	vmul.f32 $2.000000000e+01, v1;
	v3 =	vadd.f32 v3, v4  }
0x179: {  	(erf) = vpow2.f32 v5;
	v4 =	vpop (erf)  }
0x17a: {  	v1 =	vmul.f32 $1.442695020e+00, v1;
	v3 =	vadd.f32 v4, v3  }
0x17b: {  	(erf) = vpow2.f32 v2;
	v2 =	vpop (erf)  }
0x17c: {  	v2 =	vadd.f32 v2, v3  }
0x17d: {  	(erf) = vpow2.f32 v1  }
0x17e: {  	v1 =	vpop (erf)  }
0x17f: {  	v1 =	vadd.f32 v1, v2  }
0x180: {  	v2 =	vpop (erf)  }
0x181: {  	v1 =	vadd.f32 v2, v1  }
0x182: {  	v2 =	vpop (erf)  }
0x183: {  	v1 =	vadd.f32 v2, v1  }
0x184: {  	v2 =	vpop (erf)  }
0x185: {  	v1 =	vadd.f32 v2, v1  }
0x186: {  	v2 =	vpop (erf)  }
0x187: {  	v1 =	vadd.f32 v2, v1  }
0x188: {  	[tilespmem:s19+$0x10100] =	vst v0  }
0x189: {  	s20 =	simm.s32 $0x8180;
	[tilespmem:s19+$0x11500] =	vst v1  }
0x18a: {  	v0 =	vld [tilespmem:s20+$0xFFFFFF00]  }
0x18b: {  	v1 =	vld [tilespmem:s20+$0xFFFFFF10]  }
0x18c: {  	v2 =	vld [tilespmem:s20+$0xFFFFFF20]  }
0x18d: {  	v3 =	vld [tilespmem:s20+$0xFFFFFF30]  }
0x18e: {  	v4 =	vimm.f32 $-3.000000010e+38;
	v5 =	vld [tilespmem:s20+$0xFFFFFF40]  }
0x18f: {  	v0 =	vmax.f32 v4, v0;
	v4 =	vld [tilespmem:s20+$0xFFFFFF50]  }
0x190: {  	v0 =	vmax.f32 v0, v1;
	v1 =	vld [tilespmem:s20+$0xFFFFFF60]  }
0x191: {  	v0 =	vmax.f32 v0, v2;
	v2 =	vld [tilespmem:s20+$0xFFFFFF70]  }
0x192: {  	v0 =	vmax.f32 v0, v3;
	v3 =	vld [tilespmem:s20+$0x0]  }
0x193: {  	v0 =	vmax.f32 v0, v5;
	v5 =	vld [tilespmem:s20+$0x10]  }
0x194: {  	v0 =	vmax.f32 v0, v4;
	v4 =	vld [tilespmem:s20+$0x20]  }
0x195: {  	v0 =	vmax.f32 v0, v1;
	v1 =	vld [tilespmem:s20+$0x30]  }
0x196: {  	v2 =	vmax.f32 v0, v2;
	v0 =	vld [tilespmem:s20+$0x40]  }
0x197: {  	v3 =	vmax.f32 v2, v3;
	v2 =	vld [tilespmem:s20+$0x50]  }
0x198: {  	v5 =	vmax.f32 v3, v5;
	v3 =	vld [tilespmem:s20+$0x60]  }
0x199: {  	s21 =	simm.s32 $0x0;
	s22 =	simm.s32 $0x8380;
	v5 =	vmax.f32 v5, v4;
	v4 =	vld [tilespmem:s20+$0x70]  }
.LBB2_15:
0x19a: {  	v6 =	vld [tilespmem:s22+$0xFFFFFF00];
	s21 =	sadd.s32 $0x10, s21;
	v1 =	vmax.f32 v5, v1  }
0x19b: {  	v5 =	vld [tilespmem:s22+$0xFFFFFF10];
	p0 =	slt.u32 s21, $0x3F0;
	v0 =	vmax.f32 v1, v0  }
0x19c: {  	v1 =	vld [tilespmem:s22+$0xFFFFFF20];
	v0 =	vmax.f32 v0, v2  }
0x19d: {  	v2 =	vld [tilespmem:s22+$0xFFFFFF30];
	v0 =	vmax.f32 v0, v3  }
0x19e: {  	v3 =	vld [tilespmem:s22+$0xFFFFFF40];
	v0 =	vmax.f32 v0, v4  }
0x19f: {  	v0 =	vmax.f32 v0, v6;
	v4 =	vld [tilespmem:s22+$0xFFFFFF50]  }
0x1a0: {  	v0 =	vmax.f32 v0, v5;
	v5 =	vld [tilespmem:s22+$0xFFFFFF60]  }
0x1a1: {  	v0 =	vmax.f32 v0, v1;
	v6 =	vld [tilespmem:s22+$0xFFFFFF70]  }
0x1a2: {  	v0 =	vmax.f32 v0, v2;
	v2 =	vld [tilespmem:s22+$0x0]  }
0x1a3: {  	v0 =	vmax.f32 v0, v3;
	v3 =	vld [tilespmem:s22+$0x10]  }
0x1a4: {  	v0 =	vmax.f32 v0, v4;
	v4 =	vld [tilespmem:s22+$0x20]  }
.Ltmp6:
0x1a5: {  	v0 =	vmax.f32 v0, v5;
	v1 =	vld [tilespmem:s22+$0x30];
	(pc) =	sbr.rel @p0 .LBB2_15-.Ltmp6, $4  }
0x1a6: {  	v5 =	vmax.f32 v0, v6;
	v0 =	vld [tilespmem:s22+$0x40]  }
0x1a7: {  	v5 =	vmax.f32 v5, v2;
	v2 =	vld [tilespmem:s22+$0x50]  }
0x1a8: {  	v5 =	vmax.f32 v5, v3;
	v3 =	vld [tilespmem:s22+$0x60]  }
0x1a9: {  	v5 =	vmax.f32 v5, v4;
	v4 =	vld [tilespmem:s22+$0x70];
	s22 =	sadd.s32 $0x200, s22  }
0x1aa: {  	v1 =	vmax.f32 v5, v1;
	v5 =	vld [tilespmem:s20+$0xFFFFFF00]  }
0x1ab: {  	v0 =	vmax.f32 v1, v0  }
0x1ac: {  	v1 =	vld [tilespmem:s20+$0xFFFFFF10];
	v0 =	vmax.f32 v0, v2  }
0x1ad: {  	v0 =	vmax.f32 v0, v3  }
0x1ae: {  	v0 =	vmax.f32 v0, v4  }
0x1af: {  	v2 =	vld [tilespmem:s20+$0xFFFFFF20];
	v3 =	vsub.f32 v5, v0  }
0x1b0: {  	v4 =	vld [tilespmem:s20+$0xFFFFFF30]  }
0x1b1: {  	v1 =	vsub.f32 v1, v0;
	v3 =	vmul.f32 $2.000000000e+01, v3  }
0x1b2: {  	v5 =	vld [tilespmem:s20+$0xFFFFFF40]  }
0x1b3: {  	v1 =	vmul.f32 $2.000000000e+01, v1;
	v3 =	vmul.f32 $1.442695020e+00, v3  }
0x1b4: {  	v6 =	vld [tilespmem:s20+$0xFFFFFF50];
	v2 =	vsub.f32 v2, v0  }
0x1b5: {  	v4 =	vsub.f32 v4, v0;
	v1 =	vmul.f32 $1.442695020e+00, v1;
	(erf) = vpow2.f32 v3  }
0x1b6: {  	v2 =	vmul.f32 $2.000000000e+01, v2  }
0x1b7: {  	v3 =	vmul.f32 $2.000000000e+01, v4;
	v4 =	vsub.f32 v5, v0;
	v5 =	vld [tilespmem:s20+$0xFFFFFF60];
	(erf) = vpow2.f32 v1  }
0x1b8: {  	v2 =	vmul.f32 $1.442695020e+00, v2  }
0x1b9: {  	v1 =	vmul.f32 $2.000000000e+01, v4;
	v4 =	vsub.f32 v6, v0;
	v6 =	vld [tilespmem:s20+$0xFFFFFF70]  }
0x1ba: {  	v3 =	vmul.f32 $1.442695020e+00, v3;
	(erf) = vpow2.f32 v2  }
0x1bb: {  	v2 =	vld [tilespmem:s20+$0x0];
	v4 =	vmul.f32 $2.000000000e+01, v4;
	v1 =	vmul.f32 $1.442695020e+00, v1  }
0x1bc: {  	(erf) = vpow2.f32 v3;
	v3 =	vsub.f32 v5, v0  }
0x1bd: {  	v5 =	vld [tilespmem:s20+$0x10];
	v4 =	vmul.f32 $1.442695020e+00, v4;
	(erf) = vpow2.f32 v1  }
0x1be: {  	v1 =	vimm.f32 $0.0e+00;
	v3 =	vmul.f32 $2.000000000e+01, v3;
	v6 =	vsub.f32 v6, v0;
	v8 =	vpop (erf)  }
0x1bf: {  	v7 =	vld [tilespmem:s20+$0x20];
	(erf) = vpow2.f32 v4;
	v1 =	vadd.f32 v8, v1  }
0x1c0: {  	v2 =	vsub.f32 v2, v0;
	v4 =	vmul.f32 $2.000000000e+01, v6;
	v3 =	vmul.f32 $1.442695020e+00, v3;
	v6 =	vld [tilespmem:s20+$0x30];
	v8 =	vpop (erf)  }
0x1c1: {  	v1 =	vadd.f32 v8, v1;
	v8 =	vld [tilespmem:s20+$0x40]  }
0x1c2: {  	v2 =	vmul.f32 $2.000000000e+01, v2;
	v5 =	vsub.f32 v5, v0  }
0x1c3: {  	v4 =	vmul.f32 $1.442695020e+00, v4;
	(erf) = vpow2.f32 v3  }
0x1c4: {  	v7 =	vsub.f32 v7, v0;
	v5 =	vmul.f32 $2.000000000e+01, v5;
	v3 =	vpop (erf)  }
0x1c5: {  	v9 =	vld [tilespmem:s20+$0x50];
	v2 =	vmul.f32 $1.442695020e+00, v2;
	(erf) = vpow2.f32 v4;
	v1 =	vadd.f32 v3, v1  }
0x1c6: {  	v7 =	vmul.f32 $2.000000000e+01, v7;
	v3 =	vpop (erf);
	v4 =	vsub.f32 v6, v0;
	v8 =	vsub.f32 v8, v0  }
0x1c7: {  	(erf) = vpow2.f32 v2;
	v2 =	vld [tilespmem:s20+$0x60];
	v1 =	vadd.f32 v3, v1;
	v3 =	vmul.f32 $1.442695020e+00, v5  }
0x1c8: {  	v5 =	vpop (erf);
	v4 =	vmul.f32 $2.000000000e+01, v4  }
0x1c9: {  	v6 =	vadd.f32 v5, v1;
	v5 =	vmul.f32 $1.442695020e+00, v7;
	v1 =	vld [tilespmem:s20+$0x70];
	(erf) = vpow2.f32 v3  }
0x1ca: {  	s21 =	simm.s32 $0x0;
	v7 =	vsub.f32 v9, v0;
	s20 =	simm.s32 $0x8380;
	v3 =	vmul.f32 $2.000000000e+01, v8;
	v8 =	vpop (erf)  }
.LBB2_17:
0x1cb: {  	v9 =	vld [tilespmem:s20+$0xFFFFFF00];
	v6 =	vadd.f32 v8, v6;
	v10 =	vmul.f32 $1.442695020e+00, v4;
	(erf) = vpow2.f32 v5  }
0x1cc: {  	s21 =	sadd.s32 $0x10, s21;
	v5 =	vmul.f32 $2.000000000e+01, v7;
	v2 =	vsub.f32 v2, v0;
	v7 =	vpop (erf)  }
0x1cd: {  	p0 =	slt.u32 s21, $0x3F0;
	v3 =	vmul.f32 $1.442695020e+00, v3;
	v8 =	vld [tilespmem:s20+$0xFFFFFF10];
	v11 =	vadd.f32 v7, v6;
	(erf) = vpow2.f32 v10  }
0x1ce: {  	v2 =	vmul.f32 $2.000000000e+01, v2;
	v1 =	vsub.f32 v1, v0;
	v4 =	vpop (erf)  }
0x1cf: {  	v5 =	vmul.f32 $1.442695020e+00, v5;
	v7 =	vld [tilespmem:s20+$0xFFFFFF20];
	v4 =	vadd.f32 v4, v11;
	(erf) = vpow2.f32 v3  }
0x1d0: {  	v3 =	vsub.f32 v9, v0;
	v1 =	vmul.f32 $2.000000000e+01, v1;
	v6 =	vpop (erf)  }
0x1d1: {  	v2 =	vmul.f32 $1.442695020e+00, v2;
	v9 =	vld [tilespmem:s20+$0xFFFFFF30];
	v4 =	vadd.f32 v6, v4;
	(erf) = vpow2.f32 v5  }
0x1d2: {  	v3 =	vmul.f32 $2.000000000e+01, v3;
	v5 =	vsub.f32 v8, v0;
	v6 =	vpop (erf)  }
0x1d3: {  	v1 =	vmul.f32 $1.442695020e+00, v1;
	v8 =	vld [tilespmem:s20+$0xFFFFFF40];
	v4 =	vadd.f32 v6, v4;
	(erf) = vpow2.f32 v2  }
0x1d4: {  	v2 =	vmul.f32 $2.000000000e+01, v5;
	v5 =	vsub.f32 v7, v0;
	v6 =	vpop (erf)  }
0x1d5: {  	v3 =	vmul.f32 $1.442695020e+00, v3;
	v7 =	vld [tilespmem:s20+$0xFFFFFF50];
	v4 =	vadd.f32 v6, v4;
	(erf) = vpow2.f32 v1  }
0x1d6: {  	v1 =	vmul.f32 $2.000000000e+01, v5;
	v5 =	vsub.f32 v9, v0;
	v6 =	vpop (erf)  }
0x1d7: {  	v2 =	vmul.f32 $1.442695020e+00, v2;
	v9 =	vld [tilespmem:s20+$0xFFFFFF60];
	(erf) = vpow2.f32 v3;
	v3 =	vadd.f32 v6, v4  }
0x1d8: {  	v4 =	vmul.f32 $2.000000000e+01, v5;
	v5 =	vsub.f32 v8, v0;
	v6 =	vpop (erf)  }
0x1d9: {  	v1 =	vmul.f32 $1.442695020e+00, v1;
	v8 =	vld [tilespmem:s20+$0xFFFFFF70];
	(erf) = vpow2.f32 v2;
	v2 =	vadd.f32 v6, v3  }
0x1da: {  	v3 =	vmul.f32 $2.000000000e+01, v5;
	v5 =	vsub.f32 v7, v0;
	v6 =	vpop (erf)  }
0x1db: {  	v4 =	vmul.f32 $1.442695020e+00, v4;
	v7 =	vld [tilespmem:s20+$0x0];
	(erf) = vpow2.f32 v1;
	v1 =	vadd.f32 v6, v2  }
0x1dc: {  	v2 =	vmul.f32 $2.000000000e+01, v5;
	v5 =	vsub.f32 v9, v0;
	v6 =	vpop (erf)  }
0x1dd: {  	v3 =	vmul.f32 $1.442695020e+00, v3;
	v9 =	vld [tilespmem:s20+$0x10];
	(erf) = vpow2.f32 v4;
	v1 =	vadd.f32 v6, v1  }
0x1de: {  	v4 =	vmul.f32 $2.000000000e+01, v5;
	v5 =	vsub.f32 v8, v0;
	v6 =	vpop (erf)  }
0x1df: {  	v2 =	vmul.f32 $1.442695020e+00, v2;
	v8 =	vld [tilespmem:s20+$0x20];
	(erf) = vpow2.f32 v3;
	v1 =	vadd.f32 v6, v1  }
0x1e0: {  	v3 =	vmul.f32 $2.000000000e+01, v5;
	v5 =	vsub.f32 v7, v0;
	v6 =	vpop (erf)  }
0x1e1: {  	v4 =	vmul.f32 $1.442695020e+00, v4;
	v1 =	vadd.f32 v6, v1;
	v6 =	vld [tilespmem:s20+$0x30];
	(erf) = vpow2.f32 v2  }
0x1e2: {  	v2 =	vmul.f32 $2.000000000e+01, v5;
	v5 =	vsub.f32 v9, v0;
	v7 =	vpop (erf)  }
0x1e3: {  	v3 =	vmul.f32 $1.442695020e+00, v3;
	v1 =	vadd.f32 v7, v1;
	v7 =	vld [tilespmem:s20+$0x40];
	(erf) = vpow2.f32 v4  }
0x1e4: {  	v4 =	vmul.f32 $2.000000000e+01, v5;
	v5 =	vsub.f32 v8, v0;
	v8 =	vpop (erf)  }
0x1e5: {  	v1 =	vadd.f32 v8, v1;
	v8 =	vmul.f32 $1.442695020e+00, v2;
	v9 =	vld [tilespmem:s20+$0x50];
	(erf) = vpow2.f32 v3  }
.Ltmp7:
0x1e6: {  	v3 =	vmul.f32 $2.000000000e+01, v5;
	v6 =	vsub.f32 v6, v0;
	v2 =	vpop (erf);
	(pc) =	sbr.rel @p0 .LBB2_17-.Ltmp7, $4  }
0x1e7: {  	v10 =	vmul.f32 $1.442695020e+00, v4;
	v1 =	vadd.f32 v2, v1;
	v2 =	vld [tilespmem:s20+$0x60];
	(erf) = vpow2.f32 v8  }
0x1e8: {  	v4 =	vmul.f32 $2.000000000e+01, v6;
	v7 =	vsub.f32 v7, v0;
	v5 =	vpop (erf)  }
0x1e9: {  	v6 =	vadd.f32 v5, v1;
	v5 =	vmul.f32 $1.442695020e+00, v3;
	v1 =	vld [tilespmem:s20+$0x70];
	(erf) = vpow2.f32 v10  }
0x1ea: {  	s20 =	sadd.s32 $0x200, s20;
	v3 =	vmul.f32 $2.000000000e+01, v7;
	v7 =	vsub.f32 v9, v0;
	v8 =	vpop (erf)  }
0x1eb: {  	v6 =	vadd.f32 v8, v6;
	v4 =	vmul.f32 $1.442695020e+00, v4;
	(erf) = vpow2.f32 v5  }
0x1ec: {  	v53 =	vmul.f32 $2.000000000e+01, v7;
	v2 =	vsub.f32 v2, v0;
	v54 =	vpop (erf)  }
0x1ed: {  	v3 =	vmul.f32 $1.442695020e+00, v3;
	v6 =	vadd.f32 v54, v6;
	(erf) = vpow2.f32 v4  }
0x1ee: {  	v2 =	vmul.f32 $2.000000000e+01, v2;
	v1 =	vsub.f32 v1, v0;
	v55 =	vpop (erf)  }
0x1ef: {  	v5 =	vmul.f32 $1.442695020e+00, v53;
	(erf) = vpow2.f32 v3;
	v4 =	vadd.f32 v55, v6  }
0x1f0: {  	v1 =	vmul.f32 $2.000000000e+01, v1;
	v56 =	vpop (erf)  }
0x1f1: {  	v2 =	vmul.f32 $1.442695020e+00, v2;
	(erf) = vpow2.f32 v5;
	v3 =	vadd.f32 v56, v4  }
0x1f2: {  	v57 =	vpop (erf)  }
0x1f3: {  	v1 =	vmul.f32 $1.442695020e+00, v1;
	(erf) = vpow2.f32 v2;
	v3 =	vadd.f32 v57, v3  }
0x1f4: {  	v58 =	vpop (erf)  }
0x1f5: {  	(erf) = vpow2.f32 v1;
	v2 =	vadd.f32 v58, v3  }
0x1f6: {  	v59 =	vpop (erf)  }
0x1f7: {  	v1 =	vadd.f32 v59, v2  }
0x1f8: {  	v60 =	vpop (erf)  }
0x1f9: {  	v1 =	vadd.f32 v60, v1  }
0x1fa: {  	v61 =	vpop (erf)  }
0x1fb: {  	s18 =	sadd.s32 $0x1, s18;
	v1 =	vadd.f32 v61, v1  }
0x1fc: {  	p0 =	sne.s32 s18, $0xA;
	v62 =	vpop (erf)  }
.Ltmp8:
0x1fd: {  	v1 =	vadd.f32 v62, v1;
	(pc) =	sbr.rel @p0 .LBB2_2-.Ltmp8, $4  }
0x1fe: {  	v63 =	vpop (erf)  }
0x1ff: {  	v1 =	vadd.f32 v63, v1  }
0x200: {  	[tilespmem:s19+$0x10180] =	vst v0  }
0x201: {  	[tilespmem:s19+$0x11580] =	vst v1  }
0x202: {  	[hbm4b:s6+s3] =	stream.linear.scatter [tilespmem:s14], [sflag:$0x3], $0x1400, $0x38;
	[tilespmem:$0x12800] =	vst v63  }
0x203: {  	s17 =	sadd.s32 $0x1, s17;
	_ =	swait.ge [sflag:s15], $0x1400  }
0x204: {  	p0 =	sne.s32 s17, s8;
	[sflag:s15] =	ssyncset.done $0x0  }
.Ltmp9:
0x205: {  	[sflag:s15] =	ssyncadd.s32 $0xFFFFEC00;
	(pc) =	sbr.rel @p0 .LBB2_1-.Ltmp9, $4  }
0x206: {  	[hbm4b:s7+s3] =	stream.linear.scatter [tilespmem:s16], [sflag:$0x3], $0x1400, $0x38;
	[tilespmem:$0x12800] =	vst v63  }
0x207: {  	_ =	swait.ge [sflag:s15], $0x1400  }
0x208: {  	[sflag:s15] =	ssyncset.done $0x0  }
0x209: {  	[sflag:s15] =	ssyncadd.s32 $0xFFFFEC00  }
0x20a: {  	_ =	sfence.sel $0x180000  }
0x20b: {  	[bflag:$0x0] =	sbarrier.arrive $0xFFFF  }
0x20c: {  	p0 =	sne.s32 s0, $0x0;
	_ =	strace $0x90000047  }
0x20d: {  	s0 =	sadd.s32 @!p0 $0x100000, s1;
	[bflag:$0x2] =	sbarrier.arrive $0xFFFF  }
0x20e: {  	[sflag:s0] =	ssyncadd.tile.s32 @!p0 $0x1;
	_ =	shalt  }
.Lfunc_end2:
_tile_overlayer_lowered:
.L_overlay_start_2:
0x20f: {  	(tag) =	ssettag $0x2  }
0x210: {  	s0 =	rddreg [dreg:$0x0];
	s2 =	stileid.u32  }
0x211: {  	s1 =	rddreg [dreg:$0x1];
	p0 =	sne.s32 s2, $0x0  }
0x212: {  	s3 =	rddreg [dreg:$0x2];
	[bflag:$0x3] =	sbarrier.arrive $0xFFFF;
	s2 =	simm.s32 @!p0 $0x1C03  }
0x213: {  	[timem:s3], [sflag:s2] =	dma.local @!p0 [hbm:s0], s1  }
0x214: {  	s0 =	simm.s32 @!p0 $0x3  }
0x215: {  	_ =	swait.ge @!p0 [sflag:s0], s1  }
0x216: {  	s1 =	ssub.s32 @!p0 $0x0, s1;
	[sflag:s0] =	ssyncset.done @!p0 $0x0  }
0x217: {  	[sflag:s0] =	ssyncadd.s32 @!p0 s1  }
0x218: {  	[bflag:$0x3] =	sbarrier.arrive $0xFFFF  }
0x219: {  	_ =	shalt  }

</sc_bundles>
